<compile_context>
chip_gen: v7x
topology: tpu7x:2x2x1
jax: 0.10.2.dev20260603
libtpu: 0.0.44.dev20260713+nightly
codegen_flags: <defaults>
</compile_context>

<pallas_src>
import functools

import numpy as np
import jax
import jax.numpy as jnp
from jax import lax
from jax.experimental import pallas as pl
from jax.experimental.pallas import tpu as pltpu
from jax.experimental.pallas import tpu_sc as plsc

N_NODES = 10000
D_FEAT = 128
N_GRAPHS = 128
N_QUBITS = 4
N_LAYERS = 2

NC, NS, LANES = 2, 16, 16
NW = NC * NS
NPAD = 10240
RPT = NPAD // NS
E = 320000
CH = 128
EPW = 10240
NCHUNK = EPW // CH
EP = NW * EPW
NBUF = 8
DEG_NBUF = 4


def _zero_block(zb, d):
    @pl.loop(0, CH)
    def _(r):
        for j in range(d // LANES):
            zb[r, pl.ds(j * LANES, LANES)] = jnp.zeros((LANES,), jnp.float32)


def _fill_ones(zb, d):
    @pl.loop(0, CH)
    def _(r):
        for j in range(d // LANES):
            zb[r, pl.ds(j * LANES, LANES)] = jnp.ones((LANES,), jnp.float32)


_MESH = plsc.VectorSubcoreMesh(
    core_axis_name="c", subcore_axis_name="s", num_cores=NC, num_subcores=NS)
_SC_PARAMS = pltpu.CompilerParams(use_tc_tiling_on_sc=False)


def _make_deg_kernel():
    d = 16

    @functools.partial(
        pl.kernel,
        out_type=jax.ShapeDtypeStruct((NC, NPAD, d), jnp.float32),
        mesh=_MESH,
        compiler_params=_SC_PARAMS,
        scratch_types=[
            pltpu.VMEM((NCHUNK, CH), jnp.int32),
            pltpu.VMEM((CH, d), jnp.float32),
            pltpu.VMEM((CH, d), jnp.float32),
            pltpu.VMEM_SHARED((NPAD, d), jnp.float32),
        ] + [pltpu.SemaphoreType.DMA] * DEG_NBUF,
    )
    def deg_kernel(dst_hbm, out_hbm, dst_v, ones_v, zb_v, acc_sh, *sems):
        c = lax.axis_index("c")
        s = lax.axis_index("s")
        wid = c * NS + s
        _zero_block(zb_v, d)
        _fill_ones(ones_v, d)
        for k in range(RPT // CH):
            pltpu.sync_copy(zb_v, acc_sh.at[pl.ds(s * RPT + k * CH, CH)])
        pltpu.sync_copy(dst_hbm.at[wid], dst_v)
        plsc.subcore_barrier()

        @pl.loop(0, NCHUNK, step=DEG_NBUF)
        def _(t0):
            descs = []
            for b in range(DEG_NBUF):
                descs.append(pltpu.async_copy(
                    ones_v, acc_sh.at[dst_v.at[t0 + b]], sems[b], add=True))
            for b in range(DEG_NBUF):
                descs[b].wait()

        plsc.subcore_barrier()
        for k in range(RPT // CH):
            off = s * RPT + k * CH
            pltpu.sync_copy(acc_sh.at[pl.ds(off, CH)],
                            out_hbm.at[c, pl.ds(off, CH)])

    return deg_kernel


def _make_scatter_kernel(d):
    @functools.partial(
        pl.kernel,
        out_type=jax.ShapeDtypeStruct((NC, NPAD, d), jnp.float32),
        mesh=_MESH,
        compiler_params=_SC_PARAMS,
        scratch_types=[
            pltpu.VMEM((NCHUNK, CH), jnp.int32),
            pltpu.VMEM((NCHUNK, CH), jnp.int32),
            pltpu.VMEM((NBUF, CH, d), jnp.float32),
            pltpu.VMEM((CH, d), jnp.float32),
            pltpu.VMEM_SHARED((NPAD, d), jnp.float32),
        ] + [pltpu.SemaphoreType.DMA] * (2 * NBUF),
    )
    def scatter_kernel(g_hbm, src_hbm, dst_hbm, out_hbm,
                       src_v, dst_v, rows_v, zb_v, acc_sh, *sems):
        gsems, ssems = sems[:NBUF], sems[NBUF:]
        c = lax.axis_index("c")
        s = lax.axis_index("s")
        wid = c * NS + s
        _zero_block(zb_v, d)
        for k in range(RPT // CH):
            pltpu.sync_copy(zb_v, acc_sh.at[pl.ds(s * RPT + k * CH, CH)])
        pltpu.sync_copy(src_hbm.at[wid], src_v)
        pltpu.sync_copy(dst_hbm.at[wid], dst_v)
        plsc.subcore_barrier()

        @pl.loop(0, NCHUNK, step=NBUF)
        def _(t0):
            gds = []
            for b in range(NBUF):
                gds.append(pltpu.async_copy(
                    g_hbm.at[src_v.at[t0 + b]], rows_v.at[b], gsems[b]))
            sds = []
            for b in range(NBUF):
                gds[b].wait()
                sds.append(pltpu.async_copy(
                    rows_v.at[b], acc_sh.at[dst_v.at[t0 + b]], ssems[b],
                    add=True))
            for b in range(NBUF):
                sds[b].wait()

        plsc.subcore_barrier()
        for k in range(RPT // CH):
            off = s * RPT + k * CH
            pltpu.sync_copy(acc_sh.at[pl.ds(off, CH)],
                            out_hbm.at[c, pl.ds(off, CH)])

    return scatter_kernel


_deg_call = _make_deg_kernel()
_scat32 = _make_scatter_kernel(32)
_scat16 = _make_scatter_kernel(16)


def _dis_from(degp_ref):
    deg = degp_ref[0, :, 0:1] + degp_ref[1, :, 0:1] + 1.0
    return lax.rsqrt(deg)


def _tc1_body(x_ref, w1_ref, degp_ref, g1_ref):
    dis = _dis_from(degp_ref)
    h = jnp.dot(x_ref[...], w1_ref[...], preferred_element_type=jnp.float32)
    g1_ref[...] = h * dis


def _tc2_body(accp_ref, g1_ref, degp_ref, b1_ref, w2_ref, g2_ref):
    dis = _dis_from(degp_ref)
    z = (accp_ref[0] + accp_ref[1] + g1_ref[...]) * dis + b1_ref[...]
    h1 = jnp.maximum(z, 0.0)
    g2_ref[...] = jnp.dot(h1, w2_ref[...],
                          preferred_element_type=jnp.float32) * dis


def _tc3_body(accp_ref, g2_ref, degp_ref, b2_ref, batch_ref, pooled_ref):
    dis = _dis_from(degp_ref)
    z = (accp_ref[0] + accp_ref[1] + g2_ref[...]) * dis + b2_ref[...]
    h2 = jnp.maximum(z, 0.0)
    gi = lax.broadcasted_iota(jnp.int32, (N_GRAPHS, NPAD), 0)
    onehot = (batch_ref[...] == gi).astype(jnp.float32)
    sums = jnp.dot(onehot, h2, preferred_element_type=jnp.float32,
                   precision=lax.Precision.HIGHEST)
    counts = jnp.sum(onehot, axis=1, keepdims=True)
    pooled_ref[...] = sums / jnp.maximum(counts, 1.0)


_tc1 = pl.pallas_call(
    _tc1_body, out_shape=jax.ShapeDtypeStruct((NPAD, 32), jnp.float32))
_tc2 = pl.pallas_call(
    _tc2_body, out_shape=jax.ShapeDtypeStruct((NPAD, 16), jnp.float32))
_tc3 = pl.pallas_call(
    _tc3_body, out_shape=jax.ShapeDtypeStruct((N_GRAPHS, 16), jnp.float32))


def _q_apply_1q(state, u, wire):
    s = state.reshape((2,) * N_QUBITS)
    s = jnp.moveaxis(s, wire, 0)
    s = jnp.tensordot(u, s, axes=([1], [0]))
    s = jnp.moveaxis(s, 0, wire)
    return s.reshape(-1)


def _q_cnot(state, c, t):
    s = state.reshape((2,) * N_QUBITS)
    s = jnp.moveaxis(s, (c, t), (0, 1))
    s = jnp.stack([s[0], s[1][::-1]], axis=0)
    s = jnp.moveaxis(s, (0, 1), (c, t))
    return s.reshape(-1)


def _q_ry(t):
    c = jnp.cos(t / 2).astype(jnp.complex64)
    sn = jnp.sin(t / 2).astype(jnp.complex64)
    return jnp.stack([jnp.stack([c, -sn]), jnp.stack([sn, c])])


def _q_rz(t):
    p = jnp.exp(-0.5j * t).astype(jnp.complex64)
    m = jnp.exp(0.5j * t).astype(jnp.complex64)
    z = jnp.zeros((), jnp.complex64)
    return jnp.stack([jnp.stack([p, z]), jnp.stack([z, m])])


def _q_circuit(inputs, weights):
    s = jnp.zeros((2 ** N_QUBITS,), jnp.complex64).at[0].set(1.0)
    for i in range(N_QUBITS):
        s = _q_apply_1q(s, _q_ry(inputs[i]), i)
    for l in range(N_LAYERS):
        for i in range(N_QUBITS):
            s = _q_apply_1q(s, _q_ry(weights[l, i, 0]), i)
            s = _q_apply_1q(s, _q_rz(weights[l, i, 1]), i)
        for i in range(N_QUBITS):
            for j in range(i + 1, N_QUBITS):
                s = _q_cnot(s, i, j)
    probs = (s.real ** 2 + s.imag ** 2).reshape((2,) * N_QUBITS)
    evs = []
    for i in range(N_QUBITS):
        p = jnp.moveaxis(probs, i, 0)
        evs.append(jnp.sum(p[0]) - jnp.sum(p[1]))
    return jnp.stack(evs)


def kernel(x, edge_index, batch, W1, b1, W2, b2, Wp, bp, input_scale,
           quantum_scale, qweights, Wc1, bc1, Wc2, bc2):
    xp = jnp.zeros((NPAD, D_FEAT), jnp.float32).at[:N_NODES].set(x)
    pad_ids = (jnp.arange(EP - E, dtype=jnp.int32) % (NPAD - N_NODES)
               ) + N_NODES
    srcp = jnp.concatenate([edge_index[0], pad_ids]).reshape(NW, NCHUNK, CH)
    dstp = jnp.concatenate([edge_index[1], pad_ids]).reshape(NW, NCHUNK, CH)
    batchp = jnp.full((1, NPAD), N_GRAPHS, jnp.int32).at[0, :N_NODES].set(
        batch)

    degp = _deg_call(dstp)
    g1 = _tc1(xp, W1, degp)
    acc1 = _scat32(g1, srcp, dstp)
    g2 = _tc2(acc1, g1, degp, b1.reshape(1, 32), W2)
    acc2 = _scat16(g2, srcp, dstp)
    pooled = _tc3(acc2, g2, degp, b2.reshape(1, 16), batchp)

    q_in = jnp.tanh(pooled @ Wp + bp) * input_scale
    q_out = jax.vmap(_q_circuit, in_axes=(0, None))(q_in, qweights)
    q_out = q_out.astype(jnp.float32) * quantum_scale
    hid = jax.nn.relu(q_out @ Wc1 + bc1)
    return hid @ Wc2 + bc2

# --- scband reference (transcript-rebuilt; emitter-appended) ---
"""Pipeline reference for scband-quantum-only-39565238731108 (READ-ONLY COPY).

The authoritative reference and input builder live on the scoring server;
editing this copy changes nothing except your own understanding.
"""

import jax, jax.numpy as jnp
import numpy as np

N_NODES = 10000
N_EDGES = 320000
D_FEAT = 128
N_GRAPHS = 128
N_QUBITS = 4
N_LAYERS = 2


def setup_inputs(seed: int = 0):
    key = jax.random.key(seed)
    ks = jax.random.split(key, 16)
    inp = {}
    inp["x"] = jax.random.normal(ks[0], (N_NODES, D_FEAT), dtype=jnp.float32)
    inp["edge_index"] = jax.random.randint(ks[1], (2, N_EDGES), 0, N_NODES, dtype=jnp.int32)
    inp["batch"] = jnp.sort(jax.random.randint(ks[2], (N_NODES,), 0, N_GRAPHS, dtype=jnp.int32))
    inp["W1"] = jax.random.normal(ks[3], (D_FEAT, 32), dtype=jnp.float32) * 0.05
    inp["b1"] = jnp.zeros((32,), jnp.float32)
    inp["W2"] = jax.random.normal(ks[4], (32, 16), dtype=jnp.float32) * 0.1
    inp["b2"] = jnp.zeros((16,), jnp.float32)
    inp["Wp"] = jax.random.normal(ks[5], (16, N_QUBITS), dtype=jnp.float32) * 0.2
    inp["bp"] = jnp.zeros((N_QUBITS,), jnp.float32)
    inp["input_scale"] = jnp.float32(3.14159)
    inp["quantum_scale"] = jnp.float32(5.0)
    inp["qweights"] = jax.random.uniform(ks[6], (N_LAYERS, N_QUBITS, 2), dtype=jnp.float32, minval=0.0, maxval=2.0 * np.pi)
    inp["Wc1"] = jax.random.normal(ks[7], (N_QUBITS, 16), dtype=jnp.float32) * 0.3
    inp["bc1"] = jnp.zeros((16,), jnp.float32)
    inp["Wc2"] = jax.random.normal(ks[8], (16, 1), dtype=jnp.float32) * 0.3
    inp["bc2"] = jnp.zeros((1,), jnp.float32)
    return inp


def _apply_1q(state, U, wire):
    s = state.reshape((2,) * N_QUBITS)
    s = jnp.moveaxis(s, wire, 0)
    s = jnp.tensordot(U, s, axes=([1], [0]))
    s = jnp.moveaxis(s, 0, wire)
    return s.reshape(-1)


def _cnot(state, c, t):
    s = state.reshape((2,) * N_QUBITS)
    s = jnp.moveaxis(s, (c, t), (0, 1))
    s = jnp.stack([s[0], s[1][::-1]], axis=0)
    s = jnp.moveaxis(s, (0, 1), (c, t))
    return s.reshape(-1)


def _ry(t):
    c = jnp.cos(t / 2).astype(jnp.complex64)
    sn = jnp.sin(t / 2).astype(jnp.complex64)
    return jnp.stack([jnp.stack([c, -sn]), jnp.stack([sn, c])])


def _rz(t):
    p = jnp.exp(-0.5j * t).astype(jnp.complex64)
    m = jnp.exp(0.5j * t).astype(jnp.complex64)
    z = jnp.zeros((), jnp.complex64)
    return jnp.stack([jnp.stack([p, z]), jnp.stack([z, m])])


def _circuit(inputs, weights):
    s = jnp.zeros((2 ** N_QUBITS,), jnp.complex64).at[0].set(1.0)
    for i in range(N_QUBITS):
        s = _apply_1q(s, _ry(inputs[i]), i)
    for l in range(N_LAYERS):
        for i in range(N_QUBITS):
            s = _apply_1q(s, _ry(weights[l, i, 0]), i)
            s = _apply_1q(s, _rz(weights[l, i, 1]), i)
        for i in range(N_QUBITS):
            for j in range(i + 1, N_QUBITS):
                s = _cnot(s, i, j)
    probs = (s.real ** 2 + s.imag ** 2).reshape((2,) * N_QUBITS)
    evs = []
    for i in range(N_QUBITS):
        p = jnp.moveaxis(probs, i, 0)
        evs.append(jnp.sum(p[0]) - jnp.sum(p[1]))
    return jnp.stack(evs)


def _gcn_conv(x, src, dst, W, b):
    n = x.shape[0]
    deg = jnp.zeros((n,), jnp.float32).at[dst].add(1.0)
    dis = jnp.where(deg > 0, deg ** -0.5, 0.0)
    norm = dis[src] * dis[dst]
    h = x @ W
    msg = h[src] * norm[:, None]
    out = jnp.zeros((n, h.shape[1]), jnp.float32).at[dst].add(msg)
    return out + b


def reference(x, edge_index, batch, W1, b1, W2, b2, Wp, bp, input_scale, quantum_scale, qweights, Wc1, bc1, Wc2, bc2):
    n = x.shape[0]
    loop = jnp.arange(n, dtype=edge_index.dtype)
    src = jnp.concatenate([edge_index[0], loop])
    dst = jnp.concatenate([edge_index[1], loop])
    h = jax.nn.relu(_gcn_conv(x, src, dst, W1, b1))
    h = jax.nn.relu(_gcn_conv(h, src, dst, W2, b2))
    sums = jnp.zeros((N_GRAPHS, h.shape[1]), jnp.float32).at[batch].add(h)
    counts = jnp.zeros((N_GRAPHS,), jnp.float32).at[batch].add(1.0)
    pooled = sums / jnp.maximum(counts, 1.0)[:, None]
    q_in = jnp.tanh(pooled @ Wp + bp) * input_scale
    q_out = jax.vmap(_circuit, in_axes=(0, None))(q_in, qweights)
    q_out = q_out.astype(jnp.float32) * quantum_scale
    hid = jax.nn.relu(q_out @ Wc1 + bc1)
    return hid @ Wc2 + bc2

if __name__ == "__main__":
    import jax
    _d = setup_inputs()
    print(jax.jit(kernel)(*tuple(_d.values())))

</pallas_src>

<mosaic_0001>
#map = affine_map<(d0, d1) -> (0, 0)>
#map1 = affine_map<(d0, d1) -> (0, 0, 0)>
module attributes {stable_mosaic.version = 14 : i64} {
  func.func @scatter_kernel(%arg0: i32, %arg1: i32, %arg2: memref<10240x32xf32, #tpu.memory_space<hbm>>, %arg3: memref<32x80x128xi32, #tpu.memory_space<hbm>>, %arg4: memref<32x80x128xi32, #tpu.memory_space<hbm>>, %arg5: memref<2x10240x32xf32, #tpu.memory_space<hbm>>, %arg6: memref<80x128xi32, #tpu.memory_space<vmem>>, %arg7: memref<80x128xi32, #tpu.memory_space<vmem>>, %arg8: memref<8x128x32xf32, #tpu.memory_space<vmem>>, %arg9: memref<128x32xf32, #tpu.memory_space<vmem>>, %arg10: memref<10240x32xf32, #tpu.memory_space<vmem_shared>>, %arg11: memref<!tpu.dma_semaphore, #tpu.memory_space<semaphore_mem>>, %arg12: memref<!tpu.dma_semaphore, #tpu.memory_space<semaphore_mem>>, %arg13: memref<!tpu.dma_semaphore, #tpu.memory_space<semaphore_mem>>, %arg14: memref<!tpu.dma_semaphore, #tpu.memory_space<semaphore_mem>>, %arg15: memref<!tpu.dma_semaphore, #tpu.memory_space<semaphore_mem>>, %arg16: memref<!tpu.dma_semaphore, #tpu.memory_space<semaphore_mem>>, %arg17: memref<!tpu.dma_semaphore, #tpu.memory_space<semaphore_mem>>, %arg18: memref<!tpu.dma_semaphore, #tpu.memory_space<semaphore_mem>>, %arg19: memref<!tpu.dma_semaphore, #tpu.memory_space<semaphore_mem>>, %arg20: memref<!tpu.dma_semaphore, #tpu.memory_space<semaphore_mem>>, %arg21: memref<!tpu.dma_semaphore, #tpu.memory_space<semaphore_mem>>, %arg22: memref<!tpu.dma_semaphore, #tpu.memory_space<semaphore_mem>>, %arg23: memref<!tpu.dma_semaphore, #tpu.memory_space<semaphore_mem>>, %arg24: memref<!tpu.dma_semaphore, #tpu.memory_space<semaphore_mem>>, %arg25: memref<!tpu.dma_semaphore, #tpu.memory_space<semaphore_mem>>, %arg26: memref<!tpu.dma_semaphore, #tpu.memory_space<semaphore_mem>>) attributes {dimension_semantics = [#tpu.dimension_semantics<core_parallel>, #tpu.dimension_semantics<subcore_parallel>], iteration_bounds = array<i64: 2, 16>, scalar_prefetch = 0 : i64, scratch_operands = 21 : i64, tpu.core_type = #tpu.core_type<sc_vector_subcore>, window_params = [{transform_indices = #map}, {transform_indices = #map1}, {transform_indices = #map1}, {transform_indices = #map1}]} {
    %mul3A = arith.constant 16 : i32
    %mul3A_0 = arith.muli %arg0, %mul3A : i32
    %add3A = arith.addi %mul3A_0, %arg1 : i32
    %scan3A = arith.constant 0 : i32
    %scan3A_1 = arith.constant 128 : i32
    %scan3A_2 = arith.addi %scan3A, %scan3A_1 : i32
    %scan3A_3 = arith.constant 1 : i32
    scf.for %scan3A_51 = %scan3A to %scan3A_2 step %scan3A_3  : i32 {
      %mul3A_52 = arith.constant 1 : i32
      %mul3A_53 = arith.muli %scan3A_51, %mul3A_52 : i32
      %add3A_54 = arith.constant 0 : i32
      %add3A_55 = arith.addi %add3A_54, %mul3A_53 : i32
      %broadcast_in_dim3A = arith.constant 0.000000e+00 : f32
      %broadcast_in_dim3A_56 = vector.broadcast %broadcast_in_dim3A : f32 to vector<16xf32>
      %swap3A = arith.index_cast %add3A_55 : i32 to index
      %swap3A_57 = arith.constant 0 : index
      %swap3A_58 = tpu.vector_load %arg9[%swap3A, %swap3A_57] {strides = array<i32>} : memref<128x32xf32, #tpu.memory_space<vmem>>, vector<1x16xf32>,
      %swap3A_59 = vector.shape_cast %swap3A_58 : vector<1x16xf32> to vector<16xf32>
      %swap3A_60 = vector.shape_cast %broadcast_in_dim3A_56 : vector<16xf32> to vector<1x16xf32>
      tpu.vector_store %arg9[%swap3A, %swap3A_57], %swap3A_60 {strides = array<i32>} : memref<128x32xf32, #tpu.memory_space<vmem>>, vector<1x16xf32>,
      %broadcast_in_dim3A_61 = arith.constant 0.000000e+00 : f32
      %broadcast_in_dim3A_62 = vector.broadcast %broadcast_in_dim3A_61 : f32 to vector<16xf32>
      %swap3A_63 = arith.index_cast %add3A_55 : i32 to index
      %swap3A_64 = arith.constant 16 : index
      %swap3A_65 = tpu.vector_load %arg9[%swap3A_63, %swap3A_64] {strides = array<i32>} : memref<128x32xf32, #tpu.memory_space<vmem>>, vector<1x16xf32>,
      %swap3A_66 = vector.shape_cast %swap3A_65 : vector<1x16xf32> to vector<16xf32>
      %swap3A_67 = vector.shape_cast %broadcast_in_dim3A_62 : vector<16xf32> to vector<1x16xf32>
      tpu.vector_store %arg9[%swap3A_63, %swap3A_64], %swap3A_67 {strides = array<i32>} : memref<128x32xf32, #tpu.memory_space<vmem>>, vector<1x16xf32>,
    }
    %scan3A_4 = arith.constant 128 : i32
    %mul3A_5 = arith.constant 640 : i32
    %mul3A_6 = arith.muli %arg1, %mul3A_5 : i32
    %add3A_7 = arith.constant 0 : i32
    %add3A_8 = arith.addi %mul3A_6, %add3A_7 : i32
    "tpu.region"() ({
      %run_scoped3A = tpu.sem_alloc : memref<!tpu.dma_semaphore, #tpu.memory_space<semaphore_mem>>
      %dma_start3A = arith.constant 0 : i32
      %dma_start3A_51 = tpu.memref_slice %arg10[%add3A_8, %dma_start3A] : memref<10240x32xf32, #tpu.memory_space<vmem_shared>> -> memref<128x32xf32, #tpu.memory_space<vmem_shared>>
      %dma_start3A_52 = arith.constant 0 : i32
      %dma_start3A_53 = tpu.memref_slice %arg10[%add3A_8, %dma_start3A_52] : memref<10240x32xf32, #tpu.memory_space<vmem_shared>> -> memref<128x32xf32, #tpu.memory_space<vmem_shared>>
      tpu.enqueue_dma source(%arg9 : memref<128x32xf32, #tpu.memory_space<vmem>>) target(%dma_start3A_53 : memref<128x32xf32, #tpu.memory_space<vmem_shared>>) target_semaphore(%run_scoped3A : memref<!tpu.dma_semaphore, #tpu.memory_space<semaphore_mem>>)
      %dma_wait3A = arith.constant 0 : i32
      %dma_wait3A_54 = tpu.memref_slice %arg10[%add3A_8, %dma_wait3A] : memref<10240x32xf32, #tpu.memory_space<vmem_shared>> -> memref<128x32xf32, #tpu.memory_space<vmem_shared>>
      %dma_wait3A_55 = arith.constant 0 : i32
      %dma_wait3A_56 = tpu.memref_slice %arg10[%add3A_8, %dma_wait3A_55] : memref<10240x32xf32, #tpu.memory_space<vmem_shared>> -> memref<128x32xf32, #tpu.memory_space<vmem_shared>>
      tpu.wait_dma2 semaphore(%run_scoped3A : memref<!tpu.dma_semaphore, #tpu.memory_space<semaphore_mem>>) src(%arg9 : memref<128x32xf32, #tpu.memory_space<vmem>>) dst(%dma_wait3A_56 : memref<128x32xf32, #tpu.memory_space<vmem_shared>>)
      tpu.yield
    }) : () -> ()
    %mul3A_9 = arith.constant 640 : i32
    %mul3A_10 = arith.muli %arg1, %mul3A_9 : i32
    %add3A_11 = arith.constant 128 : i32
    %add3A_12 = arith.addi %mul3A_10, %add3A_11 : i32
    "tpu.region"() ({
      %run_scoped3A = tpu.sem_alloc : memref<!tpu.dma_semaphore, #tpu.memory_space<semaphore_mem>>
      %dma_start3A = arith.constant 0 : i32
      %dma_start3A_51 = tpu.memref_slice %arg10[%add3A_12, %dma_start3A] : memref<10240x32xf32, #tpu.memory_space<vmem_shared>> -> memref<128x32xf32, #tpu.memory_space<vmem_shared>>
      %dma_start3A_52 = arith.constant 0 : i32
      %dma_start3A_53 = tpu.memref_slice %arg10[%add3A_12, %dma_start3A_52] : memref<10240x32xf32, #tpu.memory_space<vmem_shared>> -> memref<128x32xf32, #tpu.memory_space<vmem_shared>>
      tpu.enqueue_dma source(%arg9 : memref<128x32xf32, #tpu.memory_space<vmem>>) target(%dma_start3A_53 : memref<128x32xf32, #tpu.memory_space<vmem_shared>>) target_semaphore(%run_scoped3A : memref<!tpu.dma_semaphore, #tpu.memory_space<semaphore_mem>>)
      %dma_wait3A = arith.constant 0 : i32
      %dma_wait3A_54 = tpu.memref_slice %arg10[%add3A_12, %dma_wait3A] : memref<10240x32xf32, #tpu.memory_space<vmem_shared>> -> memref<128x32xf32, #tpu.memory_space<vmem_shared>>
      %dma_wait3A_55 = arith.constant 0 : i32
      %dma_wait3A_56 = tpu.memref_slice %arg10[%add3A_12, %dma_wait3A_55] : memref<10240x32xf32, #tpu.memory_space<vmem_shared>> -> memref<128x32xf32, #tpu.memory_space<vmem_shared>>
      tpu.wait_dma2 semaphore(%run_scoped3A : memref<!tpu.dma_semaphore, #tpu.memory_space<semaphore_mem>>) src(%arg9 : memref<128x32xf32, #tpu.memory_space<vmem>>) dst(%dma_wait3A_56 : memref<128x32xf32, #tpu.memory_space<vmem_shared>>)
      tpu.yield
    }) : () -> ()
    %mul3A_13 = arith.constant 640 : i32
    %mul3A_14 = arith.muli %arg1, %mul3A_13 : i32
    %add3A_15 = arith.constant 256 : i32
    %add3A_16 = arith.addi %mul3A_14, %add3A_15 : i32
    "tpu.region"() ({
      %run_scoped3A = tpu.sem_alloc : memref<!tpu.dma_semaphore, #tpu.memory_space<semaphore_mem>>
      %dma_start3A = arith.constant 0 : i32
      %dma_start3A_51 = tpu.memref_slice %arg10[%add3A_16, %dma_start3A] : memref<10240x32xf32, #tpu.memory_space<vmem_shared>> -> memref<128x32xf32, #tpu.memory_space<vmem_shared>>
      %dma_start3A_52 = arith.constant 0 : i32
      %dma_start3A_53 = tpu.memref_slice %arg10[%add3A_16, %dma_start3A_52] : memref<10240x32xf32, #tpu.memory_space<vmem_shared>> -> memref<128x32xf32, #tpu.memory_space<vmem_shared>>
      tpu.enqueue_dma source(%arg9 : memref<128x32xf32, #tpu.memory_space<vmem>>) target(%dma_start3A_53 : memref<128x32xf32, #tpu.memory_space<vmem_shared>>) target_semaphore(%run_scoped3A : memref<!tpu.dma_semaphore, #tpu.memory_space<semaphore_mem>>)
      %dma_wait3A = arith.constant 0 : i32
      %dma_wait3A_54 = tpu.memref_slice %arg10[%add3A_16, %dma_wait3A] : memref<10240x32xf32, #tpu.memory_space<vmem_shared>> -> memref<128x32xf32, #tpu.memory_space<vmem_shared>>
      %dma_wait3A_55 = arith.constant 0 : i32
      %dma_wait3A_56 = tpu.memref_slice %arg10[%add3A_16, %dma_wait3A_55] : memref<10240x32xf32, #tpu.memory_space<vmem_shared>> -> memref<128x32xf32, #tpu.memory_space<vmem_shared>>
      tpu.wait_dma2 semaphore(%run_scoped3A : memref<!tpu.dma_semaphore, #tpu.memory_space<semaphore_mem>>) src(%arg9 : memref<128x32xf32, #tpu.memory_space<vmem>>) dst(%dma_wait3A_56 : memref<128x32xf32, #tpu.memory_space<vmem_shared>>)
      tpu.yield
    }) : () -> ()
    %mul3A_17 = arith.constant 640 : i32
    %mul3A_18 = arith.muli %arg1, %mul3A_17 : i32
    %add3A_19 = arith.constant 384 : i32
    %add3A_20 = arith.addi %mul3A_18, %add3A_19 : i32
    "tpu.region"() ({
      %run_scoped3A = tpu.sem_alloc : memref<!tpu.dma_semaphore, #tpu.memory_space<semaphore_mem>>
      %dma_start3A = arith.constant 0 : i32
      %dma_start3A_51 = tpu.memref_slice %arg10[%add3A_20, %dma_start3A] : memref<10240x32xf32, #tpu.memory_space<vmem_shared>> -> memref<128x32xf32, #tpu.memory_space<vmem_shared>>
      %dma_start3A_52 = arith.constant 0 : i32
      %dma_start3A_53 = tpu.memref_slice %arg10[%add3A_20, %dma_start3A_52] : memref<10240x32xf32, #tpu.memory_space<vmem_shared>> -> memref<128x32xf32, #tpu.memory_space<vmem_shared>>
      tpu.enqueue_dma source(%arg9 : memref<128x32xf32, #tpu.memory_space<vmem>>) target(%dma_start3A_53 : memref<128x32xf32, #tpu.memory_space<vmem_shared>>) target_semaphore(%run_scoped3A : memref<!tpu.dma_semaphore, #tpu.memory_space<semaphore_mem>>)
      %dma_wait3A = arith.constant 0 : i32
      %dma_wait3A_54 = tpu.memref_slice %arg10[%add3A_20, %dma_wait3A] : memref<10240x32xf32, #tpu.memory_space<vmem_shared>> -> memref<128x32xf32, #tpu.memory_space<vmem_shared>>
      %dma_wait3A_55 = arith.constant 0 : i32
      %dma_wait3A_56 = tpu.memref_slice %arg10[%add3A_20, %dma_wait3A_55] : memref<10240x32xf32, #tpu.memory_space<vmem_shared>> -> memref<128x32xf32, #tpu.memory_space<vmem_shared>>
      tpu.wait_dma2 semaphore(%run_scoped3A : memref<!tpu.dma_semaphore, #tpu.memory_space<semaphore_mem>>) src(%arg9 : memref<128x32xf32, #tpu.memory_space<vmem>>) dst(%dma_wait3A_56 : memref<128x32xf32, #tpu.memory_space<vmem_shared>>)
      tpu.yield
    }) : () -> ()
    %mul3A_21 = arith.constant 640 : i32
    %mul3A_22 = arith.muli %arg1, %mul3A_21 : i32
    %add3A_23 = arith.constant 512 : i32
    %add3A_24 = arith.addi %mul3A_22, %add3A_23 : i32
    "tpu.region"() ({
      %run_scoped3A = tpu.sem_alloc : memref<!tpu.dma_semaphore, #tpu.memory_space<semaphore_mem>>
      %dma_start3A = arith.constant 0 : i32
      %dma_start3A_51 = tpu.memref_slice %arg10[%add3A_24, %dma_start3A] : memref<10240x32xf32, #tpu.memory_space<vmem_shared>> -> memref<128x32xf32, #tpu.memory_space<vmem_shared>>
      %dma_start3A_52 = arith.constant 0 : i32
      %dma_start3A_53 = tpu.memref_slice %arg10[%add3A_24, %dma_start3A_52] : memref<10240x32xf32, #tpu.memory_space<vmem_shared>> -> memref<128x32xf32, #tpu.memory_space<vmem_shared>>
      tpu.enqueue_dma source(%arg9 : memref<128x32xf32, #tpu.memory_space<vmem>>) target(%dma_start3A_53 : memref<128x32xf32, #tpu.memory_space<vmem_shared>>) target_semaphore(%run_scoped3A : memref<!tpu.dma_semaphore, #tpu.memory_space<semaphore_mem>>)
      %dma_wait3A = arith.constant 0 : i32
      %dma_wait3A_54 = tpu.memref_slice %arg10[%add3A_24, %dma_wait3A] : memref<10240x32xf32, #tpu.memory_space<vmem_shared>> -> memref<128x32xf32, #tpu.memory_space<vmem_shared>>
      %dma_wait3A_55 = arith.constant 0 : i32
      %dma_wait3A_56 = tpu.memref_slice %arg10[%add3A_24, %dma_wait3A_55] : memref<10240x32xf32, #tpu.memory_space<vmem_shared>> -> memref<128x32xf32, #tpu.memory_space<vmem_shared>>
      tpu.wait_dma2 semaphore(%run_scoped3A : memref<!tpu.dma_semaphore, #tpu.memory_space<semaphore_mem>>) src(%arg9 : memref<128x32xf32, #tpu.memory_space<vmem>>) dst(%dma_wait3A_56 : memref<128x32xf32, #tpu.memory_space<vmem_shared>>)
      tpu.yield
    }) : () -> ()
    "tpu.region"() ({
      %run_scoped3A = tpu.sem_alloc : memref<!tpu.dma_semaphore, #tpu.memory_space<semaphore_mem>>
      %dma_start3A = arith.constant 0 : i32
      %dma_start3A_51 = arith.constant 0 : i32
      %dma_start3A_52 = tpu.memref_slice %arg3[%add3A, %dma_start3A, %dma_start3A_51] : memref<32x80x128xi32, #tpu.memory_space<hbm>> -> memref<1x80x128xi32, #tpu.memory_space<hbm>>
      %dma_start3A_53 = tpu.memref_squeeze %dma_start3A_52 : memref<1x80x128xi32, #tpu.memory_space<hbm>> -> memref<80x128xi32, #tpu.memory_space<hbm>>
      %dma_start3A_54 = arith.constant 0 : i32
      %dma_start3A_55 = arith.constant 0 : i32
      %dma_start3A_56 = tpu.memref_slice %arg3[%add3A, %dma_start3A_54, %dma_start3A_55] : memref<32x80x128xi32, #tpu.memory_space<hbm>> -> memref<1x80x128xi32, #tpu.memory_space<hbm>>
      %dma_start3A_57 = tpu.memref_squeeze %dma_start3A_56 : memref<1x80x128xi32, #tpu.memory_space<hbm>> -> memref<80x128xi32, #tpu.memory_space<hbm>>
      tpu.enqueue_dma source(%dma_start3A_57 : memref<80x128xi32, #tpu.memory_space<hbm>>) target(%arg6 : memref<80x128xi32, #tpu.memory_space<vmem>>) target_semaphore(%run_scoped3A : memref<!tpu.dma_semaphore, #tpu.memory_space<semaphore_mem>>)
      %dma_wait3A = arith.constant 0 : i32
      %dma_wait3A_58 = arith.constant 0 : i32
      %dma_wait3A_59 = tpu.memref_slice %arg3[%add3A, %dma_wait3A, %dma_wait3A_58] : memref<32x80x128xi32, #tpu.memory_space<hbm>> -> memref<1x80x128xi32, #tpu.memory_space<hbm>>
      %dma_wait3A_60 = tpu.memref_squeeze %dma_wait3A_59 : memref<1x80x128xi32, #tpu.memory_space<hbm>> -> memref<80x128xi32, #tpu.memory_space<hbm>>
      %dma_wait3A_61 = arith.constant 0 : i32
      %dma_wait3A_62 = arith.constant 0 : i32
      %dma_wait3A_63 = tpu.memref_slice %arg3[%add3A, %dma_wait3A_61, %dma_wait3A_62] : memref<32x80x128xi32, #tpu.memory_space<hbm>> -> memref<1x80x128xi32, #tpu.memory_space<hbm>>
      %dma_wait3A_64 = tpu.memref_squeeze %dma_wait3A_63 : memref<1x80x128xi32, #tpu.memory_space<hbm>> -> memref<80x128xi32, #tpu.memory_space<hbm>>
      tpu.wait_dma2 semaphore(%run_scoped3A : memref<!tpu.dma_semaphore, #tpu.memory_space<semaphore_mem>>) src(%dma_wait3A_64 : memref<80x128xi32, #tpu.memory_space<hbm>>) dst(%arg6 : memref<80x128xi32, #tpu.memory_space<vmem>>)
      tpu.yield
    }) : () -> ()
    "tpu.region"() ({
      %run_scoped3A = tpu.sem_alloc : memref<!tpu.dma_semaphore, #tpu.memory_space<semaphore_mem>>
      %dma_start3A = arith.constant 0 : i32
      %dma_start3A_51 = arith.constant 0 : i32
      %dma_start3A_52 = tpu.memref_slice %arg4[%add3A, %dma_start3A, %dma_start3A_51] : memref<32x80x128xi32, #tpu.memory_space<hbm>> -> memref<1x80x128xi32, #tpu.memory_space<hbm>>
      %dma_start3A_53 = tpu.memref_squeeze %dma_start3A_52 : memref<1x80x128xi32, #tpu.memory_space<hbm>> -> memref<80x128xi32, #tpu.memory_space<hbm>>
      %dma_start3A_54 = arith.constant 0 : i32
      %dma_start3A_55 = arith.constant 0 : i32
      %dma_start3A_56 = tpu.memref_slice %arg4[%add3A, %dma_start3A_54, %dma_start3A_55] : memref<32x80x128xi32, #tpu.memory_space<hbm>> -> memref<1x80x128xi32, #tpu.memory_space<hbm>>
      %dma_start3A_57 = tpu.memref_squeeze %dma_start3A_56 : memref<1x80x128xi32, #tpu.memory_space<hbm>> -> memref<80x128xi32, #tpu.memory_space<hbm>>
      tpu.enqueue_dma source(%dma_start3A_57 : memref<80x128xi32, #tpu.memory_space<hbm>>) target(%arg7 : memref<80x128xi32, #tpu.memory_space<vmem>>) target_semaphore(%run_scoped3A : memref<!tpu.dma_semaphore, #tpu.memory_space<semaphore_mem>>)
      %dma_wait3A = arith.constant 0 : i32
      %dma_wait3A_58 = arith.constant 0 : i32
      %dma_wait3A_59 = tpu.memref_slice %arg4[%add3A, %dma_wait3A, %dma_wait3A_58] : memref<32x80x128xi32, #tpu.memory_space<hbm>> -> memref<1x80x128xi32, #tpu.memory_space<hbm>>
      %dma_wait3A_60 = tpu.memref_squeeze %dma_wait3A_59 : memref<1x80x128xi32, #tpu.memory_space<hbm>> -> memref<80x128xi32, #tpu.memory_space<hbm>>
      %dma_wait3A_61 = arith.constant 0 : i32
      %dma_wait3A_62 = arith.constant 0 : i32
      %dma_wait3A_63 = tpu.memref_slice %arg4[%add3A, %dma_wait3A_61, %dma_wait3A_62] : memref<32x80x128xi32, #tpu.memory_space<hbm>> -> memref<1x80x128xi32, #tpu.memory_space<hbm>>
      %dma_wait3A_64 = tpu.memref_squeeze %dma_wait3A_63 : memref<1x80x128xi32, #tpu.memory_space<hbm>> -> memref<80x128xi32, #tpu.memory_space<hbm>>
      tpu.wait_dma2 semaphore(%run_scoped3A : memref<!tpu.dma_semaphore, #tpu.memory_space<semaphore_mem>>) src(%dma_wait3A_64 : memref<80x128xi32, #tpu.memory_space<hbm>>) dst(%arg7 : memref<80x128xi32, #tpu.memory_space<vmem>>)
      tpu.yield
    }) : () -> ()
    %barrier3A = arith.constant 0 : index
    tpu.barrier barrier_id(%barrier3A)
    %scan3A_25 = arith.constant 0 : i32
    %scan3A_26 = arith.constant 10 : i32
    %scan3A_27 = arith.addi %scan3A_25, %scan3A_26 : i32
    %scan3A_28 = arith.constant 1 : i32
    scf.for %scan3A_51 = %scan3A_25 to %scan3A_27 step %scan3A_28  : i32 {
      %mul3A_52 = arith.constant 8 : i32
      %mul3A_53 = arith.muli %scan3A_51, %mul3A_52 : i32
      %add3A_54 = arith.constant 0 : i32
      %add3A_55 = arith.addi %add3A_54, %mul3A_53 : i32
      %add3A_56 = arith.constant 0 : i32
      %add3A_57 = arith.addi %add3A_55, %add3A_56 : i32
      %dma_start3A = arith.constant 0 : i32
      %dma_start3A_58 = arith.constant 0 : i32
      %dma_start3A_59 = arith.constant 0 : i32
      %dma_start3A_60 = tpu.memref_slice %arg8[%dma_start3A, %dma_start3A_58, %dma_start3A_59] : memref<8x128x32xf32, #tpu.memory_space<vmem>> -> memref<1x128x32xf32, #tpu.memory_space<vmem>>
      %dma_start3A_61 = tpu.memref_squeeze %dma_start3A_60 : memref<1x128x32xf32, #tpu.memory_space<vmem>> -> memref<128x32xf32, #tpu.memory_space<vmem>>
      %dma_start3A_62 = arith.constant 0 : i32
      %dma_start3A_63 = tpu.memref_slice %arg6[%add3A_57, %dma_start3A_62] : memref<80x128xi32, #tpu.memory_space<vmem>> -> memref<1x128xi32, #tpu.memory_space<vmem>>
      %dma_start3A_64 = tpu.memref_squeeze %dma_start3A_63 : memref<1x128xi32, #tpu.memory_space<vmem>> -> memref<128xi32, #tpu.memory_space<vmem>>
      %dma_start3A_65 = arith.constant 0 : i32
      %dma_start3A_66 = arith.constant 0 : i32
      %dma_start3A_67 = tpu.memref_slice %arg2[%dma_start3A_65, %dma_start3A_66] : memref<10240x32xf32, #tpu.memory_space<hbm>> -> memref<10240x32xf32, #tpu.memory_space<hbm>>
      tpu.enqueue_indirect_dma source(%dma_start3A_67 : memref<10240x32xf32, #tpu.memory_space<hbm>>) target(%dma_start3A_61 : memref<128x32xf32, #tpu.memory_space<vmem>>) offsets(%dma_start3A_64 : memref<128xi32, #tpu.memory_space<vmem>>) semaphore(%arg11 : memref<!tpu.dma_semaphore, #tpu.memory_space<semaphore_mem>>)
      %add3A_68 = arith.constant 1 : i32
      %add3A_69 = arith.addi %add3A_55, %add3A_68 : i32
      %dma_start3A_70 = arith.constant 1 : i32
      %dma_start3A_71 = arith.constant 0 : i32
      %dma_start3A_72 = arith.constant 0 : i32
      %dma_start3A_73 = tpu.memref_slice %arg8[%dma_start3A_70, %dma_start3A_71, %dma_start3A_72] : memref<8x128x32xf32, #tpu.memory_space<vmem>> -> memref<1x128x32xf32, #tpu.memory_space<vmem>>
      %dma_start3A_74 = tpu.memref_squeeze %dma_start3A_73 : memref<1x128x32xf32, #tpu.memory_space<vmem>> -> memref<128x32xf32, #tpu.memory_space<vmem>>
      %dma_start3A_75 = arith.constant 0 : i32
      %dma_start3A_76 = tpu.memref_slice %arg6[%add3A_69, %dma_start3A_75] : memref<80x128xi32, #tpu.memory_space<vmem>> -> memref<1x128xi32, #tpu.memory_space<vmem>>
      %dma_start3A_77 = tpu.memref_squeeze %dma_start3A_76 : memref<1x128xi32, #tpu.memory_space<vmem>> -> memref<128xi32, #tpu.memory_space<vmem>>
      %dma_start3A_78 = arith.constant 0 : i32
      %dma_start3A_79 = arith.constant 0 : i32
      %dma_start3A_80 = tpu.memref_slice %arg2[%dma_start3A_78, %dma_start3A_79] : memref<10240x32xf32, #tpu.memory_space<hbm>> -> memref<10240x32xf32, #tpu.memory_space<hbm>>
      tpu.enqueue_indirect_dma source(%dma_start3A_80 : memref<10240x32xf32, #tpu.memory_space<hbm>>) target(%dma_start3A_74 : memref<128x32xf32, #tpu.memory_space<vmem>>) offsets(%dma_start3A_77 : memref<128xi32, #tpu.memory_space<vmem>>) semaphore(%arg12 : memref<!tpu.dma_semaphore, #tpu.memory_space<semaphore_mem>>)
      %add3A_81 = arith.constant 2 : i32
      %add3A_82 = arith.addi %add3A_55, %add3A_81 : i32
      %dma_start3A_83 = arith.constant 2 : i32
      %dma_start3A_84 = arith.constant 0 : i32
      %dma_start3A_85 = arith.constant 0 : i32
      %dma_start3A_86 = tpu.memref_slice %arg8[%dma_start3A_83, %dma_start3A_84, %dma_start3A_85] : memref<8x128x32xf32, #tpu.memory_space<vmem>> -> memref<1x128x32xf32, #tpu.memory_space<vmem>>
      %dma_start3A_87 = tpu.memref_squeeze %dma_start3A_86 : memref<1x128x32xf32, #tpu.memory_space<vmem>> -> memref<128x32xf32, #tpu.memory_space<vmem>>
      %dma_start3A_88 = arith.constant 0 : i32
      %dma_start3A_89 = tpu.memref_slice %arg6[%add3A_82, %dma_start3A_88] : memref<80x128xi32, #tpu.memory_space<vmem>> -> memref<1x128xi32, #tpu.memory_space<vmem>>
      %dma_start3A_90 = tpu.memref_squeeze %dma_start3A_89 : memref<1x128xi32, #tpu.memory_space<vmem>> -> memref<128xi32, #tpu.memory_space<vmem>>
      %dma_start3A_91 = arith.constant 0 : i32
      %dma_start3A_92 = arith.constant 0 : i32
      %dma_start3A_93 = tpu.memref_slice %arg2[%dma_start3A_91, %dma_start3A_92] : memref<10240x32xf32, #tpu.memory_space<hbm>> -> memref<10240x32xf32, #tpu.memory_space<hbm>>
      tpu.enqueue_indirect_dma source(%dma_start3A_93 : memref<10240x32xf32, #tpu.memory_space<hbm>>) target(%dma_start3A_87 : memref<128x32xf32, #tpu.memory_space<vmem>>) offsets(%dma_start3A_90 : memref<128xi32, #tpu.memory_space<vmem>>) semaphore(%arg13 : memref<!tpu.dma_semaphore, #tpu.memory_space<semaphore_mem>>)
      %add3A_94 = arith.constant 3 : i32
      %add3A_95 = arith.addi %add3A_55, %add3A_94 : i32
      %dma_start3A_96 = arith.constant 3 : i32
      %dma_start3A_97 = arith.constant 0 : i32
      %dma_start3A_98 = arith.constant 0 : i32
      %dma_start3A_99 = tpu.memref_slice %arg8[%dma_start3A_96, %dma_start3A_97, %dma_start3A_98] : memref<8x128x32xf32, #tpu.memory_space<vmem>> -> memref<1x128x32xf32, #tpu.memory_space<vmem>>
      %dma_start3A_100 = tpu.memref_squeeze %dma_start3A_99 : memref<1x128x32xf32, #tpu.memory_space<vmem>> -> memref<128x32xf32, #tpu.memory_space<vmem>>
      %dma_start3A_101 = arith.constant 0 : i32
      %dma_start3A_102 = tpu.memref_slice %arg6[%add3A_95, %dma_start3A_101] : memref<80x128xi32, #tpu.memory_space<vmem>> -> memref<1x128xi32, #tpu.memory_space<vmem>>
      %dma_start3A_103 = tpu.memref_squeeze %dma_start3A_102 : memref<1x128xi32, #tpu.memory_space<vmem>> -> memref<128xi32, #tpu.memory_space<vmem>>
      %dma_start3A_104 = arith.constant 0 : i32
      %dma_start3A_105 = arith.constant 0 : i32
      %dma_start3A_106 = tpu.memref_slice %arg2[%dma_start3A_104, %dma_start3A_105] : memref<10240x32xf32, #tpu.memory_space<hbm>> -> memref<10240x32xf32, #tpu.memory_space<hbm>>
      tpu.enqueue_indirect_dma source(%dma_start3A_106 : memref<10240x32xf32, #tpu.memory_space<hbm>>) target(%dma_start3A_100 : memref<128x32xf32, #tpu.memory_space<vmem>>) offsets(%dma_start3A_103 : memref<128xi32, #tpu.memory_space<vmem>>) semaphore(%arg14 : memref<!tpu.dma_semaphore, #tpu.memory_space<semaphore_mem>>)
      %add3A_107 = arith.constant 4 : i32
      %add3A_108 = arith.addi %add3A_55, %add3A_107 : i32
      %dma_start3A_109 = arith.constant 4 : i32
      %dma_start3A_110 = arith.constant 0 : i32
      %dma_start3A_111 = arith.constant 0 : i32
      %dma_start3A_112 = tpu.memref_slice %arg8[%dma_start3A_109, %dma_start3A_110, %dma_start3A_111] : memref<8x128x32xf32, #tpu.memory_space<vmem>> -> memref<1x128x32xf32, #tpu.memory_space<vmem>>
      %dma_start3A_113 = tpu.memref_squeeze %dma_start3A_112 : memref<1x128x32xf32, #tpu.memory_space<vmem>> -> memref<128x32xf32, #tpu.memory_space<vmem>>
      %dma_start3A_114 = arith.constant 0 : i32
      %dma_start3A_115 = tpu.memref_slice %arg6[%add3A_108, %dma_start3A_114] : memref<80x128xi32, #tpu.memory_space<vmem>> -> memref<1x128xi32, #tpu.memory_space<vmem>>
      %dma_start3A_116 = tpu.memref_squeeze %dma_start3A_115 : memref<1x128xi32, #tpu.memory_space<vmem>> -> memref<128xi32, #tpu.memory_space<vmem>>
      %dma_start3A_117 = arith.constant 0 : i32
      %dma_start3A_118 = arith.constant 0 : i32
      %dma_start3A_119 = tpu.memref_slice %arg2[%dma_start3A_117, %dma_start3A_118] : memref<10240x32xf32, #tpu.memory_space<hbm>> -> memref<10240x32xf32, #tpu.memory_space<hbm>>
      tpu.enqueue_indirect_dma source(%dma_start3A_119 : memref<10240x32xf32, #tpu.memory_space<hbm>>) target(%dma_start3A_113 : memref<128x32xf32, #tpu.memory_space<vmem>>) offsets(%dma_start3A_116 : memref<128xi32, #tpu.memory_space<vmem>>) semaphore(%arg15 : memref<!tpu.dma_semaphore, #tpu.memory_space<semaphore_mem>>)
      %add3A_120 = arith.constant 5 : i32
      %add3A_121 = arith.addi %add3A_55, %add3A_120 : i32
      %dma_start3A_122 = arith.constant 5 : i32
      %dma_start3A_123 = arith.constant 0 : i32
      %dma_start3A_124 = arith.constant 0 : i32
      %dma_start3A_125 = tpu.memref_slice %arg8[%dma_start3A_122, %dma_start3A_123, %dma_start3A_124] : memref<8x128x32xf32, #tpu.memory_space<vmem>> -> memref<1x128x32xf32, #tpu.memory_space<vmem>>
      %dma_start3A_126 = tpu.memref_squeeze %dma_start3A_125 : memref<1x128x32xf32, #tpu.memory_space<vmem>> -> memref<128x32xf32, #tpu.memory_space<vmem>>
      %dma_start3A_127 = arith.constant 0 : i32
      %dma_start3A_128 = tpu.memref_slice %arg6[%add3A_121, %dma_start3A_127] : memref<80x128xi32, #tpu.memory_space<vmem>> -> memref<1x128xi32, #tpu.memory_space<vmem>>
      %dma_start3A_129 = tpu.memref_squeeze %dma_start3A_128 : memref<1x128xi32, #tpu.memory_space<vmem>> -> memref<128xi32, #tpu.memory_space<vmem>>
      %dma_start3A_130 = arith.constant 0 : i32
      %dma_start3A_131 = arith.constant 0 : i32
      %dma_start3A_132 = tpu.memref_slice %arg2[%dma_start3A_130, %dma_start3A_131] : memref<10240x32xf32, #tpu.memory_space<hbm>> -> memref<10240x32xf32, #tpu.memory_space<hbm>>
      tpu.enqueue_indirect_dma source(%dma_start3A_132 : memref<10240x32xf32, #tpu.memory_space<hbm>>) target(%dma_start3A_126 : memref<128x32xf32, #tpu.memory_space<vmem>>) offsets(%dma_start3A_129 : memref<128xi32, #tpu.memory_space<vmem>>) semaphore(%arg16 : memref<!tpu.dma_semaphore, #tpu.memory_space<semaphore_mem>>)
      %add3A_133 = arith.constant 6 : i32
      %add3A_134 = arith.addi %add3A_55, %add3A_133 : i32
      %dma_start3A_135 = arith.constant 6 : i32
      %dma_start3A_136 = arith.constant 0 : i32
      %dma_start3A_137 = arith.constant 0 : i32
      %dma_start3A_138 = tpu.memref_slice %arg8[%dma_start3A_135, %dma_start3A_136, %dma_start3A_137] : memref<8x128x32xf32, #tpu.memory_space<vmem>> -> memref<1x128x32xf32, #tpu.memory_space<vmem>>
      %dma_start3A_139 = tpu.memref_squeeze %dma_start3A_138 : memref<1x128x32xf32, #tpu.memory_space<vmem>> -> memref<128x32xf32, #tpu.memory_space<vmem>>
      %dma_start3A_140 = arith.constant 0 : i32
      %dma_start3A_141 = tpu.memref_slice %arg6[%add3A_134, %dma_start3A_140] : memref<80x128xi32, #tpu.memory_space<vmem>> -> memref<1x128xi32, #tpu.memory_space<vmem>>
      %dma_start3A_142 = tpu.memref_squeeze %dma_start3A_141 : memref<1x128xi32, #tpu.memory_space<vmem>> -> memref<128xi32, #tpu.memory_space<vmem>>
      %dma_start3A_143 = arith.constant 0 : i32
      %dma_start3A_144 = arith.constant 0 : i32
      %dma_start3A_145 = tpu.memref_slice %arg2[%dma_start3A_143, %dma_start3A_144] : memref<10240x32xf32, #tpu.memory_space<hbm>> -> memref<10240x32xf32, #tpu.memory_space<hbm>>
      tpu.enqueue_indirect_dma source(%dma_start3A_145 : memref<10240x32xf32, #tpu.memory_space<hbm>>) target(%dma_start3A_139 : memref<128x32xf32, #tpu.memory_space<vmem>>) offsets(%dma_start3A_142 : memref<128xi32, #tpu.memory_space<vmem>>) semaphore(%arg17 : memref<!tpu.dma_semaphore, #tpu.memory_space<semaphore_mem>>)
      %add3A_146 = arith.constant 7 : i32
      %add3A_147 = arith.addi %add3A_55, %add3A_146 : i32
      %dma_start3A_148 = arith.constant 7 : i32
      %dma_start3A_149 = arith.constant 0 : i32
      %dma_start3A_150 = arith.constant 0 : i32
      %dma_start3A_151 = tpu.memref_slice %arg8[%dma_start3A_148, %dma_start3A_149, %dma_start3A_150] : memref<8x128x32xf32, #tpu.memory_space<vmem>> -> memref<1x128x32xf32, #tpu.memory_space<vmem>>
      %dma_start3A_152 = tpu.memref_squeeze %dma_start3A_151 : memref<1x128x32xf32, #tpu.memory_space<vmem>> -> memref<128x32xf32, #tpu.memory_space<vmem>>
      %dma_start3A_153 = arith.constant 0 : i32
      %dma_start3A_154 = tpu.memref_slice %arg6[%add3A_147, %dma_start3A_153] : memref<80x128xi32, #tpu.memory_space<vmem>> -> memref<1x128xi32, #tpu.memory_space<vmem>>
      %dma_start3A_155 = tpu.memref_squeeze %dma_start3A_154 : memref<1x128xi32, #tpu.memory_space<vmem>> -> memref<128xi32, #tpu.memory_space<vmem>>
      %dma_start3A_156 = arith.constant 0 : i32
      %dma_start3A_157 = arith.constant 0 : i32
      %dma_start3A_158 = tpu.memref_slice %arg2[%dma_start3A_156, %dma_start3A_157] : memref<10240x32xf32, #tpu.memory_space<hbm>> -> memref<10240x32xf32, #tpu.memory_space<hbm>>
      tpu.enqueue_indirect_dma source(%dma_start3A_158 : memref<10240x32xf32, #tpu.memory_space<hbm>>) target(%dma_start3A_152 : memref<128x32xf32, #tpu.memory_space<vmem>>) offsets(%dma_start3A_155 : memref<128xi32, #tpu.memory_space<vmem>>) semaphore(%arg18 : memref<!tpu.dma_semaphore, #tpu.memory_space<semaphore_mem>>)
      %dma_wait3A = arith.constant 0 : i32
      %dma_wait3A_159 = arith.constant 0 : i32
      %dma_wait3A_160 = arith.constant 0 : i32
      %dma_wait3A_161 = tpu.memref_slice %arg8[%dma_wait3A, %dma_wait3A_159, %dma_wait3A_160] : memref<8x128x32xf32, #tpu.memory_space<vmem>> -> memref<1x128x32xf32, #tpu.memory_space<vmem>>
      %dma_wait3A_162 = tpu.memref_squeeze %dma_wait3A_161 : memref<1x128x32xf32, #tpu.memory_space<vmem>> -> memref<128x32xf32, #tpu.memory_space<vmem>>
      %dma_wait3A_163 = arith.constant 0 : i32
      %dma_wait3A_164 = tpu.memref_slice %arg6[%add3A_57, %dma_wait3A_163] : memref<80x128xi32, #tpu.memory_space<vmem>> -> memref<1x128xi32, #tpu.memory_space<vmem>>
      %dma_wait3A_165 = tpu.memref_squeeze %dma_wait3A_164 : memref<1x128xi32, #tpu.memory_space<vmem>> -> memref<128xi32, #tpu.memory_space<vmem>>
      %dma_wait3A_166 = arith.constant 0 : i32
      %dma_wait3A_167 = arith.constant 0 : i32
      %dma_wait3A_168 = tpu.memref_slice %arg2[%dma_wait3A_166, %dma_wait3A_167] : memref<10240x32xf32, #tpu.memory_space<hbm>> -> memref<10240x32xf32, #tpu.memory_space<hbm>>
      tpu.wait_indirect_dma semaphore(%arg11 : memref<!tpu.dma_semaphore, #tpu.memory_space<semaphore_mem>>) src(%dma_wait3A_168 : memref<10240x32xf32, #tpu.memory_space<hbm>>) dst(%dma_wait3A_162 : memref<128x32xf32, #tpu.memory_space<vmem>>)
      %add3A_169 = arith.constant 0 : i32
      %add3A_170 = arith.addi %add3A_55, %add3A_169 : i32
      %dma_start3A_171 = arith.constant 0 : i32
      %dma_start3A_172 = arith.constant 0 : i32
      %dma_start3A_173 = arith.constant 0 : i32
      %dma_start3A_174 = tpu.memref_slice %arg8[%dma_start3A_171, %dma_start3A_172, %dma_start3A_173] : memref<8x128x32xf32, #tpu.memory_space<vmem>> -> memref<1x128x32xf32, #tpu.memory_space<vmem>>
      %dma_start3A_175 = tpu.memref_squeeze %dma_start3A_174 : memref<1x128x32xf32, #tpu.memory_space<vmem>> -> memref<128x32xf32, #tpu.memory_space<vmem>>
      %dma_start3A_176 = arith.constant 0 : i32
      %dma_start3A_177 = tpu.memref_slice %arg7[%add3A_170, %dma_start3A_176] : memref<80x128xi32, #tpu.memory_space<vmem>> -> memref<1x128xi32, #tpu.memory_space<vmem>>
      %dma_start3A_178 = tpu.memref_squeeze %dma_start3A_177 : memref<1x128xi32, #tpu.memory_space<vmem>> -> memref<128xi32, #tpu.memory_space<vmem>>
      %dma_start3A_179 = arith.constant 0 : i32
      %dma_start3A_180 = arith.constant 0 : i32
      %dma_start3A_181 = tpu.memref_slice %arg10[%dma_start3A_179, %dma_start3A_180] : memref<10240x32xf32, #tpu.memory_space<vmem_shared>> -> memref<10240x32xf32, #tpu.memory_space<vmem_shared>>
      tpu.enqueue_indirect_dma source(%dma_start3A_175 : memref<128x32xf32, #tpu.memory_space<vmem>>) target(%dma_start3A_181 : memref<10240x32xf32, #tpu.memory_space<vmem_shared>>) offsets(%dma_start3A_178 : memref<128xi32, #tpu.memory_space<vmem>>) semaphore(%arg19 : memref<!tpu.dma_semaphore, #tpu.memory_space<semaphore_mem>>) {add = true}
      %dma_wait3A_182 = arith.constant 1 : i32
      %dma_wait3A_183 = arith.constant 0 : i32
      %dma_wait3A_184 = arith.constant 0 : i32
      %dma_wait3A_185 = tpu.memref_slice %arg8[%dma_wait3A_182, %dma_wait3A_183, %dma_wait3A_184] : memref<8x128x32xf32, #tpu.memory_space<vmem>> -> memref<1x128x32xf32, #tpu.memory_space<vmem>>
      %dma_wait3A_186 = tpu.memref_squeeze %dma_wait3A_185 : memref<1x128x32xf32, #tpu.memory_space<vmem>> -> memref<128x32xf32, #tpu.memory_space<vmem>>
      %dma_wait3A_187 = arith.constant 0 : i32
      %dma_wait3A_188 = tpu.memref_slice %arg6[%add3A_69, %dma_wait3A_187] : memref<80x128xi32, #tpu.memory_space<vmem>> -> memref<1x128xi32, #tpu.memory_space<vmem>>
      %dma_wait3A_189 = tpu.memref_squeeze %dma_wait3A_188 : memref<1x128xi32, #tpu.memory_space<vmem>> -> memref<128xi32, #tpu.memory_space<vmem>>
      %dma_wait3A_190 = arith.constant 0 : i32
      %dma_wait3A_191 = arith.constant 0 : i32
      %dma_wait3A_192 = tpu.memref_slice %arg2[%dma_wait3A_190, %dma_wait3A_191] : memref<10240x32xf32, #tpu.memory_space<hbm>> -> memref<10240x32xf32, #tpu.memory_space<hbm>>
      tpu.wait_indirect_dma semaphore(%arg12 : memref<!tpu.dma_semaphore, #tpu.memory_space<semaphore_mem>>) src(%dma_wait3A_192 : memref<10240x32xf32, #tpu.memory_space<hbm>>) dst(%dma_wait3A_186 : memref<128x32xf32, #tpu.memory_space<vmem>>)
      %add3A_193 = arith.constant 1 : i32
      %add3A_194 = arith.addi %add3A_55, %add3A_193 : i32
      %dma_start3A_195 = arith.constant 1 : i32
      %dma_start3A_196 = arith.constant 0 : i32
      %dma_start3A_197 = arith.constant 0 : i32
      %dma_start3A_198 = tpu.memref_slice %arg8[%dma_start3A_195, %dma_start3A_196, %dma_start3A_197] : memref<8x128x32xf32, #tpu.memory_space<vmem>> -> memref<1x128x32xf32, #tpu.memory_space<vmem>>
      %dma_start3A_199 = tpu.memref_squeeze %dma_start3A_198 : memref<1x128x32xf32, #tpu.memory_space<vmem>> -> memref<128x32xf32, #tpu.memory_space<vmem>>
      %dma_start3A_200 = arith.constant 0 : i32
      %dma_start3A_201 = tpu.memref_slice %arg7[%add3A_194, %dma_start3A_200] : memref<80x128xi32, #tpu.memory_space<vmem>> -> memref<1x128xi32, #tpu.memory_space<vmem>>
      %dma_start3A_202 = tpu.memref_squeeze %dma_start3A_201 : memref<1x128xi32, #tpu.memory_space<vmem>> -> memref<128xi32, #tpu.memory_space<vmem>>
      %dma_start3A_203 = arith.constant 0 : i32
      %dma_start3A_204 = arith.constant 0 : i32
      %dma_start3A_205 = tpu.memref_slice %arg10[%dma_start3A_203, %dma_start3A_204] : memref<10240x32xf32, #tpu.memory_space<vmem_shared>> -> memref<10240x32xf32, #tpu.memory_space<vmem_shared>>
      tpu.enqueue_indirect_dma source(%dma_start3A_199 : memref<128x32xf32, #tpu.memory_space<vmem>>) target(%dma_start3A_205 : memref<10240x32xf32, #tpu.memory_space<vmem_shared>>) offsets(%dma_start3A_202 : memref<128xi32, #tpu.memory_space<vmem>>) semaphore(%arg20 : memref<!tpu.dma_semaphore, #tpu.memory_space<semaphore_mem>>) {add = true}
      %dma_wait3A_206 = arith.constant 2 : i32
      %dma_wait3A_207 = arith.constant 0 : i32
      %dma_wait3A_208 = arith.constant 0 : i32
      %dma_wait3A_209 = tpu.memref_slice %arg8[%dma_wait3A_206, %dma_wait3A_207, %dma_wait3A_208] : memref<8x128x32xf32, #tpu.memory_space<vmem>> -> memref<1x128x32xf32, #tpu.memory_space<vmem>>
      %dma_wait3A_210 = tpu.memref_squeeze %dma_wait3A_209 : memref<1x128x32xf32, #tpu.memory_space<vmem>> -> memref<128x32xf32, #tpu.memory_space<vmem>>
      %dma_wait3A_211 = arith.constant 0 : i32
      %dma_wait3A_212 = tpu.memref_slice %arg6[%add3A_82, %dma_wait3A_211] : memref<80x128xi32, #tpu.memory_space<vmem>> -> memref<1x128xi32, #tpu.memory_space<vmem>>
      %dma_wait3A_213 = tpu.memref_squeeze %dma_wait3A_212 : memref<1x128xi32, #tpu.memory_space<vmem>> -> memref<128xi32, #tpu.memory_space<vmem>>
      %dma_wait3A_214 = arith.constant 0 : i32
      %dma_wait3A_215 = arith.constant 0 : i32
      %dma_wait3A_216 = tpu.memref_slice %arg2[%dma_wait3A_214, %dma_wait3A_215] : memref<10240x32xf32, #tpu.memory_space<hbm>> -> memref<10240x32xf32, #tpu.memory_space<hbm>>
      tpu.wait_indirect_dma semaphore(%arg13 : memref<!tpu.dma_semaphore, #tpu.memory_space<semaphore_mem>>) src(%dma_wait3A_216 : memref<10240x32xf32, #tpu.memory_space<hbm>>) dst(%dma_wait3A_210 : memref<128x32xf32, #tpu.memory_space<vmem>>)
      %add3A_217 = arith.constant 2 : i32
      %add3A_218 = arith.addi %add3A_55, %add3A_217 : i32
      %dma_start3A_219 = arith.constant 2 : i32
      %dma_start3A_220 = arith.constant 0 : i32
      %dma_start3A_221 = arith.constant 0 : i32
      %dma_start3A_222 = tpu.memref_slice %arg8[%dma_start3A_219, %dma_start3A_220, %dma_start3A_221] : memref<8x128x32xf32, #tpu.memory_space<vmem>> -> memref<1x128x32xf32, #tpu.memory_space<vmem>>
      %dma_start3A_223 = tpu.memref_squeeze %dma_start3A_222 : memref<1x128x32xf32, #tpu.memory_space<vmem>> -> memref<128x32xf32, #tpu.memory_space<vmem>>
      %dma_start3A_224 = arith.constant 0 : i32
      %dma_start3A_225 = tpu.memref_slice %arg7[%add3A_218, %dma_start3A_224] : memref<80x128xi32, #tpu.memory_space<vmem>> -> memref<1x128xi32, #tpu.memory_space<vmem>>
      %dma_start3A_226 = tpu.memref_squeeze %dma_start3A_225 : memref<1x128xi32, #tpu.memory_space<vmem>> -> memref<128xi32, #tpu.memory_space<vmem>>
      %dma_start3A_227 = arith.constant 0 : i32
      %dma_start3A_228 = arith.constant 0 : i32
      %dma_start3A_229 = tpu.memref_slice %arg10[%dma_start3A_227, %dma_start3A_228] : memref<10240x32xf32, #tpu.memory_space<vmem_shared>> -> memref<10240x32xf32, #tpu.memory_space<vmem_shared>>
      tpu.enqueue_indirect_dma source(%dma_start3A_223 : memref<128x32xf32, #tpu.memory_space<vmem>>) target(%dma_start3A_229 : memref<10240x32xf32, #tpu.memory_space<vmem_shared>>) offsets(%dma_start3A_226 : memref<128xi32, #tpu.memory_space<vmem>>) semaphore(%arg21 : memref<!tpu.dma_semaphore, #tpu.memory_space<semaphore_mem>>) {add = true}
      %dma_wait3A_230 = arith.constant 3 : i32
      %dma_wait3A_231 = arith.constant 0 : i32
      %dma_wait3A_232 = arith.constant 0 : i32
      %dma_wait3A_233 = tpu.memref_slice %arg8[%dma_wait3A_230, %dma_wait3A_231, %dma_wait3A_232] : memref<8x128x32xf32, #tpu.memory_space<vmem>> -> memref<1x128x32xf32, #tpu.memory_space<vmem>>
      %dma_wait3A_234 = tpu.memref_squeeze %dma_wait3A_233 : memref<1x128x32xf32, #tpu.memory_space<vmem>> -> memref<128x32xf32, #tpu.memory_space<vmem>>
      %dma_wait3A_235 = arith.constant 0 : i32
      %dma_wait3A_236 = tpu.memref_slice %arg6[%add3A_95, %dma_wait3A_235] : memref<80x128xi32, #tpu.memory_space<vmem>> -> memref<1x128xi32, #tpu.memory_space<vmem>>
      %dma_wait3A_237 = tpu.memref_squeeze %dma_wait3A_236 : memref<1x128xi32, #tpu.memory_space<vmem>> -> memref<128xi32, #tpu.memory_space<vmem>>
      %dma_wait3A_238 = arith.constant 0 : i32
      %dma_wait3A_239 = arith.constant 0 : i32
      %dma_wait3A_240 = tpu.memref_slice %arg2[%dma_wait3A_238, %dma_wait3A_239] : memref<10240x32xf32, #tpu.memory_space<hbm>> -> memref<10240x32xf32, #tpu.memory_space<hbm>>
      tpu.wait_indirect_dma semaphore(%arg14 : memref<!tpu.dma_semaphore, #tpu.memory_space<semaphore_mem>>) src(%dma_wait3A_240 : memref<10240x32xf32, #tpu.memory_space<hbm>>) dst(%dma_wait3A_234 : memref<128x32xf32, #tpu.memory_space<vmem>>)
      %add3A_241 = arith.constant 3 : i32
      %add3A_242 = arith.addi %add3A_55, %add3A_241 : i32
      %dma_start3A_243 = arith.constant 3 : i32
      %dma_start3A_244 = arith.constant 0 : i32
      %dma_start3A_245 = arith.constant 0 : i32
      %dma_start3A_246 = tpu.memref_slice %arg8[%dma_start3A_243, %dma_start3A_244, %dma_start3A_245] : memref<8x128x32xf32, #tpu.memory_space<vmem>> -> memref<1x128x32xf32, #tpu.memory_space<vmem>>
      %dma_start3A_247 = tpu.memref_squeeze %dma_start3A_246 : memref<1x128x32xf32, #tpu.memory_space<vmem>> -> memref<128x32xf32, #tpu.memory_space<vmem>>
      %dma_start3A_248 = arith.constant 0 : i32
      %dma_start3A_249 = tpu.memref_slice %arg7[%add3A_242, %dma_start3A_248] : memref<80x128xi32, #tpu.memory_space<vmem>> -> memref<1x128xi32, #tpu.memory_space<vmem>>
      %dma_start3A_250 = tpu.memref_squeeze %dma_start3A_249 : memref<1x128xi32, #tpu.memory_space<vmem>> -> memref<128xi32, #tpu.memory_space<vmem>>
      %dma_start3A_251 = arith.constant 0 : i32
      %dma_start3A_252 = arith.constant 0 : i32
      %dma_start3A_253 = tpu.memref_slice %arg10[%dma_start3A_251, %dma_start3A_252] : memref<10240x32xf32, #tpu.memory_space<vmem_shared>> -> memref<10240x32xf32, #tpu.memory_space<vmem_shared>>
      tpu.enqueue_indirect_dma source(%dma_start3A_247 : memref<128x32xf32, #tpu.memory_space<vmem>>) target(%dma_start3A_253 : memref<10240x32xf32, #tpu.memory_space<vmem_shared>>) offsets(%dma_start3A_250 : memref<128xi32, #tpu.memory_space<vmem>>) semaphore(%arg22 : memref<!tpu.dma_semaphore, #tpu.memory_space<semaphore_mem>>) {add = true}
      %dma_wait3A_254 = arith.constant 4 : i32
      %dma_wait3A_255 = arith.constant 0 : i32
      %dma_wait3A_256 = arith.constant 0 : i32
      %dma_wait3A_257 = tpu.memref_slice %arg8[%dma_wait3A_254, %dma_wait3A_255, %dma_wait3A_256] : memref<8x128x32xf32, #tpu.memory_space<vmem>> -> memref<1x128x32xf32, #tpu.memory_space<vmem>>
      %dma_wait3A_258 = tpu.memref_squeeze %dma_wait3A_257 : memref<1x128x32xf32, #tpu.memory_space<vmem>> -> memref<128x32xf32, #tpu.memory_space<vmem>>
      %dma_wait3A_259 = arith.constant 0 : i32
      %dma_wait3A_260 = tpu.memref_slice %arg6[%add3A_108, %dma_wait3A_259] : memref<80x128xi32, #tpu.memory_space<vmem>> -> memref<1x128xi32, #tpu.memory_space<vmem>>
      %dma_wait3A_261 = tpu.memref_squeeze %dma_wait3A_260 : memref<1x128xi32, #tpu.memory_space<vmem>> -> memref<128xi32, #tpu.memory_space<vmem>>
      %dma_wait3A_262 = arith.constant 0 : i32
      %dma_wait3A_263 = arith.constant 0 : i32
      %dma_wait3A_264 = tpu.memref_slice %arg2[%dma_wait3A_262, %dma_wait3A_263] : memref<10240x32xf32, #tpu.memory_space<hbm>> -> memref<10240x32xf32, #tpu.memory_space<hbm>>
      tpu.wait_indirect_dma semaphore(%arg15 : memref<!tpu.dma_semaphore, #tpu.memory_space<semaphore_mem>>) src(%dma_wait3A_264 : memref<10240x32xf32, #tpu.memory_space<hbm>>) dst(%dma_wait3A_258 : memref<128x32xf32, #tpu.memory_space<vmem>>)
      %add3A_265 = arith.constant 4 : i32
      %add3A_266 = arith.addi %add3A_55, %add3A_265 : i32
      %dma_start3A_267 = arith.constant 4 : i32
      %dma_start3A_268 = arith.constant 0 : i32
      %dma_start3A_269 = arith.constant 0 : i32
      %dma_start3A_270 = tpu.memref_slice %arg8[%dma_start3A_267, %dma_start3A_268, %dma_start3A_269] : memref<8x128x32xf32, #tpu.memory_space<vmem>> -> memref<1x128x32xf32, #tpu.memory_space<vmem>>
      %dma_start3A_271 = tpu.memref_squeeze %dma_start3A_270 : memref<1x128x32xf32, #tpu.memory_space<vmem>> -> memref<128x32xf32, #tpu.memory_space<vmem>>
      %dma_start3A_272 = arith.constant 0 : i32
      %dma_start3A_273 = tpu.memref_slice %arg7[%add3A_266, %dma_start3A_272] : memref<80x128xi32, #tpu.memory_space<vmem>> -> memref<1x128xi32, #tpu.memory_space<vmem>>
      %dma_start3A_274 = tpu.memref_squeeze %dma_start3A_273 : memref<1x128xi32, #tpu.memory_space<vmem>> -> memref<128xi32, #tpu.memory_space<vmem>>
      %dma_start3A_275 = arith.constant 0 : i32
      %dma_start3A_276 = arith.constant 0 : i32
      %dma_start3A_277 = tpu.memref_slice %arg10[%dma_start3A_275, %dma_start3A_276] : memref<10240x32xf32, #tpu.memory_space<vmem_shared>> -> memref<10240x32xf32, #tpu.memory_space<vmem_shared>>
      tpu.enqueue_indirect_dma source(%dma_start3A_271 : memref<128x32xf32, #tpu.memory_space<vmem>>) target(%dma_start3A_277 : memref<10240x32xf32, #tpu.memory_space<vmem_shared>>) offsets(%dma_start3A_274 : memref<128xi32, #tpu.memory_space<vmem>>) semaphore(%arg23 : memref<!tpu.dma_semaphore, #tpu.memory_space<semaphore_mem>>) {add = true}
      %dma_wait3A_278 = arith.constant 5 : i32
      %dma_wait3A_279 = arith.constant 0 : i32
      %dma_wait3A_280 = arith.constant 0 : i32
      %dma_wait3A_281 = tpu.memref_slice %arg8[%dma_wait3A_278, %dma_wait3A_279, %dma_wait3A_280] : memref<8x128x32xf32, #tpu.memory_space<vmem>> -> memref<1x128x32xf32, #tpu.memory_space<vmem>>
      %dma_wait3A_282 = tpu.memref_squeeze %dma_wait3A_281 : memref<1x128x32xf32, #tpu.memory_space<vmem>> -> memref<128x32xf32, #tpu.memory_space<vmem>>
      %dma_wait3A_283 = arith.constant 0 : i32
      %dma_wait3A_284 = tpu.memref_slice %arg6[%add3A_121, %dma_wait3A_283] : memref<80x128xi32, #tpu.memory_space<vmem>> -> memref<1x128xi32, #tpu.memory_space<vmem>>
      %dma_wait3A_285 = tpu.memref_squeeze %dma_wait3A_284 : memref<1x128xi32, #tpu.memory_space<vmem>> -> memref<128xi32, #tpu.memory_space<vmem>>
      %dma_wait3A_286 = arith.constant 0 : i32
      %dma_wait3A_287 = arith.constant 0 : i32
      %dma_wait3A_288 = tpu.memref_slice %arg2[%dma_wait3A_286, %dma_wait3A_287] : memref<10240x32xf32, #tpu.memory_space<hbm>> -> memref<10240x32xf32, #tpu.memory_space<hbm>>
      tpu.wait_indirect_dma semaphore(%arg16 : memref<!tpu.dma_semaphore, #tpu.memory_space<semaphore_mem>>) src(%dma_wait3A_288 : memref<10240x32xf32, #tpu.memory_space<hbm>>) dst(%dma_wait3A_282 : memref<128x32xf32, #tpu.memory_space<vmem>>)
      %add3A_289 = arith.constant 5 : i32
      %add3A_290 = arith.addi %add3A_55, %add3A_289 : i32
      %dma_start3A_291 = arith.constant 5 : i32
      %dma_start3A_292 = arith.constant 0 : i32
      %dma_start3A_293 = arith.constant 0 : i32
      %dma_start3A_294 = tpu.memref_slice %arg8[%dma_start3A_291, %dma_start3A_292, %dma_start3A_293] : memref<8x128x32xf32, #tpu.memory_space<vmem>> -> memref<1x128x32xf32, #tpu.memory_space<vmem>>
      %dma_start3A_295 = tpu.memref_squeeze %dma_start3A_294 : memref<1x128x32xf32, #tpu.memory_space<vmem>> -> memref<128x32xf32, #tpu.memory_space<vmem>>
      %dma_start3A_296 = arith.constant 0 : i32
      %dma_start3A_297 = tpu.memref_slice %arg7[%add3A_290, %dma_start3A_296] : memref<80x128xi32, #tpu.memory_space<vmem>> -> memref<1x128xi32, #tpu.memory_space<vmem>>
      %dma_start3A_298 = tpu.memref_squeeze %dma_start3A_297 : memref<1x128xi32, #tpu.memory_space<vmem>> -> memref<128xi32, #tpu.memory_space<vmem>>
      %dma_start3A_299 = arith.constant 0 : i32
      %dma_start3A_300 = arith.constant 0 : i32
      %dma_start3A_301 = tpu.memref_slice %arg10[%dma_start3A_299, %dma_start3A_300] : memref<10240x32xf32, #tpu.memory_space<vmem_shared>> -> memref<10240x32xf32, #tpu.memory_space<vmem_shared>>
      tpu.enqueue_indirect_dma source(%dma_start3A_295 : memref<128x32xf32, #tpu.memory_space<vmem>>) target(%dma_start3A_301 : memref<10240x32xf32, #tpu.memory_space<vmem_shared>>) offsets(%dma_start3A_298 : memref<128xi32, #tpu.memory_space<vmem>>) semaphore(%arg24 : memref<!tpu.dma_semaphore, #tpu.memory_space<semaphore_mem>>) {add = true}
      %dma_wait3A_302 = arith.constant 6 : i32
      %dma_wait3A_303 = arith.constant 0 : i32
      %dma_wait3A_304 = arith.constant 0 : i32
      %dma_wait3A_305 = tpu.memref_slice %arg8[%dma_wait3A_302, %dma_wait3A_303, %dma_wait3A_304] : memref<8x128x32xf32, #tpu.memory_space<vmem>> -> memref<1x128x32xf32, #tpu.memory_space<vmem>>
      %dma_wait3A_306 = tpu.memref_squeeze %dma_wait3A_305 : memref<1x128x32xf32, #tpu.memory_space<vmem>> -> memref<128x32xf32, #tpu.memory_space<vmem>>
      %dma_wait3A_307 = arith.constant 0 : i32
      %dma_wait3A_308 = tpu.memref_slice %arg6[%add3A_134, %dma_wait3A_307] : memref<80x128xi32, #tpu.memory_space<vmem>> -> memref<1x128xi32, #tpu.memory_space<vmem>>
      %dma_wait3A_309 = tpu.memref_squeeze %dma_wait3A_308 : memref<1x128xi32, #tpu.memory_space<vmem>> -> memref<128xi32, #tpu.memory_space<vmem>>
      %dma_wait3A_310 = arith.constant 0 : i32
      %dma_wait3A_311 = arith.constant 0 : i32
      %dma_wait3A_312 = tpu.memref_slice %arg2[%dma_wait3A_310, %dma_wait3A_311] : memref<10240x32xf32, #tpu.memory_space<hbm>> -> memref<10240x32xf32, #tpu.memory_space<hbm>>
      tpu.wait_indirect_dma semaphore(%arg17 : memref<!tpu.dma_semaphore, #tpu.memory_space<semaphore_mem>>) src(%dma_wait3A_312 : memref<10240x32xf32, #tpu.memory_space<hbm>>) dst(%dma_wait3A_306 : memref<128x32xf32, #tpu.memory_space<vmem>>)
      %add3A_313 = arith.constant 6 : i32
      %add3A_314 = arith.addi %add3A_55, %add3A_313 : i32
      %dma_start3A_315 = arith.constant 6 : i32
      %dma_start3A_316 = arith.constant 0 : i32
      %dma_start3A_317 = arith.constant 0 : i32
      %dma_start3A_318 = tpu.memref_slice %arg8[%dma_start3A_315, %dma_start3A_316, %dma_start3A_317] : memref<8x128x32xf32, #tpu.memory_space<vmem>> -> memref<1x128x32xf32, #tpu.memory_space<vmem>>
      %dma_start3A_319 = tpu.memref_squeeze %dma_start3A_318 : memref<1x128x32xf32, #tpu.memory_space<vmem>> -> memref<128x32xf32, #tpu.memory_space<vmem>>
      %dma_start3A_320 = arith.constant 0 : i32
      %dma_start3A_321 = tpu.memref_slice %arg7[%add3A_314, %dma_start3A_320] : memref<80x128xi32, #tpu.memory_space<vmem>> -> memref<1x128xi32, #tpu.memory_space<vmem>>
      %dma_start3A_322 = tpu.memref_squeeze %dma_start3A_321 : memref<1x128xi32, #tpu.memory_space<vmem>> -> memref<128xi32, #tpu.memory_space<vmem>>
      %dma_start3A_323 = arith.constant 0 : i32
      %dma_start3A_324 = arith.constant 0 : i32
      %dma_start3A_325 = tpu.memref_slice %arg10[%dma_start3A_323, %dma_start3A_324] : memref<10240x32xf32, #tpu.memory_space<vmem_shared>> -> memref<10240x32xf32, #tpu.memory_space<vmem_shared>>
      tpu.enqueue_indirect_dma source(%dma_start3A_319 : memref<128x32xf32, #tpu.memory_space<vmem>>) target(%dma_start3A_325 : memref<10240x32xf32, #tpu.memory_space<vmem_shared>>) offsets(%dma_start3A_322 : memref<128xi32, #tpu.memory_space<vmem>>) semaphore(%arg25 : memref<!tpu.dma_semaphore, #tpu.memory_space<semaphore_mem>>) {add = true}
      %dma_wait3A_326 = arith.constant 7 : i32
      %dma_wait3A_327 = arith.constant 0 : i32
      %dma_wait3A_328 = arith.constant 0 : i32
      %dma_wait3A_329 = tpu.memref_slice %arg8[%dma_wait3A_326, %dma_wait3A_327, %dma_wait3A_328] : memref<8x128x32xf32, #tpu.memory_space<vmem>> -> memref<1x128x32xf32, #tpu.memory_space<vmem>>
      %dma_wait3A_330 = tpu.memref_squeeze %dma_wait3A_329 : memref<1x128x32xf32, #tpu.memory_space<vmem>> -> memref<128x32xf32, #tpu.memory_space<vmem>>
      %dma_wait3A_331 = arith.constant 0 : i32
      %dma_wait3A_332 = tpu.memref_slice %arg6[%add3A_147, %dma_wait3A_331] : memref<80x128xi32, #tpu.memory_space<vmem>> -> memref<1x128xi32, #tpu.memory_space<vmem>>
      %dma_wait3A_333 = tpu.memref_squeeze %dma_wait3A_332 : memref<1x128xi32, #tpu.memory_space<vmem>> -> memref<128xi32, #tpu.memory_space<vmem>>
      %dma_wait3A_334 = arith.constant 0 : i32
      %dma_wait3A_335 = arith.constant 0 : i32
      %dma_wait3A_336 = tpu.memref_slice %arg2[%dma_wait3A_334, %dma_wait3A_335] : memref<10240x32xf32, #tpu.memory_space<hbm>> -> memref<10240x32xf32, #tpu.memory_space<hbm>>
      tpu.wait_indirect_dma semaphore(%arg18 : memref<!tpu.dma_semaphore, #tpu.memory_space<semaphore_mem>>) src(%dma_wait3A_336 : memref<10240x32xf32, #tpu.memory_space<hbm>>) dst(%dma_wait3A_330 : memref<128x32xf32, #tpu.memory_space<vmem>>)
      %add3A_337 = arith.constant 7 : i32
      %add3A_338 = arith.addi %add3A_55, %add3A_337 : i32
      %dma_start3A_339 = arith.constant 7 : i32
      %dma_start3A_340 = arith.constant 0 : i32
      %dma_start3A_341 = arith.constant 0 : i32
      %dma_start3A_342 = tpu.memref_slice %arg8[%dma_start3A_339, %dma_start3A_340, %dma_start3A_341] : memref<8x128x32xf32, #tpu.memory_space<vmem>> -> memref<1x128x32xf32, #tpu.memory_space<vmem>>
      %dma_start3A_343 = tpu.memref_squeeze %dma_start3A_342 : memref<1x128x32xf32, #tpu.memory_space<vmem>> -> memref<128x32xf32, #tpu.memory_space<vmem>>
      %dma_start3A_344 = arith.constant 0 : i32
      %dma_start3A_345 = tpu.memref_slice %arg7[%add3A_338, %dma_start3A_344] : memref<80x128xi32, #tpu.memory_space<vmem>> -> memref<1x128xi32, #tpu.memory_space<vmem>>
      %dma_start3A_346 = tpu.memref_squeeze %dma_start3A_345 : memref<1x128xi32, #tpu.memory_space<vmem>> -> memref<128xi32, #tpu.memory_space<vmem>>
      %dma_start3A_347 = arith.constant 0 : i32
      %dma_start3A_348 = arith.constant 0 : i32
      %dma_start3A_349 = tpu.memref_slice %arg10[%dma_start3A_347, %dma_start3A_348] : memref<10240x32xf32, #tpu.memory_space<vmem_shared>> -> memref<10240x32xf32, #tpu.memory_space<vmem_shared>>
      tpu.enqueue_indirect_dma source(%dma_start3A_343 : memref<128x32xf32, #tpu.memory_space<vmem>>) target(%dma_start3A_349 : memref<10240x32xf32, #tpu.memory_space<vmem_shared>>) offsets(%dma_start3A_346 : memref<128xi32, #tpu.memory_space<vmem>>) semaphore(%arg26 : memref<!tpu.dma_semaphore, #tpu.memory_space<semaphore_mem>>) {add = true}
      %dma_wait3A_350 = arith.constant 0 : i32
      %dma_wait3A_351 = arith.constant 0 : i32
      %dma_wait3A_352 = arith.constant 0 : i32
      %dma_wait3A_353 = tpu.memref_slice %arg8[%dma_wait3A_350, %dma_wait3A_351, %dma_wait3A_352] : memref<8x128x32xf32, #tpu.memory_space<vmem>> -> memref<1x128x32xf32, #tpu.memory_space<vmem>>
      %dma_wait3A_354 = tpu.memref_squeeze %dma_wait3A_353 : memref<1x128x32xf32, #tpu.memory_space<vmem>> -> memref<128x32xf32, #tpu.memory_space<vmem>>
      %dma_wait3A_355 = arith.constant 0 : i32
      %dma_wait3A_356 = tpu.memref_slice %arg7[%add3A_170, %dma_wait3A_355] : memref<80x128xi32, #tpu.memory_space<vmem>> -> memref<1x128xi32, #tpu.memory_space<vmem>>
      %dma_wait3A_357 = tpu.memref_squeeze %dma_wait3A_356 : memref<1x128xi32, #tpu.memory_space<vmem>> -> memref<128xi32, #tpu.memory_space<vmem>>
      %dma_wait3A_358 = arith.constant 0 : i32
      %dma_wait3A_359 = arith.constant 0 : i32
      %dma_wait3A_360 = tpu.memref_slice %arg10[%dma_wait3A_358, %dma_wait3A_359] : memref<10240x32xf32, #tpu.memory_space<vmem_shared>> -> memref<10240x32xf32, #tpu.memory_space<vmem_shared>>
      tpu.wait_indirect_dma semaphore(%arg19 : memref<!tpu.dma_semaphore, #tpu.memory_space<semaphore_mem>>) src(%dma_wait3A_354 : memref<128x32xf32, #tpu.memory_space<vmem>>) dst(%dma_wait3A_360 : memref<10240x32xf32, #tpu.memory_space<vmem_shared>>)
      %dma_wait3A_361 = arith.constant 1 : i32
      %dma_wait3A_362 = arith.constant 0 : i32
      %dma_wait3A_363 = arith.constant 0 : i32
      %dma_wait3A_364 = tpu.memref_slice %arg8[%dma_wait3A_361, %dma_wait3A_362, %dma_wait3A_363] : memref<8x128x32xf32, #tpu.memory_space<vmem>> -> memref<1x128x32xf32, #tpu.memory_space<vmem>>
      %dma_wait3A_365 = tpu.memref_squeeze %dma_wait3A_364 : memref<1x128x32xf32, #tpu.memory_space<vmem>> -> memref<128x32xf32, #tpu.memory_space<vmem>>
      %dma_wait3A_366 = arith.constant 0 : i32
      %dma_wait3A_367 = tpu.memref_slice %arg7[%add3A_194, %dma_wait3A_366] : memref<80x128xi32, #tpu.memory_space<vmem>> -> memref<1x128xi32, #tpu.memory_space<vmem>>
      %dma_wait3A_368 = tpu.memref_squeeze %dma_wait3A_367 : memref<1x128xi32, #tpu.memory_space<vmem>> -> memref<128xi32, #tpu.memory_space<vmem>>
      %dma_wait3A_369 = arith.constant 0 : i32
      %dma_wait3A_370 = arith.constant 0 : i32
      %dma_wait3A_371 = tpu.memref_slice %arg10[%dma_wait3A_369, %dma_wait3A_370] : memref<10240x32xf32, #tpu.memory_space<vmem_shared>> -> memref<10240x32xf32, #tpu.memory_space<vmem_shared>>
      tpu.wait_indirect_dma semaphore(%arg20 : memref<!tpu.dma_semaphore, #tpu.memory_space<semaphore_mem>>) src(%dma_wait3A_365 : memref<128x32xf32, #tpu.memory_space<vmem>>) dst(%dma_wait3A_371 : memref<10240x32xf32, #tpu.memory_space<vmem_shared>>)
      %dma_wait3A_372 = arith.constant 2 : i32
      %dma_wait3A_373 = arith.constant 0 : i32
      %dma_wait3A_374 = arith.constant 0 : i32
      %dma_wait3A_375 = tpu.memref_slice %arg8[%dma_wait3A_372, %dma_wait3A_373, %dma_wait3A_374] : memref<8x128x32xf32, #tpu.memory_space<vmem>> -> memref<1x128x32xf32, #tpu.memory_space<vmem>>
      %dma_wait3A_376 = tpu.memref_squeeze %dma_wait3A_375 : memref<1x128x32xf32, #tpu.memory_space<vmem>> -> memref<128x32xf32, #tpu.memory_space<vmem>>
      %dma_wait3A_377 = arith.constant 0 : i32
      %dma_wait3A_378 = tpu.memref_slice %arg7[%add3A_218, %dma_wait3A_377] : memref<80x128xi32, #tpu.memory_space<vmem>> -> memref<1x128xi32, #tpu.memory_space<vmem>>
      %dma_wait3A_379 = tpu.memref_squeeze %dma_wait3A_378 : memref<1x128xi32, #tpu.memory_space<vmem>> -> memref<128xi32, #tpu.memory_space<vmem>>
      %dma_wait3A_380 = arith.constant 0 : i32
      %dma_wait3A_381 = arith.constant 0 : i32
      %dma_wait3A_382 = tpu.memref_slice %arg10[%dma_wait3A_380, %dma_wait3A_381] : memref<10240x32xf32, #tpu.memory_space<vmem_shared>> -> memref<10240x32xf32, #tpu.memory_space<vmem_shared>>
      tpu.wait_indirect_dma semaphore(%arg21 : memref<!tpu.dma_semaphore, #tpu.memory_space<semaphore_mem>>) src(%dma_wait3A_376 : memref<128x32xf32, #tpu.memory_space<vmem>>) dst(%dma_wait3A_382 : memref<10240x32xf32, #tpu.memory_space<vmem_shared>>)
      %dma_wait3A_383 = arith.constant 3 : i32
      %dma_wait3A_384 = arith.constant 0 : i32
      %dma_wait3A_385 = arith.constant 0 : i32
      %dma_wait3A_386 = tpu.memref_slice %arg8[%dma_wait3A_383, %dma_wait3A_384, %dma_wait3A_385] : memref<8x128x32xf32, #tpu.memory_space<vmem>> -> memref<1x128x32xf32, #tpu.memory_space<vmem>>
      %dma_wait3A_387 = tpu.memref_squeeze %dma_wait3A_386 : memref<1x128x32xf32, #tpu.memory_space<vmem>> -> memref<128x32xf32, #tpu.memory_space<vmem>>
      %dma_wait3A_388 = arith.constant 0 : i32
      %dma_wait3A_389 = tpu.memref_slice %arg7[%add3A_242, %dma_wait3A_388] : memref<80x128xi32, #tpu.memory_space<vmem>> -> memref<1x128xi32, #tpu.memory_space<vmem>>
      %dma_wait3A_390 = tpu.memref_squeeze %dma_wait3A_389 : memref<1x128xi32, #tpu.memory_space<vmem>> -> memref<128xi32, #tpu.memory_space<vmem>>
      %dma_wait3A_391 = arith.constant 0 : i32
      %dma_wait3A_392 = arith.constant 0 : i32
      %dma_wait3A_393 = tpu.memref_slice %arg10[%dma_wait3A_391, %dma_wait3A_392] : memref<10240x32xf32, #tpu.memory_space<vmem_shared>> -> memref<10240x32xf32, #tpu.memory_space<vmem_shared>>
      tpu.wait_indirect_dma semaphore(%arg22 : memref<!tpu.dma_semaphore, #tpu.memory_space<semaphore_mem>>) src(%dma_wait3A_387 : memref<128x32xf32, #tpu.memory_space<vmem>>) dst(%dma_wait3A_393 : memref<10240x32xf32, #tpu.memory_space<vmem_shared>>)
      %dma_wait3A_394 = arith.constant 4 : i32
      %dma_wait3A_395 = arith.constant 0 : i32
      %dma_wait3A_396 = arith.constant 0 : i32
      %dma_wait3A_397 = tpu.memref_slice %arg8[%dma_wait3A_394, %dma_wait3A_395, %dma_wait3A_396] : memref<8x128x32xf32, #tpu.memory_space<vmem>> -> memref<1x128x32xf32, #tpu.memory_space<vmem>>
      %dma_wait3A_398 = tpu.memref_squeeze %dma_wait3A_397 : memref<1x128x32xf32, #tpu.memory_space<vmem>> -> memref<128x32xf32, #tpu.memory_space<vmem>>
      %dma_wait3A_399 = arith.constant 0 : i32
      %dma_wait3A_400 = tpu.memref_slice %arg7[%add3A_266, %dma_wait3A_399] : memref<80x128xi32, #tpu.memory_space<vmem>> -> memref<1x128xi32, #tpu.memory_space<vmem>>
      %dma_wait3A_401 = tpu.memref_squeeze %dma_wait3A_400 : memref<1x128xi32, #tpu.memory_space<vmem>> -> memref<128xi32, #tpu.memory_space<vmem>>
      %dma_wait3A_402 = arith.constant 0 : i32
      %dma_wait3A_403 = arith.constant 0 : i32
      %dma_wait3A_404 = tpu.memref_slice %arg10[%dma_wait3A_402, %dma_wait3A_403] : memref<10240x32xf32, #tpu.memory_space<vmem_shared>> -> memref<10240x32xf32, #tpu.memory_space<vmem_shared>>
      tpu.wait_indirect_dma semaphore(%arg23 : memref<!tpu.dma_semaphore, #tpu.memory_space<semaphore_mem>>) src(%dma_wait3A_398 : memref<128x32xf32, #tpu.memory_space<vmem>>) dst(%dma_wait3A_404 : memref<10240x32xf32, #tpu.memory_space<vmem_shared>>)
      %dma_wait3A_405 = arith.constant 5 : i32
      %dma_wait3A_406 = arith.constant 0 : i32
      %dma_wait3A_407 = arith.constant 0 : i32
      %dma_wait3A_408 = tpu.memref_slice %arg8[%dma_wait3A_405, %dma_wait3A_406, %dma_wait3A_407] : memref<8x128x32xf32, #tpu.memory_space<vmem>> -> memref<1x128x32xf32, #tpu.memory_space<vmem>>
      %dma_wait3A_409 = tpu.memref_squeeze %dma_wait3A_408 : memref<1x128x32xf32, #tpu.memory_space<vmem>> -> memref<128x32xf32, #tpu.memory_space<vmem>>
      %dma_wait3A_410 = arith.constant 0 : i32
      %dma_wait3A_411 = tpu.memref_slice %arg7[%add3A_290, %dma_wait3A_410] : memref<80x128xi32, #tpu.memory_space<vmem>> -> memref<1x128xi32, #tpu.memory_space<vmem>>
      %dma_wait3A_412 = tpu.memref_squeeze %dma_wait3A_411 : memref<1x128xi32, #tpu.memory_space<vmem>> -> memref<128xi32, #tpu.memory_space<vmem>>
      %dma_wait3A_413 = arith.constant 0 : i32
      %dma_wait3A_414 = arith.constant 0 : i32
      %dma_wait3A_415 = tpu.memref_slice %arg10[%dma_wait3A_413, %dma_wait3A_414] : memref<10240x32xf32, #tpu.memory_space<vmem_shared>> -> memref<10240x32xf32, #tpu.memory_space<vmem_shared>>
      tpu.wait_indirect_dma semaphore(%arg24 : memref<!tpu.dma_semaphore, #tpu.memory_space<semaphore_mem>>) src(%dma_wait3A_409 : memref<128x32xf32, #tpu.memory_space<vmem>>) dst(%dma_wait3A_415 : memref<10240x32xf32, #tpu.memory_space<vmem_shared>>)
      %dma_wait3A_416 = arith.constant 6 : i32
      %dma_wait3A_417 = arith.constant 0 : i32
      %dma_wait3A_418 = arith.constant 0 : i32
      %dma_wait3A_419 = tpu.memref_slice %arg8[%dma_wait3A_416, %dma_wait3A_417, %dma_wait3A_418] : memref<8x128x32xf32, #tpu.memory_space<vmem>> -> memref<1x128x32xf32, #tpu.memory_space<vmem>>
      %dma_wait3A_420 = tpu.memref_squeeze %dma_wait3A_419 : memref<1x128x32xf32, #tpu.memory_space<vmem>> -> memref<128x32xf32, #tpu.memory_space<vmem>>
      %dma_wait3A_421 = arith.constant 0 : i32
      %dma_wait3A_422 = tpu.memref_slice %arg7[%add3A_314, %dma_wait3A_421] : memref<80x128xi32, #tpu.memory_space<vmem>> -> memref<1x128xi32, #tpu.memory_space<vmem>>
      %dma_wait3A_423 = tpu.memref_squeeze %dma_wait3A_422 : memref<1x128xi32, #tpu.memory_space<vmem>> -> memref<128xi32, #tpu.memory_space<vmem>>
      %dma_wait3A_424 = arith.constant 0 : i32
      %dma_wait3A_425 = arith.constant 0 : i32
      %dma_wait3A_426 = tpu.memref_slice %arg10[%dma_wait3A_424, %dma_wait3A_425] : memref<10240x32xf32, #tpu.memory_space<vmem_shared>> -> memref<10240x32xf32, #tpu.memory_space<vmem_shared>>
      tpu.wait_indirect_dma semaphore(%arg25 : memref<!tpu.dma_semaphore, #tpu.memory_space<semaphore_mem>>) src(%dma_wait3A_420 : memref<128x32xf32, #tpu.memory_space<vmem>>) dst(%dma_wait3A_426 : memref<10240x32xf32, #tpu.memory_space<vmem_shared>>)
      %dma_wait3A_427 = arith.constant 7 : i32
      %dma_wait3A_428 = arith.constant 0 : i32
      %dma_wait3A_429 = arith.constant 0 : i32
      %dma_wait3A_430 = tpu.memref_slice %arg8[%dma_wait3A_427, %dma_wait3A_428, %dma_wait3A_429] : memref<8x128x32xf32, #tpu.memory_space<vmem>> -> memref<1x128x32xf32, #tpu.memory_space<vmem>>
      %dma_wait3A_431 = tpu.memref_squeeze %dma_wait3A_430 : memref<1x128x32xf32, #tpu.memory_space<vmem>> -> memref<128x32xf32, #tpu.memory_space<vmem>>
      %dma_wait3A_432 = arith.constant 0 : i32
      %dma_wait3A_433 = tpu.memref_slice %arg7[%add3A_338, %dma_wait3A_432] : memref<80x128xi32, #tpu.memory_space<vmem>> -> memref<1x128xi32, #tpu.memory_space<vmem>>
      %dma_wait3A_434 = tpu.memref_squeeze %dma_wait3A_433 : memref<1x128xi32, #tpu.memory_space<vmem>> -> memref<128xi32, #tpu.memory_space<vmem>>
      %dma_wait3A_435 = arith.constant 0 : i32
      %dma_wait3A_436 = arith.constant 0 : i32
      %dma_wait3A_437 = tpu.memref_slice %arg10[%dma_wait3A_435, %dma_wait3A_436] : memref<10240x32xf32, #tpu.memory_space<vmem_shared>> -> memref<10240x32xf32, #tpu.memory_space<vmem_shared>>
      tpu.wait_indirect_dma semaphore(%arg26 : memref<!tpu.dma_semaphore, #tpu.memory_space<semaphore_mem>>) src(%dma_wait3A_431 : memref<128x32xf32, #tpu.memory_space<vmem>>) dst(%dma_wait3A_437 : memref<10240x32xf32, #tpu.memory_space<vmem_shared>>)
    }
    %scan3A_29 = arith.constant 10 : i32
    %barrier3A_30 = arith.constant 0 : index
    tpu.barrier barrier_id(%barrier3A_30)
    %mul3A_31 = arith.constant 640 : i32
    %mul3A_32 = arith.muli %arg1, %mul3A_31 : i32
    %add3A_33 = arith.constant 0 : i32
    %add3A_34 = arith.addi %mul3A_32, %add3A_33 : i32
    "tpu.region"() ({
      %run_scoped3A = tpu.sem_alloc : memref<!tpu.dma_semaphore, #tpu.memory_space<semaphore_mem>>
      %dma_start3A = arith.constant 0 : i32
      %dma_start3A_51 = tpu.memref_slice %arg5[%arg0, %add3A_34, %dma_start3A] : memref<2x10240x32xf32, #tpu.memory_space<hbm>> -> memref<1x128x32xf32, #tpu.memory_space<hbm>>
      %dma_start3A_52 = tpu.memref_squeeze %dma_start3A_51 : memref<1x128x32xf32, #tpu.memory_space<hbm>> -> memref<128x32xf32, #tpu.memory_space<hbm>>
      %dma_start3A_53 = arith.constant 0 : i32
      %dma_start3A_54 = tpu.memref_slice %arg10[%add3A_34, %dma_start3A_53] : memref<10240x32xf32, #tpu.memory_space<vmem_shared>> -> memref<128x32xf32, #tpu.memory_space<vmem_shared>>
      tpu.enqueue_dma source(%dma_start3A_54 : memref<128x32xf32, #tpu.memory_space<vmem_shared>>) target(%dma_start3A_52 : memref<128x32xf32, #tpu.memory_space<hbm>>) target_semaphore(%run_scoped3A : memref<!tpu.dma_semaphore, #tpu.memory_space<semaphore_mem>>)
      %dma_wait3A = arith.constant 0 : i32
      %dma_wait3A_55 = tpu.memref_slice %arg5[%arg0, %add3A_34, %dma_wait3A] : memref<2x10240x32xf32, #tpu.memory_space<hbm>> -> memref<1x128x32xf32, #tpu.memory_space<hbm>>
      %dma_wait3A_56 = tpu.memref_squeeze %dma_wait3A_55 : memref<1x128x32xf32, #tpu.memory_space<hbm>> -> memref<128x32xf32, #tpu.memory_space<hbm>>
      %dma_wait3A_57 = arith.constant 0 : i32
      %dma_wait3A_58 = tpu.memref_slice %arg10[%add3A_34, %dma_wait3A_57] : memref<10240x32xf32, #tpu.memory_space<vmem_shared>> -> memref<128x32xf32, #tpu.memory_space<vmem_shared>>
      tpu.wait_dma2 semaphore(%run_scoped3A : memref<!tpu.dma_semaphore, #tpu.memory_space<semaphore_mem>>) src(%dma_wait3A_58 : memref<128x32xf32, #tpu.memory_space<vmem_shared>>) dst(%dma_wait3A_56 : memref<128x32xf32, #tpu.memory_space<hbm>>)
      tpu.yield
    }) : () -> ()
    %mul3A_35 = arith.constant 640 : i32
    %mul3A_36 = arith.muli %arg1, %mul3A_35 : i32
    %add3A_37 = arith.constant 128 : i32
    %add3A_38 = arith.addi %mul3A_36, %add3A_37 : i32
    "tpu.region"() ({
      %run_scoped3A = tpu.sem_alloc : memref<!tpu.dma_semaphore, #tpu.memory_space<semaphore_mem>>
      %dma_start3A = arith.constant 0 : i32
      %dma_start3A_51 = tpu.memref_slice %arg5[%arg0, %add3A_38, %dma_start3A] : memref<2x10240x32xf32, #tpu.memory_space<hbm>> -> memref<1x128x32xf32, #tpu.memory_space<hbm>>
      %dma_start3A_52 = tpu.memref_squeeze %dma_start3A_51 : memref<1x128x32xf32, #tpu.memory_space<hbm>> -> memref<128x32xf32, #tpu.memory_space<hbm>>
      %dma_start3A_53 = arith.constant 0 : i32
      %dma_start3A_54 = tpu.memref_slice %arg10[%add3A_38, %dma_start3A_53] : memref<10240x32xf32, #tpu.memory_space<vmem_shared>> -> memref<128x32xf32, #tpu.memory_space<vmem_shared>>
      tpu.enqueue_dma source(%dma_start3A_54 : memref<128x32xf32, #tpu.memory_space<vmem_shared>>) target(%dma_start3A_52 : memref<128x32xf32, #tpu.memory_space<hbm>>) target_semaphore(%run_scoped3A : memref<!tpu.dma_semaphore, #tpu.memory_space<semaphore_mem>>)
      %dma_wait3A = arith.constant 0 : i32
      %dma_wait3A_55 = tpu.memref_slice %arg5[%arg0, %add3A_38, %dma_wait3A] : memref<2x10240x32xf32, #tpu.memory_space<hbm>> -> memref<1x128x32xf32, #tpu.memory_space<hbm>>
      %dma_wait3A_56 = tpu.memref_squeeze %dma_wait3A_55 : memref<1x128x32xf32, #tpu.memory_space<hbm>> -> memref<128x32xf32, #tpu.memory_space<hbm>>
      %dma_wait3A_57 = arith.constant 0 : i32
      %dma_wait3A_58 = tpu.memref_slice %arg10[%add3A_38, %dma_wait3A_57] : memref<10240x32xf32, #tpu.memory_space<vmem_shared>> -> memref<128x32xf32, #tpu.memory_space<vmem_shared>>
      tpu.wait_dma2 semaphore(%run_scoped3A : memref<!tpu.dma_semaphore, #tpu.memory_space<semaphore_mem>>) src(%dma_wait3A_58 : memref<128x32xf32, #tpu.memory_space<vmem_shared>>) dst(%dma_wait3A_56 : memref<128x32xf32, #tpu.memory_space<hbm>>)
      tpu.yield
    }) : () -> ()
    %mul3A_39 = arith.constant 640 : i32
    %mul3A_40 = arith.muli %arg1, %mul3A_39 : i32
    %add3A_41 = arith.constant 256 : i32
    %add3A_42 = arith.addi %mul3A_40, %add3A_41 : i32
    "tpu.region"() ({
      %run_scoped3A = tpu.sem_alloc : memref<!tpu.dma_semaphore, #tpu.memory_space<semaphore_mem>>
      %dma_start3A = arith.constant 0 : i32
      %dma_start3A_51 = tpu.memref_slice %arg5[%arg0, %add3A_42, %dma_start3A] : memref<2x10240x32xf32, #tpu.memory_space<hbm>> -> memref<1x128x32xf32, #tpu.memory_space<hbm>>
      %dma_start3A_52 = tpu.memref_squeeze %dma_start3A_51 : memref<1x128x32xf32, #tpu.memory_space<hbm>> -> memref<128x32xf32, #tpu.memory_space<hbm>>
      %dma_start3A_53 = arith.constant 0 : i32
      %dma_start3A_54 = tpu.memref_slice %arg10[%add3A_42, %dma_start3A_53] : memref<10240x32xf32, #tpu.memory_space<vmem_shared>> -> memref<128x32xf32, #tpu.memory_space<vmem_shared>>
      tpu.enqueue_dma source(%dma_start3A_54 : memref<128x32xf32, #tpu.memory_space<vmem_shared>>) target(%dma_start3A_52 : memref<128x32xf32, #tpu.memory_space<hbm>>) target_semaphore(%run_scoped3A : memref<!tpu.dma_semaphore, #tpu.memory_space<semaphore_mem>>)
      %dma_wait3A = arith.constant 0 : i32
      %dma_wait3A_55 = tpu.memref_slice %arg5[%arg0, %add3A_42, %dma_wait3A] : memref<2x10240x32xf32, #tpu.memory_space<hbm>> -> memref<1x128x32xf32, #tpu.memory_space<hbm>>
      %dma_wait3A_56 = tpu.memref_squeeze %dma_wait3A_55 : memref<1x128x32xf32, #tpu.memory_space<hbm>> -> memref<128x32xf32, #tpu.memory_space<hbm>>
      %dma_wait3A_57 = arith.constant 0 : i32
      %dma_wait3A_58 = tpu.memref_slice %arg10[%add3A_42, %dma_wait3A_57] : memref<10240x32xf32, #tpu.memory_space<vmem_shared>> -> memref<128x32xf32, #tpu.memory_space<vmem_shared>>
      tpu.wait_dma2 semaphore(%run_scoped3A : memref<!tpu.dma_semaphore, #tpu.memory_space<semaphore_mem>>) src(%dma_wait3A_58 : memref<128x32xf32, #tpu.memory_space<vmem_shared>>) dst(%dma_wait3A_56 : memref<128x32xf32, #tpu.memory_space<hbm>>)
      tpu.yield
    }) : () -> ()
    %mul3A_43 = arith.constant 640 : i32
    %mul3A_44 = arith.muli %arg1, %mul3A_43 : i32
    %add3A_45 = arith.constant 384 : i32
    %add3A_46 = arith.addi %mul3A_44, %add3A_45 : i32
    "tpu.region"() ({
      %run_scoped3A = tpu.sem_alloc : memref<!tpu.dma_semaphore, #tpu.memory_space<semaphore_mem>>
      %dma_start3A = arith.constant 0 : i32
      %dma_start3A_51 = tpu.memref_slice %arg5[%arg0, %add3A_46, %dma_start3A] : memref<2x10240x32xf32, #tpu.memory_space<hbm>> -> memref<1x128x32xf32, #tpu.memory_space<hbm>>
      %dma_start3A_52 = tpu.memref_squeeze %dma_start3A_51 : memref<1x128x32xf32, #tpu.memory_space<hbm>> -> memref<128x32xf32, #tpu.memory_space<hbm>>
      %dma_start3A_53 = arith.constant 0 : i32
      %dma_start3A_54 = tpu.memref_slice %arg10[%add3A_46, %dma_start3A_53] : memref<10240x32xf32, #tpu.memory_space<vmem_shared>> -> memref<128x32xf32, #tpu.memory_space<vmem_shared>>
      tpu.enqueue_dma source(%dma_start3A_54 : memref<128x32xf32, #tpu.memory_space<vmem_shared>>) target(%dma_start3A_52 : memref<128x32xf32, #tpu.memory_space<hbm>>) target_semaphore(%run_scoped3A : memref<!tpu.dma_semaphore, #tpu.memory_space<semaphore_mem>>)
      %dma_wait3A = arith.constant 0 : i32
      %dma_wait3A_55 = tpu.memref_slice %arg5[%arg0, %add3A_46, %dma_wait3A] : memref<2x10240x32xf32, #tpu.memory_space<hbm>> -> memref<1x128x32xf32, #tpu.memory_space<hbm>>
      %dma_wait3A_56 = tpu.memref_squeeze %dma_wait3A_55 : memref<1x128x32xf32, #tpu.memory_space<hbm>> -> memref<128x32xf32, #tpu.memory_space<hbm>>
      %dma_wait3A_57 = arith.constant 0 : i32
      %dma_wait3A_58 = tpu.memref_slice %arg10[%add3A_46, %dma_wait3A_57] : memref<10240x32xf32, #tpu.memory_space<vmem_shared>> -> memref<128x32xf32, #tpu.memory_space<vmem_shared>>
      tpu.wait_dma2 semaphore(%run_scoped3A : memref<!tpu.dma_semaphore, #tpu.memory_space<semaphore_mem>>) src(%dma_wait3A_58 : memref<128x32xf32, #tpu.memory_space<vmem_shared>>) dst(%dma_wait3A_56 : memref<128x32xf32, #tpu.memory_space<hbm>>)
      tpu.yield
    }) : () -> ()
    %mul3A_47 = arith.constant 640 : i32
    %mul3A_48 = arith.muli %arg1, %mul3A_47 : i32
    %add3A_49 = arith.constant 512 : i32
    %add3A_50 = arith.addi %mul3A_48, %add3A_49 : i32
    "tpu.region"() ({
      %run_scoped3A = tpu.sem_alloc : memref<!tpu.dma_semaphore, #tpu.memory_space<semaphore_mem>>
      %dma_start3A = arith.constant 0 : i32
      %dma_start3A_51 = tpu.memref_slice %arg5[%arg0, %add3A_50, %dma_start3A] : memref<2x10240x32xf32, #tpu.memory_space<hbm>> -> memref<1x128x32xf32, #tpu.memory_space<hbm>>
      %dma_start3A_52 = tpu.memref_squeeze %dma_start3A_51 : memref<1x128x32xf32, #tpu.memory_space<hbm>> -> memref<128x32xf32, #tpu.memory_space<hbm>>
      %dma_start3A_53 = arith.constant 0 : i32
      %dma_start3A_54 = tpu.memref_slice %arg10[%add3A_50, %dma_start3A_53] : memref<10240x32xf32, #tpu.memory_space<vmem_shared>> -> memref<128x32xf32, #tpu.memory_space<vmem_shared>>
      tpu.enqueue_dma source(%dma_start3A_54 : memref<128x32xf32, #tpu.memory_space<vmem_shared>>) target(%dma_start3A_52 : memref<128x32xf32, #tpu.memory_space<hbm>>) target_semaphore(%run_scoped3A : memref<!tpu.dma_semaphore, #tpu.memory_space<semaphore_mem>>)
      %dma_wait3A = arith.constant 0 : i32
      %dma_wait3A_55 = tpu.memref_slice %arg5[%arg0, %add3A_50, %dma_wait3A] : memref<2x10240x32xf32, #tpu.memory_space<hbm>> -> memref<1x128x32xf32, #tpu.memory_space<hbm>>
      %dma_wait3A_56 = tpu.memref_squeeze %dma_wait3A_55 : memref<1x128x32xf32, #tpu.memory_space<hbm>> -> memref<128x32xf32, #tpu.memory_space<hbm>>
      %dma_wait3A_57 = arith.constant 0 : i32
      %dma_wait3A_58 = tpu.memref_slice %arg10[%add3A_50, %dma_wait3A_57] : memref<10240x32xf32, #tpu.memory_space<vmem_shared>> -> memref<128x32xf32, #tpu.memory_space<vmem_shared>>
      tpu.wait_dma2 semaphore(%run_scoped3A : memref<!tpu.dma_semaphore, #tpu.memory_space<semaphore_mem>>) src(%dma_wait3A_58 : memref<128x32xf32, #tpu.memory_space<vmem_shared>>) dst(%dma_wait3A_56 : memref<128x32xf32, #tpu.memory_space<hbm>>)
      tpu.yield
    }) : () -> ()
    return
  }
}

#map = affine_map<(d0, d1) -> (0, 0, 0)>
module attributes {stable_mosaic.version = 14 : i64} {
  func.func @deg_kernel(%arg0: i32, %arg1: i32, %arg2: memref<32x80x128xi32, #tpu.memory_space<hbm>>, %arg3: memref<2x10240x16xf32, #tpu.memory_space<hbm>>, %arg4: memref<80x128xi32, #tpu.memory_space<vmem>>, %arg5: memref<128x16xf32, #tpu.memory_space<vmem>>, %arg6: memref<128x16xf32, #tpu.memory_space<vmem>>, %arg7: memref<10240x16xf32, #tpu.memory_space<vmem_shared>>, %arg8: memref<!tpu.dma_semaphore, #tpu.memory_space<semaphore_mem>>, %arg9: memref<!tpu.dma_semaphore, #tpu.memory_space<semaphore_mem>>, %arg10: memref<!tpu.dma_semaphore, #tpu.memory_space<semaphore_mem>>, %arg11: memref<!tpu.dma_semaphore, #tpu.memory_space<semaphore_mem>>) attributes {dimension_semantics = [#tpu.dimension_semantics<core_parallel>, #tpu.dimension_semantics<subcore_parallel>], iteration_bounds = array<i64: 2, 16>, scalar_prefetch = 0 : i64, scratch_operands = 8 : i64, tpu.core_type = #tpu.core_type<sc_vector_subcore>, window_params = [{transform_indices = #map}, {transform_indices = #map}]} {
    %mul3A = arith.constant 16 : i32
    %mul3A_0 = arith.muli %arg0, %mul3A : i32
    %add3A = arith.addi %mul3A_0, %arg1 : i32
    %scan3A = arith.constant 0 : i32
    %scan3A_1 = arith.constant 128 : i32
    %scan3A_2 = arith.addi %scan3A, %scan3A_1 : i32
    %scan3A_3 = arith.constant 1 : i32
    scf.for %scan3A_56 = %scan3A to %scan3A_2 step %scan3A_3  : i32 {
      %mul3A_57 = arith.constant 1 : i32
      %mul3A_58 = arith.muli %scan3A_56, %mul3A_57 : i32
      %add3A_59 = arith.constant 0 : i32
      %add3A_60 = arith.addi %add3A_59, %mul3A_58 : i32
      %broadcast_in_dim3A = arith.constant 0.000000e+00 : f32
      %broadcast_in_dim3A_61 = vector.broadcast %broadcast_in_dim3A : f32 to vector<16xf32>
      %swap3A = arith.index_cast %add3A_60 : i32 to index
      %swap3A_62 = arith.constant 0 : index
      %swap3A_63 = tpu.vector_load %arg6[%swap3A, %swap3A_62] {strides = array<i32>} : memref<128x16xf32, #tpu.memory_space<vmem>>, vector<1x16xf32>,
      %swap3A_64 = vector.shape_cast %swap3A_63 : vector<1x16xf32> to vector<16xf32>
      %swap3A_65 = vector.shape_cast %broadcast_in_dim3A_61 : vector<16xf32> to vector<1x16xf32>
      tpu.vector_store %arg6[%swap3A, %swap3A_62], %swap3A_65 {strides = array<i32>} : memref<128x16xf32, #tpu.memory_space<vmem>>, vector<1x16xf32>,
    }
    %scan3A_4 = arith.constant 128 : i32
    %scan3A_5 = arith.constant 0 : i32
    %scan3A_6 = arith.constant 128 : i32
    %scan3A_7 = arith.addi %scan3A_5, %scan3A_6 : i32
    %scan3A_8 = arith.constant 1 : i32
    scf.for %scan3A_56 = %scan3A_5 to %scan3A_7 step %scan3A_8  : i32 {
      %mul3A_57 = arith.constant 1 : i32
      %mul3A_58 = arith.muli %scan3A_56, %mul3A_57 : i32
      %add3A_59 = arith.constant 0 : i32
      %add3A_60 = arith.addi %add3A_59, %mul3A_58 : i32
      %broadcast_in_dim3A = arith.constant 1.000000e+00 : f32
      %broadcast_in_dim3A_61 = vector.broadcast %broadcast_in_dim3A : f32 to vector<16xf32>
      %swap3A = arith.index_cast %add3A_60 : i32 to index
      %swap3A_62 = arith.constant 0 : index
      %swap3A_63 = tpu.vector_load %arg5[%swap3A, %swap3A_62] {strides = array<i32>} : memref<128x16xf32, #tpu.memory_space<vmem>>, vector<1x16xf32>,
      %swap3A_64 = vector.shape_cast %swap3A_63 : vector<1x16xf32> to vector<16xf32>
      %swap3A_65 = vector.shape_cast %broadcast_in_dim3A_61 : vector<16xf32> to vector<1x16xf32>
      tpu.vector_store %arg5[%swap3A, %swap3A_62], %swap3A_65 {strides = array<i32>} : memref<128x16xf32, #tpu.memory_space<vmem>>, vector<1x16xf32>,
    }
    %scan3A_9 = arith.constant 128 : i32
    %mul3A_10 = arith.constant 640 : i32
    %mul3A_11 = arith.muli %arg1, %mul3A_10 : i32
    %add3A_12 = arith.constant 0 : i32
    %add3A_13 = arith.addi %mul3A_11, %add3A_12 : i32
    "tpu.region"() ({
      %run_scoped3A = tpu.sem_alloc : memref<!tpu.dma_semaphore, #tpu.memory_space<semaphore_mem>>
      %dma_start3A = arith.constant 0 : i32
      %dma_start3A_56 = tpu.memref_slice %arg7[%add3A_13, %dma_start3A] : memref<10240x16xf32, #tpu.memory_space<vmem_shared>> -> memref<128x16xf32, #tpu.memory_space<vmem_shared>>
      %dma_start3A_57 = arith.constant 0 : i32
      %dma_start3A_58 = tpu.memref_slice %arg7[%add3A_13, %dma_start3A_57] : memref<10240x16xf32, #tpu.memory_space<vmem_shared>> -> memref<128x16xf32, #tpu.memory_space<vmem_shared>>
      tpu.enqueue_dma source(%arg6 : memref<128x16xf32, #tpu.memory_space<vmem>>) target(%dma_start3A_58 : memref<128x16xf32, #tpu.memory_space<vmem_shared>>) target_semaphore(%run_scoped3A : memref<!tpu.dma_semaphore, #tpu.memory_space<semaphore_mem>>)
      %dma_wait3A = arith.constant 0 : i32
      %dma_wait3A_59 = tpu.memref_slice %arg7[%add3A_13, %dma_wait3A] : memref<10240x16xf32, #tpu.memory_space<vmem_shared>> -> memref<128x16xf32, #tpu.memory_space<vmem_shared>>
      %dma_wait3A_60 = arith.constant 0 : i32
      %dma_wait3A_61 = tpu.memref_slice %arg7[%add3A_13, %dma_wait3A_60] : memref<10240x16xf32, #tpu.memory_space<vmem_shared>> -> memref<128x16xf32, #tpu.memory_space<vmem_shared>>
      tpu.wait_dma2 semaphore(%run_scoped3A : memref<!tpu.dma_semaphore, #tpu.memory_space<semaphore_mem>>) src(%arg6 : memref<128x16xf32, #tpu.memory_space<vmem>>) dst(%dma_wait3A_61 : memref<128x16xf32, #tpu.memory_space<vmem_shared>>)
      tpu.yield
    }) : () -> ()
    %mul3A_14 = arith.constant 640 : i32
    %mul3A_15 = arith.muli %arg1, %mul3A_14 : i32
    %add3A_16 = arith.constant 128 : i32
    %add3A_17 = arith.addi %mul3A_15, %add3A_16 : i32
    "tpu.region"() ({
      %run_scoped3A = tpu.sem_alloc : memref<!tpu.dma_semaphore, #tpu.memory_space<semaphore_mem>>
      %dma_start3A = arith.constant 0 : i32
      %dma_start3A_56 = tpu.memref_slice %arg7[%add3A_17, %dma_start3A] : memref<10240x16xf32, #tpu.memory_space<vmem_shared>> -> memref<128x16xf32, #tpu.memory_space<vmem_shared>>
      %dma_start3A_57 = arith.constant 0 : i32
      %dma_start3A_58 = tpu.memref_slice %arg7[%add3A_17, %dma_start3A_57] : memref<10240x16xf32, #tpu.memory_space<vmem_shared>> -> memref<128x16xf32, #tpu.memory_space<vmem_shared>>
      tpu.enqueue_dma source(%arg6 : memref<128x16xf32, #tpu.memory_space<vmem>>) target(%dma_start3A_58 : memref<128x16xf32, #tpu.memory_space<vmem_shared>>) target_semaphore(%run_scoped3A : memref<!tpu.dma_semaphore, #tpu.memory_space<semaphore_mem>>)
      %dma_wait3A = arith.constant 0 : i32
      %dma_wait3A_59 = tpu.memref_slice %arg7[%add3A_17, %dma_wait3A] : memref<10240x16xf32, #tpu.memory_space<vmem_shared>> -> memref<128x16xf32, #tpu.memory_space<vmem_shared>>
      %dma_wait3A_60 = arith.constant 0 : i32
      %dma_wait3A_61 = tpu.memref_slice %arg7[%add3A_17, %dma_wait3A_60] : memref<10240x16xf32, #tpu.memory_space<vmem_shared>> -> memref<128x16xf32, #tpu.memory_space<vmem_shared>>
      tpu.wait_dma2 semaphore(%run_scoped3A : memref<!tpu.dma_semaphore, #tpu.memory_space<semaphore_mem>>) src(%arg6 : memref<128x16xf32, #tpu.memory_space<vmem>>) dst(%dma_wait3A_61 : memref<128x16xf32, #tpu.memory_space<vmem_shared>>)
      tpu.yield
    }) : () -> ()
    %mul3A_18 = arith.constant 640 : i32
    %mul3A_19 = arith.muli %arg1, %mul3A_18 : i32
    %add3A_20 = arith.constant 256 : i32
    %add3A_21 = arith.addi %mul3A_19, %add3A_20 : i32
    "tpu.region"() ({
      %run_scoped3A = tpu.sem_alloc : memref<!tpu.dma_semaphore, #tpu.memory_space<semaphore_mem>>
      %dma_start3A = arith.constant 0 : i32
      %dma_start3A_56 = tpu.memref_slice %arg7[%add3A_21, %dma_start3A] : memref<10240x16xf32, #tpu.memory_space<vmem_shared>> -> memref<128x16xf32, #tpu.memory_space<vmem_shared>>
      %dma_start3A_57 = arith.constant 0 : i32
      %dma_start3A_58 = tpu.memref_slice %arg7[%add3A_21, %dma_start3A_57] : memref<10240x16xf32, #tpu.memory_space<vmem_shared>> -> memref<128x16xf32, #tpu.memory_space<vmem_shared>>
      tpu.enqueue_dma source(%arg6 : memref<128x16xf32, #tpu.memory_space<vmem>>) target(%dma_start3A_58 : memref<128x16xf32, #tpu.memory_space<vmem_shared>>) target_semaphore(%run_scoped3A : memref<!tpu.dma_semaphore, #tpu.memory_space<semaphore_mem>>)
      %dma_wait3A = arith.constant 0 : i32
      %dma_wait3A_59 = tpu.memref_slice %arg7[%add3A_21, %dma_wait3A] : memref<10240x16xf32, #tpu.memory_space<vmem_shared>> -> memref<128x16xf32, #tpu.memory_space<vmem_shared>>
      %dma_wait3A_60 = arith.constant 0 : i32
      %dma_wait3A_61 = tpu.memref_slice %arg7[%add3A_21, %dma_wait3A_60] : memref<10240x16xf32, #tpu.memory_space<vmem_shared>> -> memref<128x16xf32, #tpu.memory_space<vmem_shared>>
      tpu.wait_dma2 semaphore(%run_scoped3A : memref<!tpu.dma_semaphore, #tpu.memory_space<semaphore_mem>>) src(%arg6 : memref<128x16xf32, #tpu.memory_space<vmem>>) dst(%dma_wait3A_61 : memref<128x16xf32, #tpu.memory_space<vmem_shared>>)
      tpu.yield
    }) : () -> ()
    %mul3A_22 = arith.constant 640 : i32
    %mul3A_23 = arith.muli %arg1, %mul3A_22 : i32
    %add3A_24 = arith.constant 384 : i32
    %add3A_25 = arith.addi %mul3A_23, %add3A_24 : i32
    "tpu.region"() ({
      %run_scoped3A = tpu.sem_alloc : memref<!tpu.dma_semaphore, #tpu.memory_space<semaphore_mem>>
      %dma_start3A = arith.constant 0 : i32
      %dma_start3A_56 = tpu.memref_slice %arg7[%add3A_25, %dma_start3A] : memref<10240x16xf32, #tpu.memory_space<vmem_shared>> -> memref<128x16xf32, #tpu.memory_space<vmem_shared>>
      %dma_start3A_57 = arith.constant 0 : i32
      %dma_start3A_58 = tpu.memref_slice %arg7[%add3A_25, %dma_start3A_57] : memref<10240x16xf32, #tpu.memory_space<vmem_shared>> -> memref<128x16xf32, #tpu.memory_space<vmem_shared>>
      tpu.enqueue_dma source(%arg6 : memref<128x16xf32, #tpu.memory_space<vmem>>) target(%dma_start3A_58 : memref<128x16xf32, #tpu.memory_space<vmem_shared>>) target_semaphore(%run_scoped3A : memref<!tpu.dma_semaphore, #tpu.memory_space<semaphore_mem>>)
      %dma_wait3A = arith.constant 0 : i32
      %dma_wait3A_59 = tpu.memref_slice %arg7[%add3A_25, %dma_wait3A] : memref<10240x16xf32, #tpu.memory_space<vmem_shared>> -> memref<128x16xf32, #tpu.memory_space<vmem_shared>>
      %dma_wait3A_60 = arith.constant 0 : i32
      %dma_wait3A_61 = tpu.memref_slice %arg7[%add3A_25, %dma_wait3A_60] : memref<10240x16xf32, #tpu.memory_space<vmem_shared>> -> memref<128x16xf32, #tpu.memory_space<vmem_shared>>
      tpu.wait_dma2 semaphore(%run_scoped3A : memref<!tpu.dma_semaphore, #tpu.memory_space<semaphore_mem>>) src(%arg6 : memref<128x16xf32, #tpu.memory_space<vmem>>) dst(%dma_wait3A_61 : memref<128x16xf32, #tpu.memory_space<vmem_shared>>)
      tpu.yield
    }) : () -> ()
    %mul3A_26 = arith.constant 640 : i32
    %mul3A_27 = arith.muli %arg1, %mul3A_26 : i32
    %add3A_28 = arith.constant 512 : i32
    %add3A_29 = arith.addi %mul3A_27, %add3A_28 : i32
    "tpu.region"() ({
      %run_scoped3A = tpu.sem_alloc : memref<!tpu.dma_semaphore, #tpu.memory_space<semaphore_mem>>
      %dma_start3A = arith.constant 0 : i32
      %dma_start3A_56 = tpu.memref_slice %arg7[%add3A_29, %dma_start3A] : memref<10240x16xf32, #tpu.memory_space<vmem_shared>> -> memref<128x16xf32, #tpu.memory_space<vmem_shared>>
      %dma_start3A_57 = arith.constant 0 : i32
      %dma_start3A_58 = tpu.memref_slice %arg7[%add3A_29, %dma_start3A_57] : memref<10240x16xf32, #tpu.memory_space<vmem_shared>> -> memref<128x16xf32, #tpu.memory_space<vmem_shared>>
      tpu.enqueue_dma source(%arg6 : memref<128x16xf32, #tpu.memory_space<vmem>>) target(%dma_start3A_58 : memref<128x16xf32, #tpu.memory_space<vmem_shared>>) target_semaphore(%run_scoped3A : memref<!tpu.dma_semaphore, #tpu.memory_space<semaphore_mem>>)
      %dma_wait3A = arith.constant 0 : i32
      %dma_wait3A_59 = tpu.memref_slice %arg7[%add3A_29, %dma_wait3A] : memref<10240x16xf32, #tpu.memory_space<vmem_shared>> -> memref<128x16xf32, #tpu.memory_space<vmem_shared>>
      %dma_wait3A_60 = arith.constant 0 : i32
      %dma_wait3A_61 = tpu.memref_slice %arg7[%add3A_29, %dma_wait3A_60] : memref<10240x16xf32, #tpu.memory_space<vmem_shared>> -> memref<128x16xf32, #tpu.memory_space<vmem_shared>>
      tpu.wait_dma2 semaphore(%run_scoped3A : memref<!tpu.dma_semaphore, #tpu.memory_space<semaphore_mem>>) src(%arg6 : memref<128x16xf32, #tpu.memory_space<vmem>>) dst(%dma_wait3A_61 : memref<128x16xf32, #tpu.memory_space<vmem_shared>>)
      tpu.yield
    }) : () -> ()
    "tpu.region"() ({
      %run_scoped3A = tpu.sem_alloc : memref<!tpu.dma_semaphore, #tpu.memory_space<semaphore_mem>>
      %dma_start3A = arith.constant 0 : i32
      %dma_start3A_56 = arith.constant 0 : i32
      %dma_start3A_57 = tpu.memref_slice %arg2[%add3A, %dma_start3A, %dma_start3A_56] : memref<32x80x128xi32, #tpu.memory_space<hbm>> -> memref<1x80x128xi32, #tpu.memory_space<hbm>>
      %dma_start3A_58 = tpu.memref_squeeze %dma_start3A_57 : memref<1x80x128xi32, #tpu.memory_space<hbm>> -> memref<80x128xi32, #tpu.memory_space<hbm>>
      %dma_start3A_59 = arith.constant 0 : i32
      %dma_start3A_60 = arith.constant 0 : i32
      %dma_start3A_61 = tpu.memref_slice %arg2[%add3A, %dma_start3A_59, %dma_start3A_60] : memref<32x80x128xi32, #tpu.memory_space<hbm>> -> memref<1x80x128xi32, #tpu.memory_space<hbm>>
      %dma_start3A_62 = tpu.memref_squeeze %dma_start3A_61 : memref<1x80x128xi32, #tpu.memory_space<hbm>> -> memref<80x128xi32, #tpu.memory_space<hbm>>
      tpu.enqueue_dma source(%dma_start3A_62 : memref<80x128xi32, #tpu.memory_space<hbm>>) target(%arg4 : memref<80x128xi32, #tpu.memory_space<vmem>>) target_semaphore(%run_scoped3A : memref<!tpu.dma_semaphore, #tpu.memory_space<semaphore_mem>>)
      %dma_wait3A = arith.constant 0 : i32
      %dma_wait3A_63 = arith.constant 0 : i32
      %dma_wait3A_64 = tpu.memref_slice %arg2[%add3A, %dma_wait3A, %dma_wait3A_63] : memref<32x80x128xi32, #tpu.memory_space<hbm>> -> memref<1x80x128xi32, #tpu.memory_space<hbm>>
      %dma_wait3A_65 = tpu.memref_squeeze %dma_wait3A_64 : memref<1x80x128xi32, #tpu.memory_space<hbm>> -> memref<80x128xi32, #tpu.memory_space<hbm>>
      %dma_wait3A_66 = arith.constant 0 : i32
      %dma_wait3A_67 = arith.constant 0 : i32
      %dma_wait3A_68 = tpu.memref_slice %arg2[%add3A, %dma_wait3A_66, %dma_wait3A_67] : memref<32x80x128xi32, #tpu.memory_space<hbm>> -> memref<1x80x128xi32, #tpu.memory_space<hbm>>
      %dma_wait3A_69 = tpu.memref_squeeze %dma_wait3A_68 : memref<1x80x128xi32, #tpu.memory_space<hbm>> -> memref<80x128xi32, #tpu.memory_space<hbm>>
      tpu.wait_dma2 semaphore(%run_scoped3A : memref<!tpu.dma_semaphore, #tpu.memory_space<semaphore_mem>>) src(%dma_wait3A_69 : memref<80x128xi32, #tpu.memory_space<hbm>>) dst(%arg4 : memref<80x128xi32, #tpu.memory_space<vmem>>)
      tpu.yield
    }) : () -> ()
    %barrier3A = arith.constant 0 : index
    tpu.barrier barrier_id(%barrier3A)
    %scan3A_30 = arith.constant 0 : i32
    %scan3A_31 = arith.constant 20 : i32
    %scan3A_32 = arith.addi %scan3A_30, %scan3A_31 : i32
    %scan3A_33 = arith.constant 1 : i32
    scf.for %scan3A_56 = %scan3A_30 to %scan3A_32 step %scan3A_33  : i32 {
      %mul3A_57 = arith.constant 4 : i32
      %mul3A_58 = arith.muli %scan3A_56, %mul3A_57 : i32
      %add3A_59 = arith.constant 0 : i32
      %add3A_60 = arith.addi %add3A_59, %mul3A_58 : i32
      %add3A_61 = arith.constant 0 : i32
      %add3A_62 = arith.addi %add3A_60, %add3A_61 : i32
      %dma_start3A = arith.constant 0 : i32
      %dma_start3A_63 = tpu.memref_slice %arg4[%add3A_62, %dma_start3A] : memref<80x128xi32, #tpu.memory_space<vmem>> -> memref<1x128xi32, #tpu.memory_space<vmem>>
      %dma_start3A_64 = tpu.memref_squeeze %dma_start3A_63 : memref<1x128xi32, #tpu.memory_space<vmem>> -> memref<128xi32, #tpu.memory_space<vmem>>
      %dma_start3A_65 = arith.constant 0 : i32
      %dma_start3A_66 = arith.constant 0 : i32
      %dma_start3A_67 = tpu.memref_slice %arg7[%dma_start3A_65, %dma_start3A_66] : memref<10240x16xf32, #tpu.memory_space<vmem_shared>> -> memref<10240x16xf32, #tpu.memory_space<vmem_shared>>
      tpu.enqueue_indirect_dma source(%arg5 : memref<128x16xf32, #tpu.memory_space<vmem>>) target(%dma_start3A_67 : memref<10240x16xf32, #tpu.memory_space<vmem_shared>>) offsets(%dma_start3A_64 : memref<128xi32, #tpu.memory_space<vmem>>) semaphore(%arg8 : memref<!tpu.dma_semaphore, #tpu.memory_space<semaphore_mem>>) {add = true}
      %add3A_68 = arith.constant 1 : i32
      %add3A_69 = arith.addi %add3A_60, %add3A_68 : i32
      %dma_start3A_70 = arith.constant 0 : i32
      %dma_start3A_71 = tpu.memref_slice %arg4[%add3A_69, %dma_start3A_70] : memref<80x128xi32, #tpu.memory_space<vmem>> -> memref<1x128xi32, #tpu.memory_space<vmem>>
      %dma_start3A_72 = tpu.memref_squeeze %dma_start3A_71 : memref<1x128xi32, #tpu.memory_space<vmem>> -> memref<128xi32, #tpu.memory_space<vmem>>
      %dma_start3A_73 = arith.constant 0 : i32
      %dma_start3A_74 = arith.constant 0 : i32
      %dma_start3A_75 = tpu.memref_slice %arg7[%dma_start3A_73, %dma_start3A_74] : memref<10240x16xf32, #tpu.memory_space<vmem_shared>> -> memref<10240x16xf32, #tpu.memory_space<vmem_shared>>
      tpu.enqueue_indirect_dma source(%arg5 : memref<128x16xf32, #tpu.memory_space<vmem>>) target(%dma_start3A_75 : memref<10240x16xf32, #tpu.memory_space<vmem_shared>>) offsets(%dma_start3A_72 : memref<128xi32, #tpu.memory_space<vmem>>) semaphore(%arg9 : memref<!tpu.dma_semaphore, #tpu.memory_space<semaphore_mem>>) {add = true}
      %add3A_76 = arith.constant 2 : i32
      %add3A_77 = arith.addi %add3A_60, %add3A_76 : i32
      %dma_start3A_78 = arith.constant 0 : i32
      %dma_start3A_79 = tpu.memref_slice %arg4[%add3A_77, %dma_start3A_78] : memref<80x128xi32, #tpu.memory_space<vmem>> -> memref<1x128xi32, #tpu.memory_space<vmem>>
      %dma_start3A_80 = tpu.memref_squeeze %dma_start3A_79 : memref<1x128xi32, #tpu.memory_space<vmem>> -> memref<128xi32, #tpu.memory_space<vmem>>
      %dma_start3A_81 = arith.constant 0 : i32
      %dma_start3A_82 = arith.constant 0 : i32
      %dma_start3A_83 = tpu.memref_slice %arg7[%dma_start3A_81, %dma_start3A_82] : memref<10240x16xf32, #tpu.memory_space<vmem_shared>> -> memref<10240x16xf32, #tpu.memory_space<vmem_shared>>
      tpu.enqueue_indirect_dma source(%arg5 : memref<128x16xf32, #tpu.memory_space<vmem>>) target(%dma_start3A_83 : memref<10240x16xf32, #tpu.memory_space<vmem_shared>>) offsets(%dma_start3A_80 : memref<128xi32, #tpu.memory_space<vmem>>) semaphore(%arg10 : memref<!tpu.dma_semaphore, #tpu.memory_space<semaphore_mem>>) {add = true}
      %add3A_84 = arith.constant 3 : i32
      %add3A_85 = arith.addi %add3A_60, %add3A_84 : i32
      %dma_start3A_86 = arith.constant 0 : i32
      %dma_start3A_87 = tpu.memref_slice %arg4[%add3A_85, %dma_start3A_86] : memref<80x128xi32, #tpu.memory_space<vmem>> -> memref<1x128xi32, #tpu.memory_space<vmem>>
      %dma_start3A_88 = tpu.memref_squeeze %dma_start3A_87 : memref<1x128xi32, #tpu.memory_space<vmem>> -> memref<128xi32, #tpu.memory_space<vmem>>
      %dma_start3A_89 = arith.constant 0 : i32
      %dma_start3A_90 = arith.constant 0 : i32
      %dma_start3A_91 = tpu.memref_slice %arg7[%dma_start3A_89, %dma_start3A_90] : memref<10240x16xf32, #tpu.memory_space<vmem_shared>> -> memref<10240x16xf32, #tpu.memory_space<vmem_shared>>
      tpu.enqueue_indirect_dma source(%arg5 : memref<128x16xf32, #tpu.memory_space<vmem>>) target(%dma_start3A_91 : memref<10240x16xf32, #tpu.memory_space<vmem_shared>>) offsets(%dma_start3A_88 : memref<128xi32, #tpu.memory_space<vmem>>) semaphore(%arg11 : memref<!tpu.dma_semaphore, #tpu.memory_space<semaphore_mem>>) {add = true}
      %dma_wait3A = arith.constant 0 : i32
      %dma_wait3A_92 = tpu.memref_slice %arg4[%add3A_62, %dma_wait3A] : memref<80x128xi32, #tpu.memory_space<vmem>> -> memref<1x128xi32, #tpu.memory_space<vmem>>
      %dma_wait3A_93 = tpu.memref_squeeze %dma_wait3A_92 : memref<1x128xi32, #tpu.memory_space<vmem>> -> memref<128xi32, #tpu.memory_space<vmem>>
      %dma_wait3A_94 = arith.constant 0 : i32
      %dma_wait3A_95 = arith.constant 0 : i32
      %dma_wait3A_96 = tpu.memref_slice %arg7[%dma_wait3A_94, %dma_wait3A_95] : memref<10240x16xf32, #tpu.memory_space<vmem_shared>> -> memref<10240x16xf32, #tpu.memory_space<vmem_shared>>
      tpu.wait_indirect_dma semaphore(%arg8 : memref<!tpu.dma_semaphore, #tpu.memory_space<semaphore_mem>>) src(%arg5 : memref<128x16xf32, #tpu.memory_space<vmem>>) dst(%dma_wait3A_96 : memref<10240x16xf32, #tpu.memory_space<vmem_shared>>)
      %dma_wait3A_97 = arith.constant 0 : i32
      %dma_wait3A_98 = tpu.memref_slice %arg4[%add3A_69, %dma_wait3A_97] : memref<80x128xi32, #tpu.memory_space<vmem>> -> memref<1x128xi32, #tpu.memory_space<vmem>>
      %dma_wait3A_99 = tpu.memref_squeeze %dma_wait3A_98 : memref<1x128xi32, #tpu.memory_space<vmem>> -> memref<128xi32, #tpu.memory_space<vmem>>
      %dma_wait3A_100 = arith.constant 0 : i32
      %dma_wait3A_101 = arith.constant 0 : i32
      %dma_wait3A_102 = tpu.memref_slice %arg7[%dma_wait3A_100, %dma_wait3A_101] : memref<10240x16xf32, #tpu.memory_space<vmem_shared>> -> memref<10240x16xf32, #tpu.memory_space<vmem_shared>>
      tpu.wait_indirect_dma semaphore(%arg9 : memref<!tpu.dma_semaphore, #tpu.memory_space<semaphore_mem>>) src(%arg5 : memref<128x16xf32, #tpu.memory_space<vmem>>) dst(%dma_wait3A_102 : memref<10240x16xf32, #tpu.memory_space<vmem_shared>>)
      %dma_wait3A_103 = arith.constant 0 : i32
      %dma_wait3A_104 = tpu.memref_slice %arg4[%add3A_77, %dma_wait3A_103] : memref<80x128xi32, #tpu.memory_space<vmem>> -> memref<1x128xi32, #tpu.memory_space<vmem>>
      %dma_wait3A_105 = tpu.memref_squeeze %dma_wait3A_104 : memref<1x128xi32, #tpu.memory_space<vmem>> -> memref<128xi32, #tpu.memory_space<vmem>>
      %dma_wait3A_106 = arith.constant 0 : i32
      %dma_wait3A_107 = arith.constant 0 : i32
      %dma_wait3A_108 = tpu.memref_slice %arg7[%dma_wait3A_106, %dma_wait3A_107] : memref<10240x16xf32, #tpu.memory_space<vmem_shared>> -> memref<10240x16xf32, #tpu.memory_space<vmem_shared>>
      tpu.wait_indirect_dma semaphore(%arg10 : memref<!tpu.dma_semaphore, #tpu.memory_space<semaphore_mem>>) src(%arg5 : memref<128x16xf32, #tpu.memory_space<vmem>>) dst(%dma_wait3A_108 : memref<10240x16xf32, #tpu.memory_space<vmem_shared>>)
      %dma_wait3A_109 = arith.constant 0 : i32
      %dma_wait3A_110 = tpu.memref_slice %arg4[%add3A_85, %dma_wait3A_109] : memref<80x128xi32, #tpu.memory_space<vmem>> -> memref<1x128xi32, #tpu.memory_space<vmem>>
      %dma_wait3A_111 = tpu.memref_squeeze %dma_wait3A_110 : memref<1x128xi32, #tpu.memory_space<vmem>> -> memref<128xi32, #tpu.memory_space<vmem>>
      %dma_wait3A_112 = arith.constant 0 : i32
      %dma_wait3A_113 = arith.constant 0 : i32
      %dma_wait3A_114 = tpu.memref_slice %arg7[%dma_wait3A_112, %dma_wait3A_113] : memref<10240x16xf32, #tpu.memory_space<vmem_shared>> -> memref<10240x16xf32, #tpu.memory_space<vmem_shared>>
      tpu.wait_indirect_dma semaphore(%arg11 : memref<!tpu.dma_semaphore, #tpu.memory_space<semaphore_mem>>) src(%arg5 : memref<128x16xf32, #tpu.memory_space<vmem>>) dst(%dma_wait3A_114 : memref<10240x16xf32, #tpu.memory_space<vmem_shared>>)
    }
    %scan3A_34 = arith.constant 20 : i32
    %barrier3A_35 = arith.constant 0 : index
    tpu.barrier barrier_id(%barrier3A_35)
    %mul3A_36 = arith.constant 640 : i32
    %mul3A_37 = arith.muli %arg1, %mul3A_36 : i32
    %add3A_38 = arith.constant 0 : i32
    %add3A_39 = arith.addi %mul3A_37, %add3A_38 : i32
    "tpu.region"() ({
      %run_scoped3A = tpu.sem_alloc : memref<!tpu.dma_semaphore, #tpu.memory_space<semaphore_mem>>
      %dma_start3A = arith.constant 0 : i32
      %dma_start3A_56 = tpu.memref_slice %arg3[%arg0, %add3A_39, %dma_start3A] : memref<2x10240x16xf32, #tpu.memory_space<hbm>> -> memref<1x128x16xf32, #tpu.memory_space<hbm>>
      %dma_start3A_57 = tpu.memref_squeeze %dma_start3A_56 : memref<1x128x16xf32, #tpu.memory_space<hbm>> -> memref<128x16xf32, #tpu.memory_space<hbm>>
      %dma_start3A_58 = arith.constant 0 : i32
      %dma_start3A_59 = tpu.memref_slice %arg7[%add3A_39, %dma_start3A_58] : memref<10240x16xf32, #tpu.memory_space<vmem_shared>> -> memref<128x16xf32, #tpu.memory_space<vmem_shared>>
      tpu.enqueue_dma source(%dma_start3A_59 : memref<128x16xf32, #tpu.memory_space<vmem_shared>>) target(%dma_start3A_57 : memref<128x16xf32, #tpu.memory_space<hbm>>) target_semaphore(%run_scoped3A : memref<!tpu.dma_semaphore, #tpu.memory_space<semaphore_mem>>)
      %dma_wait3A = arith.constant 0 : i32
      %dma_wait3A_60 = tpu.memref_slice %arg3[%arg0, %add3A_39, %dma_wait3A] : memref<2x10240x16xf32, #tpu.memory_space<hbm>> -> memref<1x128x16xf32, #tpu.memory_space<hbm>>
      %dma_wait3A_61 = tpu.memref_squeeze %dma_wait3A_60 : memref<1x128x16xf32, #tpu.memory_space<hbm>> -> memref<128x16xf32, #tpu.memory_space<hbm>>
      %dma_wait3A_62 = arith.constant 0 : i32
      %dma_wait3A_63 = tpu.memref_slice %arg7[%add3A_39, %dma_wait3A_62] : memref<10240x16xf32, #tpu.memory_space<vmem_shared>> -> memref<128x16xf32, #tpu.memory_space<vmem_shared>>
      tpu.wait_dma2 semaphore(%run_scoped3A : memref<!tpu.dma_semaphore, #tpu.memory_space<semaphore_mem>>) src(%dma_wait3A_63 : memref<128x16xf32, #tpu.memory_space<vmem_shared>>) dst(%dma_wait3A_61 : memref<128x16xf32, #tpu.memory_space<hbm>>)
      tpu.yield
    }) : () -> ()
    %mul3A_40 = arith.constant 640 : i32
    %mul3A_41 = arith.muli %arg1, %mul3A_40 : i32
    %add3A_42 = arith.constant 128 : i32
    %add3A_43 = arith.addi %mul3A_41, %add3A_42 : i32
    "tpu.region"() ({
      %run_scoped3A = tpu.sem_alloc : memref<!tpu.dma_semaphore, #tpu.memory_space<semaphore_mem>>
      %dma_start3A = arith.constant 0 : i32
      %dma_start3A_56 = tpu.memref_slice %arg3[%arg0, %add3A_43, %dma_start3A] : memref<2x10240x16xf32, #tpu.memory_space<hbm>> -> memref<1x128x16xf32, #tpu.memory_space<hbm>>
      %dma_start3A_57 = tpu.memref_squeeze %dma_start3A_56 : memref<1x128x16xf32, #tpu.memory_space<hbm>> -> memref<128x16xf32, #tpu.memory_space<hbm>>
      %dma_start3A_58 = arith.constant 0 : i32
      %dma_start3A_59 = tpu.memref_slice %arg7[%add3A_43, %dma_start3A_58] : memref<10240x16xf32, #tpu.memory_space<vmem_shared>> -> memref<128x16xf32, #tpu.memory_space<vmem_shared>>
      tpu.enqueue_dma source(%dma_start3A_59 : memref<128x16xf32, #tpu.memory_space<vmem_shared>>) target(%dma_start3A_57 : memref<128x16xf32, #tpu.memory_space<hbm>>) target_semaphore(%run_scoped3A : memref<!tpu.dma_semaphore, #tpu.memory_space<semaphore_mem>>)
      %dma_wait3A = arith.constant 0 : i32
      %dma_wait3A_60 = tpu.memref_slice %arg3[%arg0, %add3A_43, %dma_wait3A] : memref<2x10240x16xf32, #tpu.memory_space<hbm>> -> memref<1x128x16xf32, #tpu.memory_space<hbm>>
      %dma_wait3A_61 = tpu.memref_squeeze %dma_wait3A_60 : memref<1x128x16xf32, #tpu.memory_space<hbm>> -> memref<128x16xf32, #tpu.memory_space<hbm>>
      %dma_wait3A_62 = arith.constant 0 : i32
      %dma_wait3A_63 = tpu.memref_slice %arg7[%add3A_43, %dma_wait3A_62] : memref<10240x16xf32, #tpu.memory_space<vmem_shared>> -> memref<128x16xf32, #tpu.memory_space<vmem_shared>>
      tpu.wait_dma2 semaphore(%run_scoped3A : memref<!tpu.dma_semaphore, #tpu.memory_space<semaphore_mem>>) src(%dma_wait3A_63 : memref<128x16xf32, #tpu.memory_space<vmem_shared>>) dst(%dma_wait3A_61 : memref<128x16xf32, #tpu.memory_space<hbm>>)
      tpu.yield
    }) : () -> ()
    %mul3A_44 = arith.constant 640 : i32
    %mul3A_45 = arith.muli %arg1, %mul3A_44 : i32
    %add3A_46 = arith.constant 256 : i32
    %add3A_47 = arith.addi %mul3A_45, %add3A_46 : i32
    "tpu.region"() ({
      %run_scoped3A = tpu.sem_alloc : memref<!tpu.dma_semaphore, #tpu.memory_space<semaphore_mem>>
      %dma_start3A = arith.constant 0 : i32
      %dma_start3A_56 = tpu.memref_slice %arg3[%arg0, %add3A_47, %dma_start3A] : memref<2x10240x16xf32, #tpu.memory_space<hbm>> -> memref<1x128x16xf32, #tpu.memory_space<hbm>>
      %dma_start3A_57 = tpu.memref_squeeze %dma_start3A_56 : memref<1x128x16xf32, #tpu.memory_space<hbm>> -> memref<128x16xf32, #tpu.memory_space<hbm>>
      %dma_start3A_58 = arith.constant 0 : i32
      %dma_start3A_59 = tpu.memref_slice %arg7[%add3A_47, %dma_start3A_58] : memref<10240x16xf32, #tpu.memory_space<vmem_shared>> -> memref<128x16xf32, #tpu.memory_space<vmem_shared>>
      tpu.enqueue_dma source(%dma_start3A_59 : memref<128x16xf32, #tpu.memory_space<vmem_shared>>) target(%dma_start3A_57 : memref<128x16xf32, #tpu.memory_space<hbm>>) target_semaphore(%run_scoped3A : memref<!tpu.dma_semaphore, #tpu.memory_space<semaphore_mem>>)
      %dma_wait3A = arith.constant 0 : i32
      %dma_wait3A_60 = tpu.memref_slice %arg3[%arg0, %add3A_47, %dma_wait3A] : memref<2x10240x16xf32, #tpu.memory_space<hbm>> -> memref<1x128x16xf32, #tpu.memory_space<hbm>>
      %dma_wait3A_61 = tpu.memref_squeeze %dma_wait3A_60 : memref<1x128x16xf32, #tpu.memory_space<hbm>> -> memref<128x16xf32, #tpu.memory_space<hbm>>
      %dma_wait3A_62 = arith.constant 0 : i32
      %dma_wait3A_63 = tpu.memref_slice %arg7[%add3A_47, %dma_wait3A_62] : memref<10240x16xf32, #tpu.memory_space<vmem_shared>> -> memref<128x16xf32, #tpu.memory_space<vmem_shared>>
      tpu.wait_dma2 semaphore(%run_scoped3A : memref<!tpu.dma_semaphore, #tpu.memory_space<semaphore_mem>>) src(%dma_wait3A_63 : memref<128x16xf32, #tpu.memory_space<vmem_shared>>) dst(%dma_wait3A_61 : memref<128x16xf32, #tpu.memory_space<hbm>>)
      tpu.yield
    }) : () -> ()
    %mul3A_48 = arith.constant 640 : i32
    %mul3A_49 = arith.muli %arg1, %mul3A_48 : i32
    %add3A_50 = arith.constant 384 : i32
    %add3A_51 = arith.addi %mul3A_49, %add3A_50 : i32
    "tpu.region"() ({
      %run_scoped3A = tpu.sem_alloc : memref<!tpu.dma_semaphore, #tpu.memory_space<semaphore_mem>>
      %dma_start3A = arith.constant 0 : i32
      %dma_start3A_56 = tpu.memref_slice %arg3[%arg0, %add3A_51, %dma_start3A] : memref<2x10240x16xf32, #tpu.memory_space<hbm>> -> memref<1x128x16xf32, #tpu.memory_space<hbm>>
      %dma_start3A_57 = tpu.memref_squeeze %dma_start3A_56 : memref<1x128x16xf32, #tpu.memory_space<hbm>> -> memref<128x16xf32, #tpu.memory_space<hbm>>
      %dma_start3A_58 = arith.constant 0 : i32
      %dma_start3A_59 = tpu.memref_slice %arg7[%add3A_51, %dma_start3A_58] : memref<10240x16xf32, #tpu.memory_space<vmem_shared>> -> memref<128x16xf32, #tpu.memory_space<vmem_shared>>
      tpu.enqueue_dma source(%dma_start3A_59 : memref<128x16xf32, #tpu.memory_space<vmem_shared>>) target(%dma_start3A_57 : memref<128x16xf32, #tpu.memory_space<hbm>>) target_semaphore(%run_scoped3A : memref<!tpu.dma_semaphore, #tpu.memory_space<semaphore_mem>>)
      %dma_wait3A = arith.constant 0 : i32
      %dma_wait3A_60 = tpu.memref_slice %arg3[%arg0, %add3A_51, %dma_wait3A] : memref<2x10240x16xf32, #tpu.memory_space<hbm>> -> memref<1x128x16xf32, #tpu.memory_space<hbm>>
      %dma_wait3A_61 = tpu.memref_squeeze %dma_wait3A_60 : memref<1x128x16xf32, #tpu.memory_space<hbm>> -> memref<128x16xf32, #tpu.memory_space<hbm>>
      %dma_wait3A_62 = arith.constant 0 : i32
      %dma_wait3A_63 = tpu.memref_slice %arg7[%add3A_51, %dma_wait3A_62] : memref<10240x16xf32, #tpu.memory_space<vmem_shared>> -> memref<128x16xf32, #tpu.memory_space<vmem_shared>>
      tpu.wait_dma2 semaphore(%run_scoped3A : memref<!tpu.dma_semaphore, #tpu.memory_space<semaphore_mem>>) src(%dma_wait3A_63 : memref<128x16xf32, #tpu.memory_space<vmem_shared>>) dst(%dma_wait3A_61 : memref<128x16xf32, #tpu.memory_space<hbm>>)
      tpu.yield
    }) : () -> ()
    %mul3A_52 = arith.constant 640 : i32
    %mul3A_53 = arith.muli %arg1, %mul3A_52 : i32
    %add3A_54 = arith.constant 512 : i32
    %add3A_55 = arith.addi %mul3A_53, %add3A_54 : i32
    "tpu.region"() ({
      %run_scoped3A = tpu.sem_alloc : memref<!tpu.dma_semaphore, #tpu.memory_space<semaphore_mem>>
      %dma_start3A = arith.constant 0 : i32
      %dma_start3A_56 = tpu.memref_slice %arg3[%arg0, %add3A_55, %dma_start3A] : memref<2x10240x16xf32, #tpu.memory_space<hbm>> -> memref<1x128x16xf32, #tpu.memory_space<hbm>>
      %dma_start3A_57 = tpu.memref_squeeze %dma_start3A_56 : memref<1x128x16xf32, #tpu.memory_space<hbm>> -> memref<128x16xf32, #tpu.memory_space<hbm>>
      %dma_start3A_58 = arith.constant 0 : i32
      %dma_start3A_59 = tpu.memref_slice %arg7[%add3A_55, %dma_start3A_58] : memref<10240x16xf32, #tpu.memory_space<vmem_shared>> -> memref<128x16xf32, #tpu.memory_space<vmem_shared>>
      tpu.enqueue_dma source(%dma_start3A_59 : memref<128x16xf32, #tpu.memory_space<vmem_shared>>) target(%dma_start3A_57 : memref<128x16xf32, #tpu.memory_space<hbm>>) target_semaphore(%run_scoped3A : memref<!tpu.dma_semaphore, #tpu.memory_space<semaphore_mem>>)
      %dma_wait3A = arith.constant 0 : i32
      %dma_wait3A_60 = tpu.memref_slice %arg3[%arg0, %add3A_55, %dma_wait3A] : memref<2x10240x16xf32, #tpu.memory_space<hbm>> -> memref<1x128x16xf32, #tpu.memory_space<hbm>>
      %dma_wait3A_61 = tpu.memref_squeeze %dma_wait3A_60 : memref<1x128x16xf32, #tpu.memory_space<hbm>> -> memref<128x16xf32, #tpu.memory_space<hbm>>
      %dma_wait3A_62 = arith.constant 0 : i32
      %dma_wait3A_63 = tpu.memref_slice %arg7[%add3A_55, %dma_wait3A_62] : memref<10240x16xf32, #tpu.memory_space<vmem_shared>> -> memref<128x16xf32, #tpu.memory_space<vmem_shared>>
      tpu.wait_dma2 semaphore(%run_scoped3A : memref<!tpu.dma_semaphore, #tpu.memory_space<semaphore_mem>>) src(%dma_wait3A_63 : memref<128x16xf32, #tpu.memory_space<vmem_shared>>) dst(%dma_wait3A_61 : memref<128x16xf32, #tpu.memory_space<hbm>>)
      tpu.yield
    }) : () -> ()
    return
  }
}

#map = affine_map<(d0, d1) -> (0, 0)>
#map1 = affine_map<(d0, d1) -> (0, 0, 0)>
module attributes {stable_mosaic.version = 14 : i64} {
  func.func @scatter_kernel(%arg0: i32, %arg1: i32, %arg2: memref<10240x16xf32, #tpu.memory_space<hbm>>, %arg3: memref<32x80x128xi32, #tpu.memory_space<hbm>>, %arg4: memref<32x80x128xi32, #tpu.memory_space<hbm>>, %arg5: memref<2x10240x16xf32, #tpu.memory_space<hbm>>, %arg6: memref<80x128xi32, #tpu.memory_space<vmem>>, %arg7: memref<80x128xi32, #tpu.memory_space<vmem>>, %arg8: memref<8x128x16xf32, #tpu.memory_space<vmem>>, %arg9: memref<128x16xf32, #tpu.memory_space<vmem>>, %arg10: memref<10240x16xf32, #tpu.memory_space<vmem_shared>>, %arg11: memref<!tpu.dma_semaphore, #tpu.memory_space<semaphore_mem>>, %arg12: memref<!tpu.dma_semaphore, #tpu.memory_space<semaphore_mem>>, %arg13: memref<!tpu.dma_semaphore, #tpu.memory_space<semaphore_mem>>, %arg14: memref<!tpu.dma_semaphore, #tpu.memory_space<semaphore_mem>>, %arg15: memref<!tpu.dma_semaphore, #tpu.memory_space<semaphore_mem>>, %arg16: memref<!tpu.dma_semaphore, #tpu.memory_space<semaphore_mem>>, %arg17: memref<!tpu.dma_semaphore, #tpu.memory_space<semaphore_mem>>, %arg18: memref<!tpu.dma_semaphore, #tpu.memory_space<semaphore_mem>>, %arg19: memref<!tpu.dma_semaphore, #tpu.memory_space<semaphore_mem>>, %arg20: memref<!tpu.dma_semaphore, #tpu.memory_space<semaphore_mem>>, %arg21: memref<!tpu.dma_semaphore, #tpu.memory_space<semaphore_mem>>, %arg22: memref<!tpu.dma_semaphore, #tpu.memory_space<semaphore_mem>>, %arg23: memref<!tpu.dma_semaphore, #tpu.memory_space<semaphore_mem>>, %arg24: memref<!tpu.dma_semaphore, #tpu.memory_space<semaphore_mem>>, %arg25: memref<!tpu.dma_semaphore, #tpu.memory_space<semaphore_mem>>, %arg26: memref<!tpu.dma_semaphore, #tpu.memory_space<semaphore_mem>>) attributes {dimension_semantics = [#tpu.dimension_semantics<core_parallel>, #tpu.dimension_semantics<subcore_parallel>], iteration_bounds = array<i64: 2, 16>, scalar_prefetch = 0 : i64, scratch_operands = 21 : i64, tpu.core_type = #tpu.core_type<sc_vector_subcore>, window_params = [{transform_indices = #map}, {transform_indices = #map1}, {transform_indices = #map1}, {transform_indices = #map1}]} {
    %mul3A = arith.constant 16 : i32
    %mul3A_0 = arith.muli %arg0, %mul3A : i32
    %add3A = arith.addi %mul3A_0, %arg1 : i32
    %scan3A = arith.constant 0 : i32
    %scan3A_1 = arith.constant 128 : i32
    %scan3A_2 = arith.addi %scan3A, %scan3A_1 : i32
    %scan3A_3 = arith.constant 1 : i32
    scf.for %scan3A_51 = %scan3A to %scan3A_2 step %scan3A_3  : i32 {
      %mul3A_52 = arith.constant 1 : i32
      %mul3A_53 = arith.muli %scan3A_51, %mul3A_52 : i32
      %add3A_54 = arith.constant 0 : i32
      %add3A_55 = arith.addi %add3A_54, %mul3A_53 : i32
      %broadcast_in_dim3A = arith.constant 0.000000e+00 : f32
      %broadcast_in_dim3A_56 = vector.broadcast %broadcast_in_dim3A : f32 to vector<16xf32>
      %swap3A = arith.index_cast %add3A_55 : i32 to index
      %swap3A_57 = arith.constant 0 : index
      %swap3A_58 = tpu.vector_load %arg9[%swap3A, %swap3A_57] {strides = array<i32>} : memref<128x16xf32, #tpu.memory_space<vmem>>, vector<1x16xf32>,
      %swap3A_59 = vector.shape_cast %swap3A_58 : vector<1x16xf32> to vector<16xf32>
      %swap3A_60 = vector.shape_cast %broadcast_in_dim3A_56 : vector<16xf32> to vector<1x16xf32>
      tpu.vector_store %arg9[%swap3A, %swap3A_57], %swap3A_60 {strides = array<i32>} : memref<128x16xf32, #tpu.memory_space<vmem>>, vector<1x16xf32>,
    }
    %scan3A_4 = arith.constant 128 : i32
    %mul3A_5 = arith.constant 640 : i32
    %mul3A_6 = arith.muli %arg1, %mul3A_5 : i32
    %add3A_7 = arith.constant 0 : i32
    %add3A_8 = arith.addi %mul3A_6, %add3A_7 : i32
    "tpu.region"() ({
      %run_scoped3A = tpu.sem_alloc : memref<!tpu.dma_semaphore, #tpu.memory_space<semaphore_mem>>
      %dma_start3A = arith.constant 0 : i32
      %dma_start3A_51 = tpu.memref_slice %arg10[%add3A_8, %dma_start3A] : memref<10240x16xf32, #tpu.memory_space<vmem_shared>> -> memref<128x16xf32, #tpu.memory_space<vmem_shared>>
      %dma_start3A_52 = arith.constant 0 : i32
      %dma_start3A_53 = tpu.memref_slice %arg10[%add3A_8, %dma_start3A_52] : memref<10240x16xf32, #tpu.memory_space<vmem_shared>> -> memref<128x16xf32, #tpu.memory_space<vmem_shared>>
      tpu.enqueue_dma source(%arg9 : memref<128x16xf32, #tpu.memory_space<vmem>>) target(%dma_start3A_53 : memref<128x16xf32, #tpu.memory_space<vmem_shared>>) target_semaphore(%run_scoped3A : memref<!tpu.dma_semaphore, #tpu.memory_space<semaphore_mem>>)
      %dma_wait3A = arith.constant 0 : i32
      %dma_wait3A_54 = tpu.memref_slice %arg10[%add3A_8, %dma_wait3A] : memref<10240x16xf32, #tpu.memory_space<vmem_shared>> -> memref<128x16xf32, #tpu.memory_space<vmem_shared>>
      %dma_wait3A_55 = arith.constant 0 : i32
      %dma_wait3A_56 = tpu.memref_slice %arg10[%add3A_8, %dma_wait3A_55] : memref<10240x16xf32, #tpu.memory_space<vmem_shared>> -> memref<128x16xf32, #tpu.memory_space<vmem_shared>>
      tpu.wait_dma2 semaphore(%run_scoped3A : memref<!tpu.dma_semaphore, #tpu.memory_space<semaphore_mem>>) src(%arg9 : memref<128x16xf32, #tpu.memory_space<vmem>>) dst(%dma_wait3A_56 : memref<128x16xf32, #tpu.memory_space<vmem_shared>>)
      tpu.yield
    }) : () -> ()
    %mul3A_9 = arith.constant 640 : i32
    %mul3A_10 = arith.muli %arg1, %mul3A_9 : i32
    %add3A_11 = arith.constant 128 : i32
    %add3A_12 = arith.addi %mul3A_10, %add3A_11 : i32
    "tpu.region"() ({
      %run_scoped3A = tpu.sem_alloc : memref<!tpu.dma_semaphore, #tpu.memory_space<semaphore_mem>>
      %dma_start3A = arith.constant 0 : i32
      %dma_start3A_51 = tpu.memref_slice %arg10[%add3A_12, %dma_start3A] : memref<10240x16xf32, #tpu.memory_space<vmem_shared>> -> memref<128x16xf32, #tpu.memory_space<vmem_shared>>
      %dma_start3A_52 = arith.constant 0 : i32
      %dma_start3A_53 = tpu.memref_slice %arg10[%add3A_12, %dma_start3A_52] : memref<10240x16xf32, #tpu.memory_space<vmem_shared>> -> memref<128x16xf32, #tpu.memory_space<vmem_shared>>
      tpu.enqueue_dma source(%arg9 : memref<128x16xf32, #tpu.memory_space<vmem>>) target(%dma_start3A_53 : memref<128x16xf32, #tpu.memory_space<vmem_shared>>) target_semaphore(%run_scoped3A : memref<!tpu.dma_semaphore, #tpu.memory_space<semaphore_mem>>)
      %dma_wait3A = arith.constant 0 : i32
      %dma_wait3A_54 = tpu.memref_slice %arg10[%add3A_12, %dma_wait3A] : memref<10240x16xf32, #tpu.memory_space<vmem_shared>> -> memref<128x16xf32, #tpu.memory_space<vmem_shared>>
      %dma_wait3A_55 = arith.constant 0 : i32
      %dma_wait3A_56 = tpu.memref_slice %arg10[%add3A_12, %dma_wait3A_55] : memref<10240x16xf32, #tpu.memory_space<vmem_shared>> -> memref<128x16xf32, #tpu.memory_space<vmem_shared>>
      tpu.wait_dma2 semaphore(%run_scoped3A : memref<!tpu.dma_semaphore, #tpu.memory_space<semaphore_mem>>) src(%arg9 : memref<128x16xf32, #tpu.memory_space<vmem>>) dst(%dma_wait3A_56 : memref<128x16xf32, #tpu.memory_space<vmem_shared>>)
      tpu.yield
    }) : () -> ()
    %mul3A_13 = arith.constant 640 : i32
    %mul3A_14 = arith.muli %arg1, %mul3A_13 : i32
    %add3A_15 = arith.constant 256 : i32
    %add3A_16 = arith.addi %mul3A_14, %add3A_15 : i32
    "tpu.region"() ({
      %run_scoped3A = tpu.sem_alloc : memref<!tpu.dma_semaphore, #tpu.memory_space<semaphore_mem>>
      %dma_start3A = arith.constant 0 : i32
      %dma_start3A_51 = tpu.memref_slice %arg10[%add3A_16, %dma_start3A] : memref<10240x16xf32, #tpu.memory_space<vmem_shared>> -> memref<128x16xf32, #tpu.memory_space<vmem_shared>>
      %dma_start3A_52 = arith.constant 0 : i32
      %dma_start3A_53 = tpu.memref_slice %arg10[%add3A_16, %dma_start3A_52] : memref<10240x16xf32, #tpu.memory_space<vmem_shared>> -> memref<128x16xf32, #tpu.memory_space<vmem_shared>>
      tpu.enqueue_dma source(%arg9 : memref<128x16xf32, #tpu.memory_space<vmem>>) target(%dma_start3A_53 : memref<128x16xf32, #tpu.memory_space<vmem_shared>>) target_semaphore(%run_scoped3A : memref<!tpu.dma_semaphore, #tpu.memory_space<semaphore_mem>>)
      %dma_wait3A = arith.constant 0 : i32
      %dma_wait3A_54 = tpu.memref_slice %arg10[%add3A_16, %dma_wait3A] : memref<10240x16xf32, #tpu.memory_space<vmem_shared>> -> memref<128x16xf32, #tpu.memory_space<vmem_shared>>
      %dma_wait3A_55 = arith.constant 0 : i32
      %dma_wait3A_56 = tpu.memref_slice %arg10[%add3A_16, %dma_wait3A_55] : memref<10240x16xf32, #tpu.memory_space<vmem_shared>> -> memref<128x16xf32, #tpu.memory_space<vmem_shared>>
      tpu.wait_dma2 semaphore(%run_scoped3A : memref<!tpu.dma_semaphore, #tpu.memory_space<semaphore_mem>>) src(%arg9 : memref<128x16xf32, #tpu.memory_space<vmem>>) dst(%dma_wait3A_56 : memref<128x16xf32, #tpu.memory_space<vmem_shared>>)
      tpu.yield
    }) : () -> ()
    %mul3A_17 = arith.constant 640 : i32
    %mul3A_18 = arith.muli %arg1, %mul3A_17 : i32
    %add3A_19 = arith.constant 384 : i32
    %add3A_20 = arith.addi %mul3A_18, %add3A_19 : i32
    "tpu.region"() ({
      %run_scoped3A = tpu.sem_alloc : memref<!tpu.dma_semaphore, #tpu.memory_space<semaphore_mem>>
      %dma_start3A = arith.constant 0 : i32
      %dma_start3A_51 = tpu.memref_slice %arg10[%add3A_20, %dma_start3A] : memref<10240x16xf32, #tpu.memory_space<vmem_shared>> -> memref<128x16xf32, #tpu.memory_space<vmem_shared>>
      %dma_start3A_52 = arith.constant 0 : i32
      %dma_start3A_53 = tpu.memref_slice %arg10[%add3A_20, %dma_start3A_52] : memref<10240x16xf32, #tpu.memory_space<vmem_shared>> -> memref<128x16xf32, #tpu.memory_space<vmem_shared>>
      tpu.enqueue_dma source(%arg9 : memref<128x16xf32, #tpu.memory_space<vmem>>) target(%dma_start3A_53 : memref<128x16xf32, #tpu.memory_space<vmem_shared>>) target_semaphore(%run_scoped3A : memref<!tpu.dma_semaphore, #tpu.memory_space<semaphore_mem>>)
      %dma_wait3A = arith.constant 0 : i32
      %dma_wait3A_54 = tpu.memref_slice %arg10[%add3A_20, %dma_wait3A] : memref<10240x16xf32, #tpu.memory_space<vmem_shared>> -> memref<128x16xf32, #tpu.memory_space<vmem_shared>>
      %dma_wait3A_55 = arith.constant 0 : i32
      %dma_wait3A_56 = tpu.memref_slice %arg10[%add3A_20, %dma_wait3A_55] : memref<10240x16xf32, #tpu.memory_space<vmem_shared>> -> memref<128x16xf32, #tpu.memory_space<vmem_shared>>
      tpu.wait_dma2 semaphore(%run_scoped3A : memref<!tpu.dma_semaphore, #tpu.memory_space<semaphore_mem>>) src(%arg9 : memref<128x16xf32, #tpu.memory_space<vmem>>) dst(%dma_wait3A_56 : memref<128x16xf32, #tpu.memory_space<vmem_shared>>)
      tpu.yield
    }) : () -> ()
    %mul3A_21 = arith.constant 640 : i32
    %mul3A_22 = arith.muli %arg1, %mul3A_21 : i32
    %add3A_23 = arith.constant 512 : i32
    %add3A_24 = arith.addi %mul3A_22, %add3A_23 : i32
    "tpu.region"() ({
      %run_scoped3A = tpu.sem_alloc : memref<!tpu.dma_semaphore, #tpu.memory_space<semaphore_mem>>
      %dma_start3A = arith.constant 0 : i32
      %dma_start3A_51 = tpu.memref_slice %arg10[%add3A_24, %dma_start3A] : memref<10240x16xf32, #tpu.memory_space<vmem_shared>> -> memref<128x16xf32, #tpu.memory_space<vmem_shared>>
      %dma_start3A_52 = arith.constant 0 : i32
      %dma_start3A_53 = tpu.memref_slice %arg10[%add3A_24, %dma_start3A_52] : memref<10240x16xf32, #tpu.memory_space<vmem_shared>> -> memref<128x16xf32, #tpu.memory_space<vmem_shared>>
      tpu.enqueue_dma source(%arg9 : memref<128x16xf32, #tpu.memory_space<vmem>>) target(%dma_start3A_53 : memref<128x16xf32, #tpu.memory_space<vmem_shared>>) target_semaphore(%run_scoped3A : memref<!tpu.dma_semaphore, #tpu.memory_space<semaphore_mem>>)
      %dma_wait3A = arith.constant 0 : i32
      %dma_wait3A_54 = tpu.memref_slice %arg10[%add3A_24, %dma_wait3A] : memref<10240x16xf32, #tpu.memory_space<vmem_shared>> -> memref<128x16xf32, #tpu.memory_space<vmem_shared>>
      %dma_wait3A_55 = arith.constant 0 : i32
      %dma_wait3A_56 = tpu.memref_slice %arg10[%add3A_24, %dma_wait3A_55] : memref<10240x16xf32, #tpu.memory_space<vmem_shared>> -> memref<128x16xf32, #tpu.memory_space<vmem_shared>>
      tpu.wait_dma2 semaphore(%run_scoped3A : memref<!tpu.dma_semaphore, #tpu.memory_space<semaphore_mem>>) src(%arg9 : memref<128x16xf32, #tpu.memory_space<vmem>>) dst(%dma_wait3A_56 : memref<128x16xf32, #tpu.memory_space<vmem_shared>>)
      tpu.yield
    }) : () -> ()
    "tpu.region"() ({
      %run_scoped3A = tpu.sem_alloc : memref<!tpu.dma_semaphore, #tpu.memory_space<semaphore_mem>>
      %dma_start3A = arith.constant 0 : i32
      %dma_start3A_51 = arith.constant 0 : i32
      %dma_start3A_52 = tpu.memref_slice %arg3[%add3A, %dma_start3A, %dma_start3A_51] : memref<32x80x128xi32, #tpu.memory_space<hbm>> -> memref<1x80x128xi32, #tpu.memory_space<hbm>>
      %dma_start3A_53 = tpu.memref_squeeze %dma_start3A_52 : memref<1x80x128xi32, #tpu.memory_space<hbm>> -> memref<80x128xi32, #tpu.memory_space<hbm>>
      %dma_start3A_54 = arith.constant 0 : i32
      %dma_start3A_55 = arith.constant 0 : i32
      %dma_start3A_56 = tpu.memref_slice %arg3[%add3A, %dma_start3A_54, %dma_start3A_55] : memref<32x80x128xi32, #tpu.memory_space<hbm>> -> memref<1x80x128xi32, #tpu.memory_space<hbm>>
      %dma_start3A_57 = tpu.memref_squeeze %dma_start3A_56 : memref<1x80x128xi32, #tpu.memory_space<hbm>> -> memref<80x128xi32, #tpu.memory_space<hbm>>
      tpu.enqueue_dma source(%dma_start3A_57 : memref<80x128xi32, #tpu.memory_space<hbm>>) target(%arg6 : memref<80x128xi32, #tpu.memory_space<vmem>>) target_semaphore(%run_scoped3A : memref<!tpu.dma_semaphore, #tpu.memory_space<semaphore_mem>>)
      %dma_wait3A = arith.constant 0 : i32
      %dma_wait3A_58 = arith.constant 0 : i32
      %dma_wait3A_59 = tpu.memref_slice %arg3[%add3A, %dma_wait3A, %dma_wait3A_58] : memref<32x80x128xi32, #tpu.memory_space<hbm>> -> memref<1x80x128xi32, #tpu.memory_space<hbm>>
      %dma_wait3A_60 = tpu.memref_squeeze %dma_wait3A_59 : memref<1x80x128xi32, #tpu.memory_space<hbm>> -> memref<80x128xi32, #tpu.memory_space<hbm>>
      %dma_wait3A_61 = arith.constant 0 : i32
      %dma_wait3A_62 = arith.constant 0 : i32
      %dma_wait3A_63 = tpu.memref_slice %arg3[%add3A, %dma_wait3A_61, %dma_wait3A_62] : memref<32x80x128xi32, #tpu.memory_space<hbm>> -> memref<1x80x128xi32, #tpu.memory_space<hbm>>
      %dma_wait3A_64 = tpu.memref_squeeze %dma_wait3A_63 : memref<1x80x128xi32, #tpu.memory_space<hbm>> -> memref<80x128xi32, #tpu.memory_space<hbm>>
      tpu.wait_dma2 semaphore(%run_scoped3A : memref<!tpu.dma_semaphore, #tpu.memory_space<semaphore_mem>>) src(%dma_wait3A_64 : memref<80x128xi32, #tpu.memory_space<hbm>>) dst(%arg6 : memref<80x128xi32, #tpu.memory_space<vmem>>)
      tpu.yield
    }) : () -> ()
    "tpu.region"() ({
      %run_scoped3A = tpu.sem_alloc : memref<!tpu.dma_semaphore, #tpu.memory_space<semaphore_mem>>
      %dma_start3A = arith.constant 0 : i32
      %dma_start3A_51 = arith.constant 0 : i32
      %dma_start3A_52 = tpu.memref_slice %arg4[%add3A, %dma_start3A, %dma_start3A_51] : memref<32x80x128xi32, #tpu.memory_space<hbm>> -> memref<1x80x128xi32, #tpu.memory_space<hbm>>
      %dma_start3A_53 = tpu.memref_squeeze %dma_start3A_52 : memref<1x80x128xi32, #tpu.memory_space<hbm>> -> memref<80x128xi32, #tpu.memory_space<hbm>>
      %dma_start3A_54 = arith.constant 0 : i32
      %dma_start3A_55 = arith.constant 0 : i32
      %dma_start3A_56 = tpu.memref_slice %arg4[%add3A, %dma_start3A_54, %dma_start3A_55] : memref<32x80x128xi32, #tpu.memory_space<hbm>> -> memref<1x80x128xi32, #tpu.memory_space<hbm>>
      %dma_start3A_57 = tpu.memref_squeeze %dma_start3A_56 : memref<1x80x128xi32, #tpu.memory_space<hbm>> -> memref<80x128xi32, #tpu.memory_space<hbm>>
      tpu.enqueue_dma source(%dma_start3A_57 : memref<80x128xi32, #tpu.memory_space<hbm>>) target(%arg7 : memref<80x128xi32, #tpu.memory_space<vmem>>) target_semaphore(%run_scoped3A : memref<!tpu.dma_semaphore, #tpu.memory_space<semaphore_mem>>)
      %dma_wait3A = arith.constant 0 : i32
      %dma_wait3A_58 = arith.constant 0 : i32
      %dma_wait3A_59 = tpu.memref_slice %arg4[%add3A, %dma_wait3A, %dma_wait3A_58] : memref<32x80x128xi32, #tpu.memory_space<hbm>> -> memref<1x80x128xi32, #tpu.memory_space<hbm>>
      %dma_wait3A_60 = tpu.memref_squeeze %dma_wait3A_59 : memref<1x80x128xi32, #tpu.memory_space<hbm>> -> memref<80x128xi32, #tpu.memory_space<hbm>>
      %dma_wait3A_61 = arith.constant 0 : i32
      %dma_wait3A_62 = arith.constant 0 : i32
      %dma_wait3A_63 = tpu.memref_slice %arg4[%add3A, %dma_wait3A_61, %dma_wait3A_62] : memref<32x80x128xi32, #tpu.memory_space<hbm>> -> memref<1x80x128xi32, #tpu.memory_space<hbm>>
      %dma_wait3A_64 = tpu.memref_squeeze %dma_wait3A_63 : memref<1x80x128xi32, #tpu.memory_space<hbm>> -> memref<80x128xi32, #tpu.memory_space<hbm>>
      tpu.wait_dma2 semaphore(%run_scoped3A : memref<!tpu.dma_semaphore, #tpu.memory_space<semaphore_mem>>) src(%dma_wait3A_64 : memref<80x128xi32, #tpu.memory_space<hbm>>) dst(%arg7 : memref<80x128xi32, #tpu.memory_space<vmem>>)
      tpu.yield
    }) : () -> ()
    %barrier3A = arith.constant 0 : index
    tpu.barrier barrier_id(%barrier3A)
    %scan3A_25 = arith.constant 0 : i32
    %scan3A_26 = arith.constant 10 : i32
    %scan3A_27 = arith.addi %scan3A_25, %scan3A_26 : i32
    %scan3A_28 = arith.constant 1 : i32
    scf.for %scan3A_51 = %scan3A_25 to %scan3A_27 step %scan3A_28  : i32 {
      %mul3A_52 = arith.constant 8 : i32
      %mul3A_53 = arith.muli %scan3A_51, %mul3A_52 : i32
      %add3A_54 = arith.constant 0 : i32
      %add3A_55 = arith.addi %add3A_54, %mul3A_53 : i32
      %add3A_56 = arith.constant 0 : i32
      %add3A_57 = arith.addi %add3A_55, %add3A_56 : i32
      %dma_start3A = arith.constant 0 : i32
      %dma_start3A_58 = arith.constant 0 : i32
      %dma_start3A_59 = arith.constant 0 : i32
      %dma_start3A_60 = tpu.memref_slice %arg8[%dma_start3A, %dma_start3A_58, %dma_start3A_59] : memref<8x128x16xf32, #tpu.memory_space<vmem>> -> memref<1x128x16xf32, #tpu.memory_space<vmem>>
      %dma_start3A_61 = tpu.memref_squeeze %dma_start3A_60 : memref<1x128x16xf32, #tpu.memory_space<vmem>> -> memref<128x16xf32, #tpu.memory_space<vmem>>
      %dma_start3A_62 = arith.constant 0 : i32
      %dma_start3A_63 = tpu.memref_slice %arg6[%add3A_57, %dma_start3A_62] : memref<80x128xi32, #tpu.memory_space<vmem>> -> memref<1x128xi32, #tpu.memory_space<vmem>>
      %dma_start3A_64 = tpu.memref_squeeze %dma_start3A_63 : memref<1x128xi32, #tpu.memory_space<vmem>> -> memref<128xi32, #tpu.memory_space<vmem>>
      %dma_start3A_65 = arith.constant 0 : i32
      %dma_start3A_66 = arith.constant 0 : i32
      %dma_start3A_67 = tpu.memref_slice %arg2[%dma_start3A_65, %dma_start3A_66] : memref<10240x16xf32, #tpu.memory_space<hbm>> -> memref<10240x16xf32, #tpu.memory_space<hbm>>
      tpu.enqueue_indirect_dma source(%dma_start3A_67 : memref<10240x16xf32, #tpu.memory_space<hbm>>) target(%dma_start3A_61 : memref<128x16xf32, #tpu.memory_space<vmem>>) offsets(%dma_start3A_64 : memref<128xi32, #tpu.memory_space<vmem>>) semaphore(%arg11 : memref<!tpu.dma_semaphore, #tpu.memory_space<semaphore_mem>>)
      %add3A_68 = arith.constant 1 : i32
      %add3A_69 = arith.addi %add3A_55, %add3A_68 : i32
      %dma_start3A_70 = arith.constant 1 : i32
      %dma_start3A_71 = arith.constant 0 : i32
      %dma_start3A_72 = arith.constant 0 : i32
      %dma_start3A_73 = tpu.memref_slice %arg8[%dma_start3A_70, %dma_start3A_71, %dma_start3A_72] : memref<8x128x16xf32, #tpu.memory_space<vmem>> -> memref<1x128x16xf32, #tpu.memory_space<vmem>>
      %dma_start3A_74 = tpu.memref_squeeze %dma_start3A_73 : memref<1x128x16xf32, #tpu.memory_space<vmem>> -> memref<128x16xf32, #tpu.memory_space<vmem>>
      %dma_start3A_75 = arith.constant 0 : i32
      %dma_start3A_76 = tpu.memref_slice %arg6[%add3A_69, %dma_start3A_75] : memref<80x128xi32, #tpu.memory_space<vmem>> -> memref<1x128xi32, #tpu.memory_space<vmem>>
      %dma_start3A_77 = tpu.memref_squeeze %dma_start3A_76 : memref<1x128xi32, #tpu.memory_space<vmem>> -> memref<128xi32, #tpu.memory_space<vmem>>
      %dma_start3A_78 = arith.constant 0 : i32
      %dma_start3A_79 = arith.constant 0 : i32
      %dma_start3A_80 = tpu.memref_slice %arg2[%dma_start3A_78, %dma_start3A_79] : memref<10240x16xf32, #tpu.memory_space<hbm>> -> memref<10240x16xf32, #tpu.memory_space<hbm>>
      tpu.enqueue_indirect_dma source(%dma_start3A_80 : memref<10240x16xf32, #tpu.memory_space<hbm>>) target(%dma_start3A_74 : memref<128x16xf32, #tpu.memory_space<vmem>>) offsets(%dma_start3A_77 : memref<128xi32, #tpu.memory_space<vmem>>) semaphore(%arg12 : memref<!tpu.dma_semaphore, #tpu.memory_space<semaphore_mem>>)
      %add3A_81 = arith.constant 2 : i32
      %add3A_82 = arith.addi %add3A_55, %add3A_81 : i32
      %dma_start3A_83 = arith.constant 2 : i32
      %dma_start3A_84 = arith.constant 0 : i32
      %dma_start3A_85 = arith.constant 0 : i32
      %dma_start3A_86 = tpu.memref_slice %arg8[%dma_start3A_83, %dma_start3A_84, %dma_start3A_85] : memref<8x128x16xf32, #tpu.memory_space<vmem>> -> memref<1x128x16xf32, #tpu.memory_space<vmem>>
      %dma_start3A_87 = tpu.memref_squeeze %dma_start3A_86 : memref<1x128x16xf32, #tpu.memory_space<vmem>> -> memref<128x16xf32, #tpu.memory_space<vmem>>
      %dma_start3A_88 = arith.constant 0 : i32
      %dma_start3A_89 = tpu.memref_slice %arg6[%add3A_82, %dma_start3A_88] : memref<80x128xi32, #tpu.memory_space<vmem>> -> memref<1x128xi32, #tpu.memory_space<vmem>>
      %dma_start3A_90 = tpu.memref_squeeze %dma_start3A_89 : memref<1x128xi32, #tpu.memory_space<vmem>> -> memref<128xi32, #tpu.memory_space<vmem>>
      %dma_start3A_91 = arith.constant 0 : i32
      %dma_start3A_92 = arith.constant 0 : i32
      %dma_start3A_93 = tpu.memref_slice %arg2[%dma_start3A_91, %dma_start3A_92] : memref<10240x16xf32, #tpu.memory_space<hbm>> -> memref<10240x16xf32, #tpu.memory_space<hbm>>
      tpu.enqueue_indirect_dma source(%dma_start3A_93 : memref<10240x16xf32, #tpu.memory_space<hbm>>) target(%dma_start3A_87 : memref<128x16xf32, #tpu.memory_space<vmem>>) offsets(%dma_start3A_90 : memref<128xi32, #tpu.memory_space<vmem>>) semaphore(%arg13 : memref<!tpu.dma_semaphore, #tpu.memory_space<semaphore_mem>>)
      %add3A_94 = arith.constant 3 : i32
      %add3A_95 = arith.addi %add3A_55, %add3A_94 : i32
      %dma_start3A_96 = arith.constant 3 : i32
      %dma_start3A_97 = arith.constant 0 : i32
      %dma_start3A_98 = arith.constant 0 : i32
      %dma_start3A_99 = tpu.memref_slice %arg8[%dma_start3A_96, %dma_start3A_97, %dma_start3A_98] : memref<8x128x16xf32, #tpu.memory_space<vmem>> -> memref<1x128x16xf32, #tpu.memory_space<vmem>>
      %dma_start3A_100 = tpu.memref_squeeze %dma_start3A_99 : memref<1x128x16xf32, #tpu.memory_space<vmem>> -> memref<128x16xf32, #tpu.memory_space<vmem>>
      %dma_start3A_101 = arith.constant 0 : i32
      %dma_start3A_102 = tpu.memref_slice %arg6[%add3A_95, %dma_start3A_101] : memref<80x128xi32, #tpu.memory_space<vmem>> -> memref<1x128xi32, #tpu.memory_space<vmem>>
      %dma_start3A_103 = tpu.memref_squeeze %dma_start3A_102 : memref<1x128xi32, #tpu.memory_space<vmem>> -> memref<128xi32, #tpu.memory_space<vmem>>
      %dma_start3A_104 = arith.constant 0 : i32
      %dma_start3A_105 = arith.constant 0 : i32
      %dma_start3A_106 = tpu.memref_slice %arg2[%dma_start3A_104, %dma_start3A_105] : memref<10240x16xf32, #tpu.memory_space<hbm>> -> memref<10240x16xf32, #tpu.memory_space<hbm>>
      tpu.enqueue_indirect_dma source(%dma_start3A_106 : memref<10240x16xf32, #tpu.memory_space<hbm>>) target(%dma_start3A_100 : memref<128x16xf32, #tpu.memory_space<vmem>>) offsets(%dma_start3A_103 : memref<128xi32, #tpu.memory_space<vmem>>) semaphore(%arg14 : memref<!tpu.dma_semaphore, #tpu.memory_space<semaphore_mem>>)
      %add3A_107 = arith.constant 4 : i32
      %add3A_108 = arith.addi %add3A_55, %add3A_107 : i32
      %dma_start3A_109 = arith.constant 4 : i32
      %dma_start3A_110 = arith.constant 0 : i32
      %dma_start3A_111 = arith.constant 0 : i32
      %dma_start3A_112 = tpu.memref_slice %arg8[%dma_start3A_109, %dma_start3A_110, %dma_start3A_111] : memref<8x128x16xf32, #tpu.memory_space<vmem>> -> memref<1x128x16xf32, #tpu.memory_space<vmem>>
      %dma_start3A_113 = tpu.memref_squeeze %dma_start3A_112 : memref<1x128x16xf32, #tpu.memory_space<vmem>> -> memref<128x16xf32, #tpu.memory_space<vmem>>
      %dma_start3A_114 = arith.constant 0 : i32
      %dma_start3A_115 = tpu.memref_slice %arg6[%add3A_108, %dma_start3A_114] : memref<80x128xi32, #tpu.memory_space<vmem>> -> memref<1x128xi32, #tpu.memory_space<vmem>>
      %dma_start3A_116 = tpu.memref_squeeze %dma_start3A_115 : memref<1x128xi32, #tpu.memory_space<vmem>> -> memref<128xi32, #tpu.memory_space<vmem>>
      %dma_start3A_117 = arith.constant 0 : i32
      %dma_start3A_118 = arith.constant 0 : i32
      %dma_start3A_119 = tpu.memref_slice %arg2[%dma_start3A_117, %dma_start3A_118] : memref<10240x16xf32, #tpu.memory_space<hbm>> -> memref<10240x16xf32, #tpu.memory_space<hbm>>
      tpu.enqueue_indirect_dma source(%dma_start3A_119 : memref<10240x16xf32, #tpu.memory_space<hbm>>) target(%dma_start3A_113 : memref<128x16xf32, #tpu.memory_space<vmem>>) offsets(%dma_start3A_116 : memref<128xi32, #tpu.memory_space<vmem>>) semaphore(%arg15 : memref<!tpu.dma_semaphore, #tpu.memory_space<semaphore_mem>>)
      %add3A_120 = arith.constant 5 : i32
      %add3A_121 = arith.addi %add3A_55, %add3A_120 : i32
      %dma_start3A_122 = arith.constant 5 : i32
      %dma_start3A_123 = arith.constant 0 : i32
      %dma_start3A_124 = arith.constant 0 : i32
      %dma_start3A_125 = tpu.memref_slice %arg8[%dma_start3A_122, %dma_start3A_123, %dma_start3A_124] : memref<8x128x16xf32, #tpu.memory_space<vmem>> -> memref<1x128x16xf32, #tpu.memory_space<vmem>>
      %dma_start3A_126 = tpu.memref_squeeze %dma_start3A_125 : memref<1x128x16xf32, #tpu.memory_space<vmem>> -> memref<128x16xf32, #tpu.memory_space<vmem>>
      %dma_start3A_127 = arith.constant 0 : i32
      %dma_start3A_128 = tpu.memref_slice %arg6[%add3A_121, %dma_start3A_127] : memref<80x128xi32, #tpu.memory_space<vmem>> -> memref<1x128xi32, #tpu.memory_space<vmem>>
      %dma_start3A_129 = tpu.memref_squeeze %dma_start3A_128 : memref<1x128xi32, #tpu.memory_space<vmem>> -> memref<128xi32, #tpu.memory_space<vmem>>
      %dma_start3A_130 = arith.constant 0 : i32
      %dma_start3A_131 = arith.constant 0 : i32
      %dma_start3A_132 = tpu.memref_slice %arg2[%dma_start3A_130, %dma_start3A_131] : memref<10240x16xf32, #tpu.memory_space<hbm>> -> memref<10240x16xf32, #tpu.memory_space<hbm>>
      tpu.enqueue_indirect_dma source(%dma_start3A_132 : memref<10240x16xf32, #tpu.memory_space<hbm>>) target(%dma_start3A_126 : memref<128x16xf32, #tpu.memory_space<vmem>>) offsets(%dma_start3A_129 : memref<128xi32, #tpu.memory_space<vmem>>) semaphore(%arg16 : memref<!tpu.dma_semaphore, #tpu.memory_space<semaphore_mem>>)
      %add3A_133 = arith.constant 6 : i32
      %add3A_134 = arith.addi %add3A_55, %add3A_133 : i32
      %dma_start3A_135 = arith.constant 6 : i32
      %dma_start3A_136 = arith.constant 0 : i32
      %dma_start3A_137 = arith.constant 0 : i32
      %dma_start3A_138 = tpu.memref_slice %arg8[%dma_start3A_135, %dma_start3A_136, %dma_start3A_137] : memref<8x128x16xf32, #tpu.memory_space<vmem>> -> memref<1x128x16xf32, #tpu.memory_space<vmem>>
      %dma_start3A_139 = tpu.memref_squeeze %dma_start3A_138 : memref<1x128x16xf32, #tpu.memory_space<vmem>> -> memref<128x16xf32, #tpu.memory_space<vmem>>
      %dma_start3A_140 = arith.constant 0 : i32
      %dma_start3A_141 = tpu.memref_slice %arg6[%add3A_134, %dma_start3A_140] : memref<80x128xi32, #tpu.memory_space<vmem>> -> memref<1x128xi32, #tpu.memory_space<vmem>>
      %dma_start3A_142 = tpu.memref_squeeze %dma_start3A_141 : memref<1x128xi32, #tpu.memory_space<vmem>> -> memref<128xi32, #tpu.memory_space<vmem>>
      %dma_start3A_143 = arith.constant 0 : i32
      %dma_start3A_144 = arith.constant 0 : i32
      %dma_start3A_145 = tpu.memref_slice %arg2[%dma_start3A_143, %dma_start3A_144] : memref<10240x16xf32, #tpu.memory_space<hbm>> -> memref<10240x16xf32, #tpu.memory_space<hbm>>
      tpu.enqueue_indirect_dma source(%dma_start3A_145 : memref<10240x16xf32, #tpu.memory_space<hbm>>) target(%dma_start3A_139 : memref<128x16xf32, #tpu.memory_space<vmem>>) offsets(%dma_start3A_142 : memref<128xi32, #tpu.memory_space<vmem>>) semaphore(%arg17 : memref<!tpu.dma_semaphore, #tpu.memory_space<semaphore_mem>>)
      %add3A_146 = arith.constant 7 : i32
      %add3A_147 = arith.addi %add3A_55, %add3A_146 : i32
      %dma_start3A_148 = arith.constant 7 : i32
      %dma_start3A_149 = arith.constant 0 : i32
      %dma_start3A_150 = arith.constant 0 : i32
      %dma_start3A_151 = tpu.memref_slice %arg8[%dma_start3A_148, %dma_start3A_149, %dma_start3A_150] : memref<8x128x16xf32, #tpu.memory_space<vmem>> -> memref<1x128x16xf32, #tpu.memory_space<vmem>>
      %dma_start3A_152 = tpu.memref_squeeze %dma_start3A_151 : memref<1x128x16xf32, #tpu.memory_space<vmem>> -> memref<128x16xf32, #tpu.memory_space<vmem>>
      %dma_start3A_153 = arith.constant 0 : i32
      %dma_start3A_154 = tpu.memref_slice %arg6[%add3A_147, %dma_start3A_153] : memref<80x128xi32, #tpu.memory_space<vmem>> -> memref<1x128xi32, #tpu.memory_space<vmem>>
      %dma_start3A_155 = tpu.memref_squeeze %dma_start3A_154 : memref<1x128xi32, #tpu.memory_space<vmem>> -> memref<128xi32, #tpu.memory_space<vmem>>
      %dma_start3A_156 = arith.constant 0 : i32
      %dma_start3A_157 = arith.constant 0 : i32
      %dma_start3A_158 = tpu.memref_slice %arg2[%dma_start3A_156, %dma_start3A_157] : memref<10240x16xf32, #tpu.memory_space<hbm>> -> memref<10240x16xf32, #tpu.memory_space<hbm>>
      tpu.enqueue_indirect_dma source(%dma_start3A_158 : memref<10240x16xf32, #tpu.memory_space<hbm>>) target(%dma_start3A_152 : memref<128x16xf32, #tpu.memory_space<vmem>>) offsets(%dma_start3A_155 : memref<128xi32, #tpu.memory_space<vmem>>) semaphore(%arg18 : memref<!tpu.dma_semaphore, #tpu.memory_space<semaphore_mem>>)
      %dma_wait3A = arith.constant 0 : i32
      %dma_wait3A_159 = arith.constant 0 : i32
      %dma_wait3A_160 = arith.constant 0 : i32
      %dma_wait3A_161 = tpu.memref_slice %arg8[%dma_wait3A, %dma_wait3A_159, %dma_wait3A_160] : memref<8x128x16xf32, #tpu.memory_space<vmem>> -> memref<1x128x16xf32, #tpu.memory_space<vmem>>
      %dma_wait3A_162 = tpu.memref_squeeze %dma_wait3A_161 : memref<1x128x16xf32, #tpu.memory_space<vmem>> -> memref<128x16xf32, #tpu.memory_space<vmem>>
      %dma_wait3A_163 = arith.constant 0 : i32
      %dma_wait3A_164 = tpu.memref_slice %arg6[%add3A_57, %dma_wait3A_163] : memref<80x128xi32, #tpu.memory_space<vmem>> -> memref<1x128xi32, #tpu.memory_space<vmem>>
      %dma_wait3A_165 = tpu.memref_squeeze %dma_wait3A_164 : memref<1x128xi32, #tpu.memory_space<vmem>> -> memref<128xi32, #tpu.memory_space<vmem>>
      %dma_wait3A_166 = arith.constant 0 : i32
      %dma_wait3A_167 = arith.constant 0 : i32
      %dma_wait3A_168 = tpu.memref_slice %arg2[%dma_wait3A_166, %dma_wait3A_167] : memref<10240x16xf32, #tpu.memory_space<hbm>> -> memref<10240x16xf32, #tpu.memory_space<hbm>>
      tpu.wait_indirect_dma semaphore(%arg11 : memref<!tpu.dma_semaphore, #tpu.memory_space<semaphore_mem>>) src(%dma_wait3A_168 : memref<10240x16xf32, #tpu.memory_space<hbm>>) dst(%dma_wait3A_162 : memref<128x16xf32, #tpu.memory_space<vmem>>)
      %add3A_169 = arith.constant 0 : i32
      %add3A_170 = arith.addi %add3A_55, %add3A_169 : i32
      %dma_start3A_171 = arith.constant 0 : i32
      %dma_start3A_172 = arith.constant 0 : i32
      %dma_start3A_173 = arith.constant 0 : i32
      %dma_start3A_174 = tpu.memref_slice %arg8[%dma_start3A_171, %dma_start3A_172, %dma_start3A_173] : memref<8x128x16xf32, #tpu.memory_space<vmem>> -> memref<1x128x16xf32, #tpu.memory_space<vmem>>
      %dma_start3A_175 = tpu.memref_squeeze %dma_start3A_174 : memref<1x128x16xf32, #tpu.memory_space<vmem>> -> memref<128x16xf32, #tpu.memory_space<vmem>>
      %dma_start3A_176 = arith.constant 0 : i32
      %dma_start3A_177 = tpu.memref_slice %arg7[%add3A_170, %dma_start3A_176] : memref<80x128xi32, #tpu.memory_space<vmem>> -> memref<1x128xi32, #tpu.memory_space<vmem>>
      %dma_start3A_178 = tpu.memref_squeeze %dma_start3A_177 : memref<1x128xi32, #tpu.memory_space<vmem>> -> memref<128xi32, #tpu.memory_space<vmem>>
      %dma_start3A_179 = arith.constant 0 : i32
      %dma_start3A_180 = arith.constant 0 : i32
      %dma_start3A_181 = tpu.memref_slice %arg10[%dma_start3A_179, %dma_start3A_180] : memref<10240x16xf32, #tpu.memory_space<vmem_shared>> -> memref<10240x16xf32, #tpu.memory_space<vmem_shared>>
      tpu.enqueue_indirect_dma source(%dma_start3A_175 : memref<128x16xf32, #tpu.memory_space<vmem>>) target(%dma_start3A_181 : memref<10240x16xf32, #tpu.memory_space<vmem_shared>>) offsets(%dma_start3A_178 : memref<128xi32, #tpu.memory_space<vmem>>) semaphore(%arg19 : memref<!tpu.dma_semaphore, #tpu.memory_space<semaphore_mem>>) {add = true}
      %dma_wait3A_182 = arith.constant 1 : i32
      %dma_wait3A_183 = arith.constant 0 : i32
      %dma_wait3A_184 = arith.constant 0 : i32
      %dma_wait3A_185 = tpu.memref_slice %arg8[%dma_wait3A_182, %dma_wait3A_183, %dma_wait3A_184] : memref<8x128x16xf32, #tpu.memory_space<vmem>> -> memref<1x128x16xf32, #tpu.memory_space<vmem>>
      %dma_wait3A_186 = tpu.memref_squeeze %dma_wait3A_185 : memref<1x128x16xf32, #tpu.memory_space<vmem>> -> memref<128x16xf32, #tpu.memory_space<vmem>>
      %dma_wait3A_187 = arith.constant 0 : i32
      %dma_wait3A_188 = tpu.memref_slice %arg6[%add3A_69, %dma_wait3A_187] : memref<80x128xi32, #tpu.memory_space<vmem>> -> memref<1x128xi32, #tpu.memory_space<vmem>>
      %dma_wait3A_189 = tpu.memref_squeeze %dma_wait3A_188 : memref<1x128xi32, #tpu.memory_space<vmem>> -> memref<128xi32, #tpu.memory_space<vmem>>
      %dma_wait3A_190 = arith.constant 0 : i32
      %dma_wait3A_191 = arith.constant 0 : i32
      %dma_wait3A_192 = tpu.memref_slice %arg2[%dma_wait3A_190, %dma_wait3A_191] : memref<10240x16xf32, #tpu.memory_space<hbm>> -> memref<10240x16xf32, #tpu.memory_space<hbm>>
      tpu.wait_indirect_dma semaphore(%arg12 : memref<!tpu.dma_semaphore, #tpu.memory_space<semaphore_mem>>) src(%dma_wait3A_192 : memref<10240x16xf32, #tpu.memory_space<hbm>>) dst(%dma_wait3A_186 : memref<128x16xf32, #tpu.memory_space<vmem>>)
      %add3A_193 = arith.constant 1 : i32
      %add3A_194 = arith.addi %add3A_55, %add3A_193 : i32
      %dma_start3A_195 = arith.constant 1 : i32
      %dma_start3A_196 = arith.constant 0 : i32
      %dma_start3A_197 = arith.constant 0 : i32
      %dma_start3A_198 = tpu.memref_slice %arg8[%dma_start3A_195, %dma_start3A_196, %dma_start3A_197] : memref<8x128x16xf32, #tpu.memory_space<vmem>> -> memref<1x128x16xf32, #tpu.memory_space<vmem>>
      %dma_start3A_199 = tpu.memref_squeeze %dma_start3A_198 : memref<1x128x16xf32, #tpu.memory_space<vmem>> -> memref<128x16xf32, #tpu.memory_space<vmem>>
      %dma_start3A_200 = arith.constant 0 : i32
      %dma_start3A_201 = tpu.memref_slice %arg7[%add3A_194, %dma_start3A_200] : memref<80x128xi32, #tpu.memory_space<vmem>> -> memref<1x128xi32, #tpu.memory_space<vmem>>
      %dma_start3A_202 = tpu.memref_squeeze %dma_start3A_201 : memref<1x128xi32, #tpu.memory_space<vmem>> -> memref<128xi32, #tpu.memory_space<vmem>>
      %dma_start3A_203 = arith.constant 0 : i32
      %dma_start3A_204 = arith.constant 0 : i32
      %dma_start3A_205 = tpu.memref_slice %arg10[%dma_start3A_203, %dma_start3A_204] : memref<10240x16xf32, #tpu.memory_space<vmem_shared>> -> memref<10240x16xf32, #tpu.memory_space<vmem_shared>>
      tpu.enqueue_indirect_dma source(%dma_start3A_199 : memref<128x16xf32, #tpu.memory_space<vmem>>) target(%dma_start3A_205 : memref<10240x16xf32, #tpu.memory_space<vmem_shared>>) offsets(%dma_start3A_202 : memref<128xi32, #tpu.memory_space<vmem>>) semaphore(%arg20 : memref<!tpu.dma_semaphore, #tpu.memory_space<semaphore_mem>>) {add = true}
      %dma_wait3A_206 = arith.constant 2 : i32
      %dma_wait3A_207 = arith.constant 0 : i32
      %dma_wait3A_208 = arith.constant 0 : i32
      %dma_wait3A_209 = tpu.memref_slice %arg8[%dma_wait3A_206, %dma_wait3A_207, %dma_wait3A_208] : memref<8x128x16xf32, #tpu.memory_space<vmem>> -> memref<1x128x16xf32, #tpu.memory_space<vmem>>
      %dma_wait3A_210 = tpu.memref_squeeze %dma_wait3A_209 : memref<1x128x16xf32, #tpu.memory_space<vmem>> -> memref<128x16xf32, #tpu.memory_space<vmem>>
      %dma_wait3A_211 = arith.constant 0 : i32
      %dma_wait3A_212 = tpu.memref_slice %arg6[%add3A_82, %dma_wait3A_211] : memref<80x128xi32, #tpu.memory_space<vmem>> -> memref<1x128xi32, #tpu.memory_space<vmem>>
      %dma_wait3A_213 = tpu.memref_squeeze %dma_wait3A_212 : memref<1x128xi32, #tpu.memory_space<vmem>> -> memref<128xi32, #tpu.memory_space<vmem>>
      %dma_wait3A_214 = arith.constant 0 : i32
      %dma_wait3A_215 = arith.constant 0 : i32
      %dma_wait3A_216 = tpu.memref_slice %arg2[%dma_wait3A_214, %dma_wait3A_215] : memref<10240x16xf32, #tpu.memory_space<hbm>> -> memref<10240x16xf32, #tpu.memory_space<hbm>>
      tpu.wait_indirect_dma semaphore(%arg13 : memref<!tpu.dma_semaphore, #tpu.memory_space<semaphore_mem>>) src(%dma_wait3A_216 : memref<10240x16xf32, #tpu.memory_space<hbm>>) dst(%dma_wait3A_210 : memref<128x16xf32, #tpu.memory_space<vmem>>)
      %add3A_217 = arith.constant 2 : i32
      %add3A_218 = arith.addi %add3A_55, %add3A_217 : i32
      %dma_start3A_219 = arith.constant 2 : i32
      %dma_start3A_220 = arith.constant 0 : i32
      %dma_start3A_221 = arith.constant 0 : i32
      %dma_start3A_222 = tpu.memref_slice %arg8[%dma_start3A_219, %dma_start3A_220, %dma_start3A_221] : memref<8x128x16xf32, #tpu.memory_space<vmem>> -> memref<1x128x16xf32, #tpu.memory_space<vmem>>
      %dma_start3A_223 = tpu.memref_squeeze %dma_start3A_222 : memref<1x128x16xf32, #tpu.memory_space<vmem>> -> memref<128x16xf32, #tpu.memory_space<vmem>>
      %dma_start3A_224 = arith.constant 0 : i32
      %dma_start3A_225 = tpu.memref_slice %arg7[%add3A_218, %dma_start3A_224] : memref<80x128xi32, #tpu.memory_space<vmem>> -> memref<1x128xi32, #tpu.memory_space<vmem>>
      %dma_start3A_226 = tpu.memref_squeeze %dma_start3A_225 : memref<1x128xi32, #tpu.memory_space<vmem>> -> memref<128xi32, #tpu.memory_space<vmem>>
      %dma_start3A_227 = arith.constant 0 : i32
      %dma_start3A_228 = arith.constant 0 : i32
      %dma_start3A_229 = tpu.memref_slice %arg10[%dma_start3A_227, %dma_start3A_228] : memref<10240x16xf32, #tpu.memory_space<vmem_shared>> -> memref<10240x16xf32, #tpu.memory_space<vmem_shared>>
      tpu.enqueue_indirect_dma source(%dma_start3A_223 : memref<128x16xf32, #tpu.memory_space<vmem>>) target(%dma_start3A_229 : memref<10240x16xf32, #tpu.memory_space<vmem_shared>>) offsets(%dma_start3A_226 : memref<128xi32, #tpu.memory_space<vmem>>) semaphore(%arg21 : memref<!tpu.dma_semaphore, #tpu.memory_space<semaphore_mem>>) {add = true}
      %dma_wait3A_230 = arith.constant 3 : i32
      %dma_wait3A_231 = arith.constant 0 : i32
      %dma_wait3A_232 = arith.constant 0 : i32
      %dma_wait3A_233 = tpu.memref_slice %arg8[%dma_wait3A_230, %dma_wait3A_231, %dma_wait3A_232] : memref<8x128x16xf32, #tpu.memory_space<vmem>> -> memref<1x128x16xf32, #tpu.memory_space<vmem>>
      %dma_wait3A_234 = tpu.memref_squeeze %dma_wait3A_233 : memref<1x128x16xf32, #tpu.memory_space<vmem>> -> memref<128x16xf32, #tpu.memory_space<vmem>>
      %dma_wait3A_235 = arith.constant 0 : i32
      %dma_wait3A_236 = tpu.memref_slice %arg6[%add3A_95, %dma_wait3A_235] : memref<80x128xi32, #tpu.memory_space<vmem>> -> memref<1x128xi32, #tpu.memory_space<vmem>>
      %dma_wait3A_237 = tpu.memref_squeeze %dma_wait3A_236 : memref<1x128xi32, #tpu.memory_space<vmem>> -> memref<128xi32, #tpu.memory_space<vmem>>
      %dma_wait3A_238 = arith.constant 0 : i32
      %dma_wait3A_239 = arith.constant 0 : i32
      %dma_wait3A_240 = tpu.memref_slice %arg2[%dma_wait3A_238, %dma_wait3A_239] : memref<10240x16xf32, #tpu.memory_space<hbm>> -> memref<10240x16xf32, #tpu.memory_space<hbm>>
      tpu.wait_indirect_dma semaphore(%arg14 : memref<!tpu.dma_semaphore, #tpu.memory_space<semaphore_mem>>) src(%dma_wait3A_240 : memref<10240x16xf32, #tpu.memory_space<hbm>>) dst(%dma_wait3A_234 : memref<128x16xf32, #tpu.memory_space<vmem>>)
      %add3A_241 = arith.constant 3 : i32
      %add3A_242 = arith.addi %add3A_55, %add3A_241 : i32
      %dma_start3A_243 = arith.constant 3 : i32
      %dma_start3A_244 = arith.constant 0 : i32
      %dma_start3A_245 = arith.constant 0 : i32
      %dma_start3A_246 = tpu.memref_slice %arg8[%dma_start3A_243, %dma_start3A_244, %dma_start3A_245] : memref<8x128x16xf32, #tpu.memory_space<vmem>> -> memref<1x128x16xf32, #tpu.memory_space<vmem>>
      %dma_start3A_247 = tpu.memref_squeeze %dma_start3A_246 : memref<1x128x16xf32, #tpu.memory_space<vmem>> -> memref<128x16xf32, #tpu.memory_space<vmem>>
      %dma_start3A_248 = arith.constant 0 : i32
      %dma_start3A_249 = tpu.memref_slice %arg7[%add3A_242, %dma_start3A_248] : memref<80x128xi32, #tpu.memory_space<vmem>> -> memref<1x128xi32, #tpu.memory_space<vmem>>
      %dma_start3A_250 = tpu.memref_squeeze %dma_start3A_249 : memref<1x128xi32, #tpu.memory_space<vmem>> -> memref<128xi32, #tpu.memory_space<vmem>>
      %dma_start3A_251 = arith.constant 0 : i32
      %dma_start3A_252 = arith.constant 0 : i32
      %dma_start3A_253 = tpu.memref_slice %arg10[%dma_start3A_251, %dma_start3A_252] : memref<10240x16xf32, #tpu.memory_space<vmem_shared>> -> memref<10240x16xf32, #tpu.memory_space<vmem_shared>>
      tpu.enqueue_indirect_dma source(%dma_start3A_247 : memref<128x16xf32, #tpu.memory_space<vmem>>) target(%dma_start3A_253 : memref<10240x16xf32, #tpu.memory_space<vmem_shared>>) offsets(%dma_start3A_250 : memref<128xi32, #tpu.memory_space<vmem>>) semaphore(%arg22 : memref<!tpu.dma_semaphore, #tpu.memory_space<semaphore_mem>>) {add = true}
      %dma_wait3A_254 = arith.constant 4 : i32
      %dma_wait3A_255 = arith.constant 0 : i32
      %dma_wait3A_256 = arith.constant 0 : i32
      %dma_wait3A_257 = tpu.memref_slice %arg8[%dma_wait3A_254, %dma_wait3A_255, %dma_wait3A_256] : memref<8x128x16xf32, #tpu.memory_space<vmem>> -> memref<1x128x16xf32, #tpu.memory_space<vmem>>
      %dma_wait3A_258 = tpu.memref_squeeze %dma_wait3A_257 : memref<1x128x16xf32, #tpu.memory_space<vmem>> -> memref<128x16xf32, #tpu.memory_space<vmem>>
      %dma_wait3A_259 = arith.constant 0 : i32
      %dma_wait3A_260 = tpu.memref_slice %arg6[%add3A_108, %dma_wait3A_259] : memref<80x128xi32, #tpu.memory_space<vmem>> -> memref<1x128xi32, #tpu.memory_space<vmem>>
      %dma_wait3A_261 = tpu.memref_squeeze %dma_wait3A_260 : memref<1x128xi32, #tpu.memory_space<vmem>> -> memref<128xi32, #tpu.memory_space<vmem>>
      %dma_wait3A_262 = arith.constant 0 : i32
      %dma_wait3A_263 = arith.constant 0 : i32
      %dma_wait3A_264 = tpu.memref_slice %arg2[%dma_wait3A_262, %dma_wait3A_263] : memref<10240x16xf32, #tpu.memory_space<hbm>> -> memref<10240x16xf32, #tpu.memory_space<hbm>>
      tpu.wait_indirect_dma semaphore(%arg15 : memref<!tpu.dma_semaphore, #tpu.memory_space<semaphore_mem>>) src(%dma_wait3A_264 : memref<10240x16xf32, #tpu.memory_space<hbm>>) dst(%dma_wait3A_258 : memref<128x16xf32, #tpu.memory_space<vmem>>)
      %add3A_265 = arith.constant 4 : i32
      %add3A_266 = arith.addi %add3A_55, %add3A_265 : i32
      %dma_start3A_267 = arith.constant 4 : i32
      %dma_start3A_268 = arith.constant 0 : i32
      %dma_start3A_269 = arith.constant 0 : i32
      %dma_start3A_270 = tpu.memref_slice %arg8[%dma_start3A_267, %dma_start3A_268, %dma_start3A_269] : memref<8x128x16xf32, #tpu.memory_space<vmem>> -> memref<1x128x16xf32, #tpu.memory_space<vmem>>
      %dma_start3A_271 = tpu.memref_squeeze %dma_start3A_270 : memref<1x128x16xf32, #tpu.memory_space<vmem>> -> memref<128x16xf32, #tpu.memory_space<vmem>>
      %dma_start3A_272 = arith.constant 0 : i32
      %dma_start3A_273 = tpu.memref_slice %arg7[%add3A_266, %dma_start3A_272] : memref<80x128xi32, #tpu.memory_space<vmem>> -> memref<1x128xi32, #tpu.memory_space<vmem>>
      %dma_start3A_274 = tpu.memref_squeeze %dma_start3A_273 : memref<1x128xi32, #tpu.memory_space<vmem>> -> memref<128xi32, #tpu.memory_space<vmem>>
      %dma_start3A_275 = arith.constant 0 : i32
      %dma_start3A_276 = arith.constant 0 : i32
      %dma_start3A_277 = tpu.memref_slice %arg10[%dma_start3A_275, %dma_start3A_276] : memref<10240x16xf32, #tpu.memory_space<vmem_shared>> -> memref<10240x16xf32, #tpu.memory_space<vmem_shared>>
      tpu.enqueue_indirect_dma source(%dma_start3A_271 : memref<128x16xf32, #tpu.memory_space<vmem>>) target(%dma_start3A_277 : memref<10240x16xf32, #tpu.memory_space<vmem_shared>>) offsets(%dma_start3A_274 : memref<128xi32, #tpu.memory_space<vmem>>) semaphore(%arg23 : memref<!tpu.dma_semaphore, #tpu.memory_space<semaphore_mem>>) {add = true}
      %dma_wait3A_278 = arith.constant 5 : i32
      %dma_wait3A_279 = arith.constant 0 : i32
      %dma_wait3A_280 = arith.constant 0 : i32
      %dma_wait3A_281 = tpu.memref_slice %arg8[%dma_wait3A_278, %dma_wait3A_279, %dma_wait3A_280] : memref<8x128x16xf32, #tpu.memory_space<vmem>> -> memref<1x128x16xf32, #tpu.memory_space<vmem>>
      %dma_wait3A_282 = tpu.memref_squeeze %dma_wait3A_281 : memref<1x128x16xf32, #tpu.memory_space<vmem>> -> memref<128x16xf32, #tpu.memory_space<vmem>>
      %dma_wait3A_283 = arith.constant 0 : i32
      %dma_wait3A_284 = tpu.memref_slice %arg6[%add3A_121, %dma_wait3A_283] : memref<80x128xi32, #tpu.memory_space<vmem>> -> memref<1x128xi32, #tpu.memory_space<vmem>>
      %dma_wait3A_285 = tpu.memref_squeeze %dma_wait3A_284 : memref<1x128xi32, #tpu.memory_space<vmem>> -> memref<128xi32, #tpu.memory_space<vmem>>
      %dma_wait3A_286 = arith.constant 0 : i32
      %dma_wait3A_287 = arith.constant 0 : i32
      %dma_wait3A_288 = tpu.memref_slice %arg2[%dma_wait3A_286, %dma_wait3A_287] : memref<10240x16xf32, #tpu.memory_space<hbm>> -> memref<10240x16xf32, #tpu.memory_space<hbm>>
      tpu.wait_indirect_dma semaphore(%arg16 : memref<!tpu.dma_semaphore, #tpu.memory_space<semaphore_mem>>) src(%dma_wait3A_288 : memref<10240x16xf32, #tpu.memory_space<hbm>>) dst(%dma_wait3A_282 : memref<128x16xf32, #tpu.memory_space<vmem>>)
      %add3A_289 = arith.constant 5 : i32
      %add3A_290 = arith.addi %add3A_55, %add3A_289 : i32
      %dma_start3A_291 = arith.constant 5 : i32
      %dma_start3A_292 = arith.constant 0 : i32
      %dma_start3A_293 = arith.constant 0 : i32
      %dma_start3A_294 = tpu.memref_slice %arg8[%dma_start3A_291, %dma_start3A_292, %dma_start3A_293] : memref<8x128x16xf32, #tpu.memory_space<vmem>> -> memref<1x128x16xf32, #tpu.memory_space<vmem>>
      %dma_start3A_295 = tpu.memref_squeeze %dma_start3A_294 : memref<1x128x16xf32, #tpu.memory_space<vmem>> -> memref<128x16xf32, #tpu.memory_space<vmem>>
      %dma_start3A_296 = arith.constant 0 : i32
      %dma_start3A_297 = tpu.memref_slice %arg7[%add3A_290, %dma_start3A_296] : memref<80x128xi32, #tpu.memory_space<vmem>> -> memref<1x128xi32, #tpu.memory_space<vmem>>
      %dma_start3A_298 = tpu.memref_squeeze %dma_start3A_297 : memref<1x128xi32, #tpu.memory_space<vmem>> -> memref<128xi32, #tpu.memory_space<vmem>>
      %dma_start3A_299 = arith.constant 0 : i32
      %dma_start3A_300 = arith.constant 0 : i32
      %dma_start3A_301 = tpu.memref_slice %arg10[%dma_start3A_299, %dma_start3A_300] : memref<10240x16xf32, #tpu.memory_space<vmem_shared>> -> memref<10240x16xf32, #tpu.memory_space<vmem_shared>>
      tpu.enqueue_indirect_dma source(%dma_start3A_295 : memref<128x16xf32, #tpu.memory_space<vmem>>) target(%dma_start3A_301 : memref<10240x16xf32, #tpu.memory_space<vmem_shared>>) offsets(%dma_start3A_298 : memref<128xi32, #tpu.memory_space<vmem>>) semaphore(%arg24 : memref<!tpu.dma_semaphore, #tpu.memory_space<semaphore_mem>>) {add = true}
      %dma_wait3A_302 = arith.constant 6 : i32
      %dma_wait3A_303 = arith.constant 0 : i32
      %dma_wait3A_304 = arith.constant 0 : i32
      %dma_wait3A_305 = tpu.memref_slice %arg8[%dma_wait3A_302, %dma_wait3A_303, %dma_wait3A_304] : memref<8x128x16xf32, #tpu.memory_space<vmem>> -> memref<1x128x16xf32, #tpu.memory_space<vmem>>
      %dma_wait3A_306 = tpu.memref_squeeze %dma_wait3A_305 : memref<1x128x16xf32, #tpu.memory_space<vmem>> -> memref<128x16xf32, #tpu.memory_space<vmem>>
      %dma_wait3A_307 = arith.constant 0 : i32
      %dma_wait3A_308 = tpu.memref_slice %arg6[%add3A_134, %dma_wait3A_307] : memref<80x128xi32, #tpu.memory_space<vmem>> -> memref<1x128xi32, #tpu.memory_space<vmem>>
      %dma_wait3A_309 = tpu.memref_squeeze %dma_wait3A_308 : memref<1x128xi32, #tpu.memory_space<vmem>> -> memref<128xi32, #tpu.memory_space<vmem>>
      %dma_wait3A_310 = arith.constant 0 : i32
      %dma_wait3A_311 = arith.constant 0 : i32
      %dma_wait3A_312 = tpu.memref_slice %arg2[%dma_wait3A_310, %dma_wait3A_311] : memref<10240x16xf32, #tpu.memory_space<hbm>> -> memref<10240x16xf32, #tpu.memory_space<hbm>>
      tpu.wait_indirect_dma semaphore(%arg17 : memref<!tpu.dma_semaphore, #tpu.memory_space<semaphore_mem>>) src(%dma_wait3A_312 : memref<10240x16xf32, #tpu.memory_space<hbm>>) dst(%dma_wait3A_306 : memref<128x16xf32, #tpu.memory_space<vmem>>)
      %add3A_313 = arith.constant 6 : i32
      %add3A_314 = arith.addi %add3A_55, %add3A_313 : i32
      %dma_start3A_315 = arith.constant 6 : i32
      %dma_start3A_316 = arith.constant 0 : i32
      %dma_start3A_317 = arith.constant 0 : i32
      %dma_start3A_318 = tpu.memref_slice %arg8[%dma_start3A_315, %dma_start3A_316, %dma_start3A_317] : memref<8x128x16xf32, #tpu.memory_space<vmem>> -> memref<1x128x16xf32, #tpu.memory_space<vmem>>
      %dma_start3A_319 = tpu.memref_squeeze %dma_start3A_318 : memref<1x128x16xf32, #tpu.memory_space<vmem>> -> memref<128x16xf32, #tpu.memory_space<vmem>>
      %dma_start3A_320 = arith.constant 0 : i32
      %dma_start3A_321 = tpu.memref_slice %arg7[%add3A_314, %dma_start3A_320] : memref<80x128xi32, #tpu.memory_space<vmem>> -> memref<1x128xi32, #tpu.memory_space<vmem>>
      %dma_start3A_322 = tpu.memref_squeeze %dma_start3A_321 : memref<1x128xi32, #tpu.memory_space<vmem>> -> memref<128xi32, #tpu.memory_space<vmem>>
      %dma_start3A_323 = arith.constant 0 : i32
      %dma_start3A_324 = arith.constant 0 : i32
      %dma_start3A_325 = tpu.memref_slice %arg10[%dma_start3A_323, %dma_start3A_324] : memref<10240x16xf32, #tpu.memory_space<vmem_shared>> -> memref<10240x16xf32, #tpu.memory_space<vmem_shared>>
      tpu.enqueue_indirect_dma source(%dma_start3A_319 : memref<128x16xf32, #tpu.memory_space<vmem>>) target(%dma_start3A_325 : memref<10240x16xf32, #tpu.memory_space<vmem_shared>>) offsets(%dma_start3A_322 : memref<128xi32, #tpu.memory_space<vmem>>) semaphore(%arg25 : memref<!tpu.dma_semaphore, #tpu.memory_space<semaphore_mem>>) {add = true}
      %dma_wait3A_326 = arith.constant 7 : i32
      %dma_wait3A_327 = arith.constant 0 : i32
      %dma_wait3A_328 = arith.constant 0 : i32
      %dma_wait3A_329 = tpu.memref_slice %arg8[%dma_wait3A_326, %dma_wait3A_327, %dma_wait3A_328] : memref<8x128x16xf32, #tpu.memory_space<vmem>> -> memref<1x128x16xf32, #tpu.memory_space<vmem>>
      %dma_wait3A_330 = tpu.memref_squeeze %dma_wait3A_329 : memref<1x128x16xf32, #tpu.memory_space<vmem>> -> memref<128x16xf32, #tpu.memory_space<vmem>>
      %dma_wait3A_331 = arith.constant 0 : i32
      %dma_wait3A_332 = tpu.memref_slice %arg6[%add3A_147, %dma_wait3A_331] : memref<80x128xi32, #tpu.memory_space<vmem>> -> memref<1x128xi32, #tpu.memory_space<vmem>>
      %dma_wait3A_333 = tpu.memref_squeeze %dma_wait3A_332 : memref<1x128xi32, #tpu.memory_space<vmem>> -> memref<128xi32, #tpu.memory_space<vmem>>
      %dma_wait3A_334 = arith.constant 0 : i32
      %dma_wait3A_335 = arith.constant 0 : i32
      %dma_wait3A_336 = tpu.memref_slice %arg2[%dma_wait3A_334, %dma_wait3A_335] : memref<10240x16xf32, #tpu.memory_space<hbm>> -> memref<10240x16xf32, #tpu.memory_space<hbm>>
      tpu.wait_indirect_dma semaphore(%arg18 : memref<!tpu.dma_semaphore, #tpu.memory_space<semaphore_mem>>) src(%dma_wait3A_336 : memref<10240x16xf32, #tpu.memory_space<hbm>>) dst(%dma_wait3A_330 : memref<128x16xf32, #tpu.memory_space<vmem>>)
      %add3A_337 = arith.constant 7 : i32
      %add3A_338 = arith.addi %add3A_55, %add3A_337 : i32
      %dma_start3A_339 = arith.constant 7 : i32
      %dma_start3A_340 = arith.constant 0 : i32
      %dma_start3A_341 = arith.constant 0 : i32
      %dma_start3A_342 = tpu.memref_slice %arg8[%dma_start3A_339, %dma_start3A_340, %dma_start3A_341] : memref<8x128x16xf32, #tpu.memory_space<vmem>> -> memref<1x128x16xf32, #tpu.memory_space<vmem>>
      %dma_start3A_343 = tpu.memref_squeeze %dma_start3A_342 : memref<1x128x16xf32, #tpu.memory_space<vmem>> -> memref<128x16xf32, #tpu.memory_space<vmem>>
      %dma_start3A_344 = arith.constant 0 : i32
      %dma_start3A_345 = tpu.memref_slice %arg7[%add3A_338, %dma_start3A_344] : memref<80x128xi32, #tpu.memory_space<vmem>> -> memref<1x128xi32, #tpu.memory_space<vmem>>
      %dma_start3A_346 = tpu.memref_squeeze %dma_start3A_345 : memref<1x128xi32, #tpu.memory_space<vmem>> -> memref<128xi32, #tpu.memory_space<vmem>>
      %dma_start3A_347 = arith.constant 0 : i32
      %dma_start3A_348 = arith.constant 0 : i32
      %dma_start3A_349 = tpu.memref_slice %arg10[%dma_start3A_347, %dma_start3A_348] : memref<10240x16xf32, #tpu.memory_space<vmem_shared>> -> memref<10240x16xf32, #tpu.memory_space<vmem_shared>>
      tpu.enqueue_indirect_dma source(%dma_start3A_343 : memref<128x16xf32, #tpu.memory_space<vmem>>) target(%dma_start3A_349 : memref<10240x16xf32, #tpu.memory_space<vmem_shared>>) offsets(%dma_start3A_346 : memref<128xi32, #tpu.memory_space<vmem>>) semaphore(%arg26 : memref<!tpu.dma_semaphore, #tpu.memory_space<semaphore_mem>>) {add = true}
      %dma_wait3A_350 = arith.constant 0 : i32
      %dma_wait3A_351 = arith.constant 0 : i32
      %dma_wait3A_352 = arith.constant 0 : i32
      %dma_wait3A_353 = tpu.memref_slice %arg8[%dma_wait3A_350, %dma_wait3A_351, %dma_wait3A_352] : memref<8x128x16xf32, #tpu.memory_space<vmem>> -> memref<1x128x16xf32, #tpu.memory_space<vmem>>
      %dma_wait3A_354 = tpu.memref_squeeze %dma_wait3A_353 : memref<1x128x16xf32, #tpu.memory_space<vmem>> -> memref<128x16xf32, #tpu.memory_space<vmem>>
      %dma_wait3A_355 = arith.constant 0 : i32
      %dma_wait3A_356 = tpu.memref_slice %arg7[%add3A_170, %dma_wait3A_355] : memref<80x128xi32, #tpu.memory_space<vmem>> -> memref<1x128xi32, #tpu.memory_space<vmem>>
      %dma_wait3A_357 = tpu.memref_squeeze %dma_wait3A_356 : memref<1x128xi32, #tpu.memory_space<vmem>> -> memref<128xi32, #tpu.memory_space<vmem>>
      %dma_wait3A_358 = arith.constant 0 : i32
      %dma_wait3A_359 = arith.constant 0 : i32
      %dma_wait3A_360 = tpu.memref_slice %arg10[%dma_wait3A_358, %dma_wait3A_359] : memref<10240x16xf32, #tpu.memory_space<vmem_shared>> -> memref<10240x16xf32, #tpu.memory_space<vmem_shared>>
      tpu.wait_indirect_dma semaphore(%arg19 : memref<!tpu.dma_semaphore, #tpu.memory_space<semaphore_mem>>) src(%dma_wait3A_354 : memref<128x16xf32, #tpu.memory_space<vmem>>) dst(%dma_wait3A_360 : memref<10240x16xf32, #tpu.memory_space<vmem_shared>>)
      %dma_wait3A_361 = arith.constant 1 : i32
      %dma_wait3A_362 = arith.constant 0 : i32
      %dma_wait3A_363 = arith.constant 0 : i32
      %dma_wait3A_364 = tpu.memref_slice %arg8[%dma_wait3A_361, %dma_wait3A_362, %dma_wait3A_363] : memref<8x128x16xf32, #tpu.memory_space<vmem>> -> memref<1x128x16xf32, #tpu.memory_space<vmem>>
      %dma_wait3A_365 = tpu.memref_squeeze %dma_wait3A_364 : memref<1x128x16xf32, #tpu.memory_space<vmem>> -> memref<128x16xf32, #tpu.memory_space<vmem>>
      %dma_wait3A_366 = arith.constant 0 : i32
      %dma_wait3A_367 = tpu.memref_slice %arg7[%add3A_194, %dma_wait3A_366] : memref<80x128xi32, #tpu.memory_space<vmem>> -> memref<1x128xi32, #tpu.memory_space<vmem>>
      %dma_wait3A_368 = tpu.memref_squeeze %dma_wait3A_367 : memref<1x128xi32, #tpu.memory_space<vmem>> -> memref<128xi32, #tpu.memory_space<vmem>>
      %dma_wait3A_369 = arith.constant 0 : i32
      %dma_wait3A_370 = arith.constant 0 : i32
      %dma_wait3A_371 = tpu.memref_slice %arg10[%dma_wait3A_369, %dma_wait3A_370] : memref<10240x16xf32, #tpu.memory_space<vmem_shared>> -> memref<10240x16xf32, #tpu.memory_space<vmem_shared>>
      tpu.wait_indirect_dma semaphore(%arg20 : memref<!tpu.dma_semaphore, #tpu.memory_space<semaphore_mem>>) src(%dma_wait3A_365 : memref<128x16xf32, #tpu.memory_space<vmem>>) dst(%dma_wait3A_371 : memref<10240x16xf32, #tpu.memory_space<vmem_shared>>)
      %dma_wait3A_372 = arith.constant 2 : i32
      %dma_wait3A_373 = arith.constant 0 : i32
      %dma_wait3A_374 = arith.constant 0 : i32
      %dma_wait3A_375 = tpu.memref_slice %arg8[%dma_wait3A_372, %dma_wait3A_373, %dma_wait3A_374] : memref<8x128x16xf32, #tpu.memory_space<vmem>> -> memref<1x128x16xf32, #tpu.memory_space<vmem>>
      %dma_wait3A_376 = tpu.memref_squeeze %dma_wait3A_375 : memref<1x128x16xf32, #tpu.memory_space<vmem>> -> memref<128x16xf32, #tpu.memory_space<vmem>>
      %dma_wait3A_377 = arith.constant 0 : i32
      %dma_wait3A_378 = tpu.memref_slice %arg7[%add3A_218, %dma_wait3A_377] : memref<80x128xi32, #tpu.memory_space<vmem>> -> memref<1x128xi32, #tpu.memory_space<vmem>>
      %dma_wait3A_379 = tpu.memref_squeeze %dma_wait3A_378 : memref<1x128xi32, #tpu.memory_space<vmem>> -> memref<128xi32, #tpu.memory_space<vmem>>
      %dma_wait3A_380 = arith.constant 0 : i32
      %dma_wait3A_381 = arith.constant 0 : i32
      %dma_wait3A_382 = tpu.memref_slice %arg10[%dma_wait3A_380, %dma_wait3A_381] : memref<10240x16xf32, #tpu.memory_space<vmem_shared>> -> memref<10240x16xf32, #tpu.memory_space<vmem_shared>>
      tpu.wait_indirect_dma semaphore(%arg21 : memref<!tpu.dma_semaphore, #tpu.memory_space<semaphore_mem>>) src(%dma_wait3A_376 : memref<128x16xf32, #tpu.memory_space<vmem>>) dst(%dma_wait3A_382 : memref<10240x16xf32, #tpu.memory_space<vmem_shared>>)
      %dma_wait3A_383 = arith.constant 3 : i32
      %dma_wait3A_384 = arith.constant 0 : i32
      %dma_wait3A_385 = arith.constant 0 : i32
      %dma_wait3A_386 = tpu.memref_slice %arg8[%dma_wait3A_383, %dma_wait3A_384, %dma_wait3A_385] : memref<8x128x16xf32, #tpu.memory_space<vmem>> -> memref<1x128x16xf32, #tpu.memory_space<vmem>>
      %dma_wait3A_387 = tpu.memref_squeeze %dma_wait3A_386 : memref<1x128x16xf32, #tpu.memory_space<vmem>> -> memref<128x16xf32, #tpu.memory_space<vmem>>
      %dma_wait3A_388 = arith.constant 0 : i32
      %dma_wait3A_389 = tpu.memref_slice %arg7[%add3A_242, %dma_wait3A_388] : memref<80x128xi32, #tpu.memory_space<vmem>> -> memref<1x128xi32, #tpu.memory_space<vmem>>
      %dma_wait3A_390 = tpu.memref_squeeze %dma_wait3A_389 : memref<1x128xi32, #tpu.memory_space<vmem>> -> memref<128xi32, #tpu.memory_space<vmem>>
      %dma_wait3A_391 = arith.constant 0 : i32
      %dma_wait3A_392 = arith.constant 0 : i32
      %dma_wait3A_393 = tpu.memref_slice %arg10[%dma_wait3A_391, %dma_wait3A_392] : memref<10240x16xf32, #tpu.memory_space<vmem_shared>> -> memref<10240x16xf32, #tpu.memory_space<vmem_shared>>
      tpu.wait_indirect_dma semaphore(%arg22 : memref<!tpu.dma_semaphore, #tpu.memory_space<semaphore_mem>>) src(%dma_wait3A_387 : memref<128x16xf32, #tpu.memory_space<vmem>>) dst(%dma_wait3A_393 : memref<10240x16xf32, #tpu.memory_space<vmem_shared>>)
      %dma_wait3A_394 = arith.constant 4 : i32
      %dma_wait3A_395 = arith.constant 0 : i32
      %dma_wait3A_396 = arith.constant 0 : i32
      %dma_wait3A_397 = tpu.memref_slice %arg8[%dma_wait3A_394, %dma_wait3A_395, %dma_wait3A_396] : memref<8x128x16xf32, #tpu.memory_space<vmem>> -> memref<1x128x16xf32, #tpu.memory_space<vmem>>
      %dma_wait3A_398 = tpu.memref_squeeze %dma_wait3A_397 : memref<1x128x16xf32, #tpu.memory_space<vmem>> -> memref<128x16xf32, #tpu.memory_space<vmem>>
      %dma_wait3A_399 = arith.constant 0 : i32
      %dma_wait3A_400 = tpu.memref_slice %arg7[%add3A_266, %dma_wait3A_399] : memref<80x128xi32, #tpu.memory_space<vmem>> -> memref<1x128xi32, #tpu.memory_space<vmem>>
      %dma_wait3A_401 = tpu.memref_squeeze %dma_wait3A_400 : memref<1x128xi32, #tpu.memory_space<vmem>> -> memref<128xi32, #tpu.memory_space<vmem>>
      %dma_wait3A_402 = arith.constant 0 : i32
      %dma_wait3A_403 = arith.constant 0 : i32
      %dma_wait3A_404 = tpu.memref_slice %arg10[%dma_wait3A_402, %dma_wait3A_403] : memref<10240x16xf32, #tpu.memory_space<vmem_shared>> -> memref<10240x16xf32, #tpu.memory_space<vmem_shared>>
      tpu.wait_indirect_dma semaphore(%arg23 : memref<!tpu.dma_semaphore, #tpu.memory_space<semaphore_mem>>) src(%dma_wait3A_398 : memref<128x16xf32, #tpu.memory_space<vmem>>) dst(%dma_wait3A_404 : memref<10240x16xf32, #tpu.memory_space<vmem_shared>>)
      %dma_wait3A_405 = arith.constant 5 : i32
      %dma_wait3A_406 = arith.constant 0 : i32
      %dma_wait3A_407 = arith.constant 0 : i32
      %dma_wait3A_408 = tpu.memref_slice %arg8[%dma_wait3A_405, %dma_wait3A_406, %dma_wait3A_407] : memref<8x128x16xf32, #tpu.memory_space<vmem>> -> memref<1x128x16xf32, #tpu.memory_space<vmem>>
      %dma_wait3A_409 = tpu.memref_squeeze %dma_wait3A_408 : memref<1x128x16xf32, #tpu.memory_space<vmem>> -> memref<128x16xf32, #tpu.memory_space<vmem>>
      %dma_wait3A_410 = arith.constant 0 : i32
      %dma_wait3A_411 = tpu.memref_slice %arg7[%add3A_290, %dma_wait3A_410] : memref<80x128xi32, #tpu.memory_space<vmem>> -> memref<1x128xi32, #tpu.memory_space<vmem>>
      %dma_wait3A_412 = tpu.memref_squeeze %dma_wait3A_411 : memref<1x128xi32, #tpu.memory_space<vmem>> -> memref<128xi32, #tpu.memory_space<vmem>>
      %dma_wait3A_413 = arith.constant 0 : i32
      %dma_wait3A_414 = arith.constant 0 : i32
      %dma_wait3A_415 = tpu.memref_slice %arg10[%dma_wait3A_413, %dma_wait3A_414] : memref<10240x16xf32, #tpu.memory_space<vmem_shared>> -> memref<10240x16xf32, #tpu.memory_space<vmem_shared>>
      tpu.wait_indirect_dma semaphore(%arg24 : memref<!tpu.dma_semaphore, #tpu.memory_space<semaphore_mem>>) src(%dma_wait3A_409 : memref<128x16xf32, #tpu.memory_space<vmem>>) dst(%dma_wait3A_415 : memref<10240x16xf32, #tpu.memory_space<vmem_shared>>)
      %dma_wait3A_416 = arith.constant 6 : i32
      %dma_wait3A_417 = arith.constant 0 : i32
      %dma_wait3A_418 = arith.constant 0 : i32
      %dma_wait3A_419 = tpu.memref_slice %arg8[%dma_wait3A_416, %dma_wait3A_417, %dma_wait3A_418] : memref<8x128x16xf32, #tpu.memory_space<vmem>> -> memref<1x128x16xf32, #tpu.memory_space<vmem>>
      %dma_wait3A_420 = tpu.memref_squeeze %dma_wait3A_419 : memref<1x128x16xf32, #tpu.memory_space<vmem>> -> memref<128x16xf32, #tpu.memory_space<vmem>>
      %dma_wait3A_421 = arith.constant 0 : i32
      %dma_wait3A_422 = tpu.memref_slice %arg7[%add3A_314, %dma_wait3A_421] : memref<80x128xi32, #tpu.memory_space<vmem>> -> memref<1x128xi32, #tpu.memory_space<vmem>>
      %dma_wait3A_423 = tpu.memref_squeeze %dma_wait3A_422 : memref<1x128xi32, #tpu.memory_space<vmem>> -> memref<128xi32, #tpu.memory_space<vmem>>
      %dma_wait3A_424 = arith.constant 0 : i32
      %dma_wait3A_425 = arith.constant 0 : i32
      %dma_wait3A_426 = tpu.memref_slice %arg10[%dma_wait3A_424, %dma_wait3A_425] : memref<10240x16xf32, #tpu.memory_space<vmem_shared>> -> memref<10240x16xf32, #tpu.memory_space<vmem_shared>>
      tpu.wait_indirect_dma semaphore(%arg25 : memref<!tpu.dma_semaphore, #tpu.memory_space<semaphore_mem>>) src(%dma_wait3A_420 : memref<128x16xf32, #tpu.memory_space<vmem>>) dst(%dma_wait3A_426 : memref<10240x16xf32, #tpu.memory_space<vmem_shared>>)
      %dma_wait3A_427 = arith.constant 7 : i32
      %dma_wait3A_428 = arith.constant 0 : i32
      %dma_wait3A_429 = arith.constant 0 : i32
      %dma_wait3A_430 = tpu.memref_slice %arg8[%dma_wait3A_427, %dma_wait3A_428, %dma_wait3A_429] : memref<8x128x16xf32, #tpu.memory_space<vmem>> -> memref<1x128x16xf32, #tpu.memory_space<vmem>>
      %dma_wait3A_431 = tpu.memref_squeeze %dma_wait3A_430 : memref<1x128x16xf32, #tpu.memory_space<vmem>> -> memref<128x16xf32, #tpu.memory_space<vmem>>
      %dma_wait3A_432 = arith.constant 0 : i32
      %dma_wait3A_433 = tpu.memref_slice %arg7[%add3A_338, %dma_wait3A_432] : memref<80x128xi32, #tpu.memory_space<vmem>> -> memref<1x128xi32, #tpu.memory_space<vmem>>
      %dma_wait3A_434 = tpu.memref_squeeze %dma_wait3A_433 : memref<1x128xi32, #tpu.memory_space<vmem>> -> memref<128xi32, #tpu.memory_space<vmem>>
      %dma_wait3A_435 = arith.constant 0 : i32
      %dma_wait3A_436 = arith.constant 0 : i32
      %dma_wait3A_437 = tpu.memref_slice %arg10[%dma_wait3A_435, %dma_wait3A_436] : memref<10240x16xf32, #tpu.memory_space<vmem_shared>> -> memref<10240x16xf32, #tpu.memory_space<vmem_shared>>
      tpu.wait_indirect_dma semaphore(%arg26 : memref<!tpu.dma_semaphore, #tpu.memory_space<semaphore_mem>>) src(%dma_wait3A_431 : memref<128x16xf32, #tpu.memory_space<vmem>>) dst(%dma_wait3A_437 : memref<10240x16xf32, #tpu.memory_space<vmem_shared>>)
    }
    %scan3A_29 = arith.constant 10 : i32
    %barrier3A_30 = arith.constant 0 : index
    tpu.barrier barrier_id(%barrier3A_30)
    %mul3A_31 = arith.constant 640 : i32
    %mul3A_32 = arith.muli %arg1, %mul3A_31 : i32
    %add3A_33 = arith.constant 0 : i32
    %add3A_34 = arith.addi %mul3A_32, %add3A_33 : i32
    "tpu.region"() ({
      %run_scoped3A = tpu.sem_alloc : memref<!tpu.dma_semaphore, #tpu.memory_space<semaphore_mem>>
      %dma_start3A = arith.constant 0 : i32
      %dma_start3A_51 = tpu.memref_slice %arg5[%arg0, %add3A_34, %dma_start3A] : memref<2x10240x16xf32, #tpu.memory_space<hbm>> -> memref<1x128x16xf32, #tpu.memory_space<hbm>>
      %dma_start3A_52 = tpu.memref_squeeze %dma_start3A_51 : memref<1x128x16xf32, #tpu.memory_space<hbm>> -> memref<128x16xf32, #tpu.memory_space<hbm>>
      %dma_start3A_53 = arith.constant 0 : i32
      %dma_start3A_54 = tpu.memref_slice %arg10[%add3A_34, %dma_start3A_53] : memref<10240x16xf32, #tpu.memory_space<vmem_shared>> -> memref<128x16xf32, #tpu.memory_space<vmem_shared>>
      tpu.enqueue_dma source(%dma_start3A_54 : memref<128x16xf32, #tpu.memory_space<vmem_shared>>) target(%dma_start3A_52 : memref<128x16xf32, #tpu.memory_space<hbm>>) target_semaphore(%run_scoped3A : memref<!tpu.dma_semaphore, #tpu.memory_space<semaphore_mem>>)
      %dma_wait3A = arith.constant 0 : i32
      %dma_wait3A_55 = tpu.memref_slice %arg5[%arg0, %add3A_34, %dma_wait3A] : memref<2x10240x16xf32, #tpu.memory_space<hbm>> -> memref<1x128x16xf32, #tpu.memory_space<hbm>>
      %dma_wait3A_56 = tpu.memref_squeeze %dma_wait3A_55 : memref<1x128x16xf32, #tpu.memory_space<hbm>> -> memref<128x16xf32, #tpu.memory_space<hbm>>
      %dma_wait3A_57 = arith.constant 0 : i32
      %dma_wait3A_58 = tpu.memref_slice %arg10[%add3A_34, %dma_wait3A_57] : memref<10240x16xf32, #tpu.memory_space<vmem_shared>> -> memref<128x16xf32, #tpu.memory_space<vmem_shared>>
      tpu.wait_dma2 semaphore(%run_scoped3A : memref<!tpu.dma_semaphore, #tpu.memory_space<semaphore_mem>>) src(%dma_wait3A_58 : memref<128x16xf32, #tpu.memory_space<vmem_shared>>) dst(%dma_wait3A_56 : memref<128x16xf32, #tpu.memory_space<hbm>>)
      tpu.yield
    }) : () -> ()
    %mul3A_35 = arith.constant 640 : i32
    %mul3A_36 = arith.muli %arg1, %mul3A_35 : i32
    %add3A_37 = arith.constant 128 : i32
    %add3A_38 = arith.addi %mul3A_36, %add3A_37 : i32
    "tpu.region"() ({
      %run_scoped3A = tpu.sem_alloc : memref<!tpu.dma_semaphore, #tpu.memory_space<semaphore_mem>>
      %dma_start3A = arith.constant 0 : i32
      %dma_start3A_51 = tpu.memref_slice %arg5[%arg0, %add3A_38, %dma_start3A] : memref<2x10240x16xf32, #tpu.memory_space<hbm>> -> memref<1x128x16xf32, #tpu.memory_space<hbm>>
      %dma_start3A_52 = tpu.memref_squeeze %dma_start3A_51 : memref<1x128x16xf32, #tpu.memory_space<hbm>> -> memref<128x16xf32, #tpu.memory_space<hbm>>
      %dma_start3A_53 = arith.constant 0 : i32
      %dma_start3A_54 = tpu.memref_slice %arg10[%add3A_38, %dma_start3A_53] : memref<10240x16xf32, #tpu.memory_space<vmem_shared>> -> memref<128x16xf32, #tpu.memory_space<vmem_shared>>
      tpu.enqueue_dma source(%dma_start3A_54 : memref<128x16xf32, #tpu.memory_space<vmem_shared>>) target(%dma_start3A_52 : memref<128x16xf32, #tpu.memory_space<hbm>>) target_semaphore(%run_scoped3A : memref<!tpu.dma_semaphore, #tpu.memory_space<semaphore_mem>>)
      %dma_wait3A = arith.constant 0 : i32
      %dma_wait3A_55 = tpu.memref_slice %arg5[%arg0, %add3A_38, %dma_wait3A] : memref<2x10240x16xf32, #tpu.memory_space<hbm>> -> memref<1x128x16xf32, #tpu.memory_space<hbm>>
      %dma_wait3A_56 = tpu.memref_squeeze %dma_wait3A_55 : memref<1x128x16xf32, #tpu.memory_space<hbm>> -> memref<128x16xf32, #tpu.memory_space<hbm>>
      %dma_wait3A_57 = arith.constant 0 : i32
      %dma_wait3A_58 = tpu.memref_slice %arg10[%add3A_38, %dma_wait3A_57] : memref<10240x16xf32, #tpu.memory_space<vmem_shared>> -> memref<128x16xf32, #tpu.memory_space<vmem_shared>>
      tpu.wait_dma2 semaphore(%run_scoped3A : memref<!tpu.dma_semaphore, #tpu.memory_space<semaphore_mem>>) src(%dma_wait3A_58 : memref<128x16xf32, #tpu.memory_space<vmem_shared>>) dst(%dma_wait3A_56 : memref<128x16xf32, #tpu.memory_space<hbm>>)
      tpu.yield
    }) : () -> ()
    %mul3A_39 = arith.constant 640 : i32
    %mul3A_40 = arith.muli %arg1, %mul3A_39 : i32
    %add3A_41 = arith.constant 256 : i32
    %add3A_42 = arith.addi %mul3A_40, %add3A_41 : i32
    "tpu.region"() ({
      %run_scoped3A = tpu.sem_alloc : memref<!tpu.dma_semaphore, #tpu.memory_space<semaphore_mem>>
      %dma_start3A = arith.constant 0 : i32
      %dma_start3A_51 = tpu.memref_slice %arg5[%arg0, %add3A_42, %dma_start3A] : memref<2x10240x16xf32, #tpu.memory_space<hbm>> -> memref<1x128x16xf32, #tpu.memory_space<hbm>>
      %dma_start3A_52 = tpu.memref_squeeze %dma_start3A_51 : memref<1x128x16xf32, #tpu.memory_space<hbm>> -> memref<128x16xf32, #tpu.memory_space<hbm>>
      %dma_start3A_53 = arith.constant 0 : i32
      %dma_start3A_54 = tpu.memref_slice %arg10[%add3A_42, %dma_start3A_53] : memref<10240x16xf32, #tpu.memory_space<vmem_shared>> -> memref<128x16xf32, #tpu.memory_space<vmem_shared>>
      tpu.enqueue_dma source(%dma_start3A_54 : memref<128x16xf32, #tpu.memory_space<vmem_shared>>) target(%dma_start3A_52 : memref<128x16xf32, #tpu.memory_space<hbm>>) target_semaphore(%run_scoped3A : memref<!tpu.dma_semaphore, #tpu.memory_space<semaphore_mem>>)
      %dma_wait3A = arith.constant 0 : i32
      %dma_wait3A_55 = tpu.memref_slice %arg5[%arg0, %add3A_42, %dma_wait3A] : memref<2x10240x16xf32, #tpu.memory_space<hbm>> -> memref<1x128x16xf32, #tpu.memory_space<hbm>>
      %dma_wait3A_56 = tpu.memref_squeeze %dma_wait3A_55 : memref<1x128x16xf32, #tpu.memory_space<hbm>> -> memref<128x16xf32, #tpu.memory_space<hbm>>
      %dma_wait3A_57 = arith.constant 0 : i32
      %dma_wait3A_58 = tpu.memref_slice %arg10[%add3A_42, %dma_wait3A_57] : memref<10240x16xf32, #tpu.memory_space<vmem_shared>> -> memref<128x16xf32, #tpu.memory_space<vmem_shared>>
      tpu.wait_dma2 semaphore(%run_scoped3A : memref<!tpu.dma_semaphore, #tpu.memory_space<semaphore_mem>>) src(%dma_wait3A_58 : memref<128x16xf32, #tpu.memory_space<vmem_shared>>) dst(%dma_wait3A_56 : memref<128x16xf32, #tpu.memory_space<hbm>>)
      tpu.yield
    }) : () -> ()
    %mul3A_43 = arith.constant 640 : i32
    %mul3A_44 = arith.muli %arg1, %mul3A_43 : i32
    %add3A_45 = arith.constant 384 : i32
    %add3A_46 = arith.addi %mul3A_44, %add3A_45 : i32
    "tpu.region"() ({
      %run_scoped3A = tpu.sem_alloc : memref<!tpu.dma_semaphore, #tpu.memory_space<semaphore_mem>>
      %dma_start3A = arith.constant 0 : i32
      %dma_start3A_51 = tpu.memref_slice %arg5[%arg0, %add3A_46, %dma_start3A] : memref<2x10240x16xf32, #tpu.memory_space<hbm>> -> memref<1x128x16xf32, #tpu.memory_space<hbm>>
      %dma_start3A_52 = tpu.memref_squeeze %dma_start3A_51 : memref<1x128x16xf32, #tpu.memory_space<hbm>> -> memref<128x16xf32, #tpu.memory_space<hbm>>
      %dma_start3A_53 = arith.constant 0 : i32
      %dma_start3A_54 = tpu.memref_slice %arg10[%add3A_46, %dma_start3A_53] : memref<10240x16xf32, #tpu.memory_space<vmem_shared>> -> memref<128x16xf32, #tpu.memory_space<vmem_shared>>
      tpu.enqueue_dma source(%dma_start3A_54 : memref<128x16xf32, #tpu.memory_space<vmem_shared>>) target(%dma_start3A_52 : memref<128x16xf32, #tpu.memory_space<hbm>>) target_semaphore(%run_scoped3A : memref<!tpu.dma_semaphore, #tpu.memory_space<semaphore_mem>>)
      %dma_wait3A = arith.constant 0 : i32
      %dma_wait3A_55 = tpu.memref_slice %arg5[%arg0, %add3A_46, %dma_wait3A] : memref<2x10240x16xf32, #tpu.memory_space<hbm>> -> memref<1x128x16xf32, #tpu.memory_space<hbm>>
      %dma_wait3A_56 = tpu.memref_squeeze %dma_wait3A_55 : memref<1x128x16xf32, #tpu.memory_space<hbm>> -> memref<128x16xf32, #tpu.memory_space<hbm>>
      %dma_wait3A_57 = arith.constant 0 : i32
      %dma_wait3A_58 = tpu.memref_slice %arg10[%add3A_46, %dma_wait3A_57] : memref<10240x16xf32, #tpu.memory_space<vmem_shared>> -> memref<128x16xf32, #tpu.memory_space<vmem_shared>>
      tpu.wait_dma2 semaphore(%run_scoped3A : memref<!tpu.dma_semaphore, #tpu.memory_space<semaphore_mem>>) src(%dma_wait3A_58 : memref<128x16xf32, #tpu.memory_space<vmem_shared>>) dst(%dma_wait3A_56 : memref<128x16xf32, #tpu.memory_space<hbm>>)
      tpu.yield
    }) : () -> ()
    %mul3A_47 = arith.constant 640 : i32
    %mul3A_48 = arith.muli %arg1, %mul3A_47 : i32
    %add3A_49 = arith.constant 512 : i32
    %add3A_50 = arith.addi %mul3A_48, %add3A_49 : i32
    "tpu.region"() ({
      %run_scoped3A = tpu.sem_alloc : memref<!tpu.dma_semaphore, #tpu.memory_space<semaphore_mem>>
      %dma_start3A = arith.constant 0 : i32
      %dma_start3A_51 = tpu.memref_slice %arg5[%arg0, %add3A_50, %dma_start3A] : memref<2x10240x16xf32, #tpu.memory_space<hbm>> -> memref<1x128x16xf32, #tpu.memory_space<hbm>>
      %dma_start3A_52 = tpu.memref_squeeze %dma_start3A_51 : memref<1x128x16xf32, #tpu.memory_space<hbm>> -> memref<128x16xf32, #tpu.memory_space<hbm>>
      %dma_start3A_53 = arith.constant 0 : i32
      %dma_start3A_54 = tpu.memref_slice %arg10[%add3A_50, %dma_start3A_53] : memref<10240x16xf32, #tpu.memory_space<vmem_shared>> -> memref<128x16xf32, #tpu.memory_space<vmem_shared>>
      tpu.enqueue_dma source(%dma_start3A_54 : memref<128x16xf32, #tpu.memory_space<vmem_shared>>) target(%dma_start3A_52 : memref<128x16xf32, #tpu.memory_space<hbm>>) target_semaphore(%run_scoped3A : memref<!tpu.dma_semaphore, #tpu.memory_space<semaphore_mem>>)
      %dma_wait3A = arith.constant 0 : i32
      %dma_wait3A_55 = tpu.memref_slice %arg5[%arg0, %add3A_50, %dma_wait3A] : memref<2x10240x16xf32, #tpu.memory_space<hbm>> -> memref<1x128x16xf32, #tpu.memory_space<hbm>>
      %dma_wait3A_56 = tpu.memref_squeeze %dma_wait3A_55 : memref<1x128x16xf32, #tpu.memory_space<hbm>> -> memref<128x16xf32, #tpu.memory_space<hbm>>
      %dma_wait3A_57 = arith.constant 0 : i32
      %dma_wait3A_58 = tpu.memref_slice %arg10[%add3A_50, %dma_wait3A_57] : memref<10240x16xf32, #tpu.memory_space<vmem_shared>> -> memref<128x16xf32, #tpu.memory_space<vmem_shared>>
      tpu.wait_dma2 semaphore(%run_scoped3A : memref<!tpu.dma_semaphore, #tpu.memory_space<semaphore_mem>>) src(%dma_wait3A_58 : memref<128x16xf32, #tpu.memory_space<vmem_shared>>) dst(%dma_wait3A_56 : memref<128x16xf32, #tpu.memory_space<hbm>>)
      tpu.yield
    }) : () -> ()
    return
  }
}

module attributes {stable_mosaic.version = 14 : i64} {
  func.func @_tc1_body(%arg0: memref<10240x128xf32, #tpu.memory_space<vmem>>, %arg1: memref<128x32xf32, #tpu.memory_space<vmem>>, %arg2: memref<2x10240x16xf32, #tpu.memory_space<vmem>>, %arg3: memref<10240x32xf32, #tpu.memory_space<vmem>>) attributes {dimension_semantics = [], scalar_prefetch = 0 : i64, scratch_operands = 0 : i64, tpu.core_type = #tpu.core_type<tc>} {
    %get3A = arith.constant 0 : index
    %get3A_0 = arith.constant 0 : index
    %get3A_1 = arith.constant 0 : index
    %get3A_2 = vector.load %arg2[%get3A, %get3A_0, %get3A_1] : memref<2x10240x16xf32, #tpu.memory_space<vmem>>, vector<1x10240x1xf32>
    %get3A_3 = vector.shape_cast %get3A_2 : vector<1x10240x1xf32> to vector<10240x1xf32>
    %get3A_4 = arith.constant 1 : index
    %get3A_5 = arith.constant 0 : index
    %get3A_6 = arith.constant 0 : index
    %get3A_7 = vector.load %arg2[%get3A_4, %get3A_5, %get3A_6] : memref<2x10240x16xf32, #tpu.memory_space<vmem>>, vector<1x10240x1xf32>
    %get3A_8 = vector.shape_cast %get3A_7 : vector<1x10240x1xf32> to vector<10240x1xf32>
    %add3A = arith.addf %get3A_3, %get3A_8 : vector<10240x1xf32>
    %add3A_9 = arith.constant 1.000000e+00 : f32
    %add3A_10 = vector.broadcast %add3A_9 : f32 to vector<10240x1xf32>
    %add3A_11 = arith.addf %add3A, %add3A_10 : vector<10240x1xf32>
    %rsqrt3A = math.rsqrt %add3A_11 : vector<10240x1xf32>
    %get3A_12 = arith.constant 0 : index
    %get3A_13 = arith.constant 0 : index
    %get3A_14 = vector.load %arg0[%get3A_12, %get3A_13] : memref<10240x128xf32, #tpu.memory_space<vmem>>, vector<10240x128xf32>
    %get3A_15 = arith.constant 0 : index
    %get3A_16 = arith.constant 0 : index
    %get3A_17 = vector.load %arg1[%get3A_15, %get3A_16] : memref<128x32xf32, #tpu.memory_space<vmem>>, vector<128x32xf32>
    %dot_general3A = arith.constant dense<0.000000e+00> : vector<10240x32xf32>
    %dot_general3A_18 = tpu.matmul %get3A_14, %get3A_17, %dot_general3A {dimension_numbers = #tpu.dot_dimension_numbers<[1], [0], [0], [1], [0, 0, 1, 1], [], []>, transpose_lhs_hint = false} : vector<10240x128xf32>, vector<128x32xf32>, vector<10240x32xf32> -> vector<10240x32xf32>
    %mul3A = vector.broadcast %rsqrt3A : vector<10240x1xf32> to vector<10240x32xf32>
    %mul3A_19 = arith.mulf %dot_general3A_18, %mul3A : vector<10240x32xf32>
    %swap3A = arith.constant 0 : index
    %swap3A_20 = arith.constant 0 : index
    %swap3A_21 = vector.load %arg3[%swap3A, %swap3A_20] : memref<10240x32xf32, #tpu.memory_space<vmem>>, vector<10240x32xf32>
    tpu.vector_store %arg3[%swap3A, %swap3A_20], %mul3A_19 {strides = array<i32>} : memref<10240x32xf32, #tpu.memory_space<vmem>>, vector<10240x32xf32>,
    return
  }
}

module attributes {stable_mosaic.version = 14 : i64} {
  func.func @_tc2_body(%arg0: memref<2x10240x32xf32, #tpu.memory_space<vmem>>, %arg1: memref<10240x32xf32, #tpu.memory_space<vmem>>, %arg2: memref<2x10240x16xf32, #tpu.memory_space<vmem>>, %arg3: memref<1x32xf32, #tpu.memory_space<vmem>>, %arg4: memref<32x16xf32, #tpu.memory_space<vmem>>, %arg5: memref<10240x16xf32, #tpu.memory_space<vmem>>) attributes {dimension_semantics = [], scalar_prefetch = 0 : i64, scratch_operands = 0 : i64, tpu.core_type = #tpu.core_type<tc>} {
    %get3A = arith.constant 0 : index
    %get3A_0 = arith.constant 0 : index
    %get3A_1 = arith.constant 0 : index
    %get3A_2 = vector.load %arg2[%get3A, %get3A_0, %get3A_1] : memref<2x10240x16xf32, #tpu.memory_space<vmem>>, vector<1x10240x1xf32>
    %get3A_3 = vector.shape_cast %get3A_2 : vector<1x10240x1xf32> to vector<10240x1xf32>
    %get3A_4 = arith.constant 1 : index
    %get3A_5 = arith.constant 0 : index
    %get3A_6 = arith.constant 0 : index
    %get3A_7 = vector.load %arg2[%get3A_4, %get3A_5, %get3A_6] : memref<2x10240x16xf32, #tpu.memory_space<vmem>>, vector<1x10240x1xf32>
    %get3A_8 = vector.shape_cast %get3A_7 : vector<1x10240x1xf32> to vector<10240x1xf32>
    %add3A = arith.addf %get3A_3, %get3A_8 : vector<10240x1xf32>
    %add3A_9 = arith.constant 1.000000e+00 : f32
    %add3A_10 = vector.broadcast %add3A_9 : f32 to vector<10240x1xf32>
    %add3A_11 = arith.addf %add3A, %add3A_10 : vector<10240x1xf32>
    %rsqrt3A = math.rsqrt %add3A_11 : vector<10240x1xf32>
    %get3A_12 = arith.constant 0 : index
    %get3A_13 = arith.constant 0 : index
    %get3A_14 = arith.constant 0 : index
    %get3A_15 = vector.load %arg0[%get3A_12, %get3A_13, %get3A_14] : memref<2x10240x32xf32, #tpu.memory_space<vmem>>, vector<1x10240x32xf32>
    %get3A_16 = vector.shape_cast %get3A_15 : vector<1x10240x32xf32> to vector<10240x32xf32>
    %get3A_17 = arith.constant 1 : index
    %get3A_18 = arith.constant 0 : index
    %get3A_19 = arith.constant 0 : index
    %get3A_20 = vector.load %arg0[%get3A_17, %get3A_18, %get3A_19] : memref<2x10240x32xf32, #tpu.memory_space<vmem>>, vector<1x10240x32xf32>
    %get3A_21 = vector.shape_cast %get3A_20 : vector<1x10240x32xf32> to vector<10240x32xf32>
    %add3A_22 = arith.addf %get3A_16, %get3A_21 : vector<10240x32xf32>
    %get3A_23 = arith.constant 0 : index
    %get3A_24 = arith.constant 0 : index
    %get3A_25 = vector.load %arg1[%get3A_23, %get3A_24] : memref<10240x32xf32, #tpu.memory_space<vmem>>, vector<10240x32xf32>
    %add3A_26 = arith.addf %add3A_22, %get3A_25 : vector<10240x32xf32>
    %mul3A = vector.broadcast %rsqrt3A : vector<10240x1xf32> to vector<10240x32xf32>
    %mul3A_27 = arith.mulf %add3A_26, %mul3A : vector<10240x32xf32>
    %get3A_28 = arith.constant 0 : index
    %get3A_29 = arith.constant 0 : index
    %get3A_30 = vector.load %arg3[%get3A_28, %get3A_29] : memref<1x32xf32, #tpu.memory_space<vmem>>, vector<1x32xf32>
    %add3A_31 = vector.broadcast %get3A_30 : vector<1x32xf32> to vector<10240x32xf32>
    %add3A_32 = arith.addf %mul3A_27, %add3A_31 : vector<10240x32xf32>
    %max3A = arith.constant 0.000000e+00 : f32
    %max3A_33 = vector.broadcast %max3A : f32 to vector<10240x32xf32>
    %max3A_34 = arith.maximumf %add3A_32, %max3A_33 : vector<10240x32xf32>
    %get3A_35 = arith.constant 0 : index
    %get3A_36 = arith.constant 0 : index
    %get3A_37 = vector.load %arg4[%get3A_35, %get3A_36] : memref<32x16xf32, #tpu.memory_space<vmem>>, vector<32x16xf32>
    %dot_general3A = arith.constant dense<0.000000e+00> : vector<10240x16xf32>
    %dot_general3A_38 = tpu.matmul %max3A_34, %get3A_37, %dot_general3A {dimension_numbers = #tpu.dot_dimension_numbers<[1], [0], [0], [1], [0, 0, 1, 1], [], []>, transpose_lhs_hint = false} : vector<10240x32xf32>, vector<32x16xf32>, vector<10240x16xf32> -> vector<10240x16xf32>
    %mul3A_39 = vector.broadcast %rsqrt3A : vector<10240x1xf32> to vector<10240x16xf32>
    %mul3A_40 = arith.mulf %dot_general3A_38, %mul3A_39 : vector<10240x16xf32>
    %swap3A = arith.constant 0 : index
    %swap3A_41 = arith.constant 0 : index
    %swap3A_42 = vector.load %arg5[%swap3A, %swap3A_41] : memref<10240x16xf32, #tpu.memory_space<vmem>>, vector<10240x16xf32>
    tpu.vector_store %arg5[%swap3A, %swap3A_41], %mul3A_40 {strides = array<i32>} : memref<10240x16xf32, #tpu.memory_space<vmem>>, vector<10240x16xf32>,
    return
  }
}

module attributes {stable_mosaic.version = 14 : i64} {
  func.func @_tc3_body(%arg0: memref<2x10240x16xf32, #tpu.memory_space<vmem>>, %arg1: memref<10240x16xf32, #tpu.memory_space<vmem>>, %arg2: memref<2x10240x16xf32, #tpu.memory_space<vmem>>, %arg3: memref<1x16xf32, #tpu.memory_space<vmem>>, %arg4: memref<1x10240xi32, #tpu.memory_space<vmem>>, %arg5: memref<128x16xf32, #tpu.memory_space<vmem>>) attributes {dimension_semantics = [], scalar_prefetch = 0 : i64, scratch_operands = 0 : i64, tpu.core_type = #tpu.core_type<tc>} {
    %get3A = arith.constant 0 : index
    %get3A_0 = arith.constant 0 : index
    %get3A_1 = arith.constant 0 : index
    %get3A_2 = vector.load %arg2[%get3A, %get3A_0, %get3A_1] : memref<2x10240x16xf32, #tpu.memory_space<vmem>>, vector<1x10240x1xf32>
    %get3A_3 = vector.shape_cast %get3A_2 : vector<1x10240x1xf32> to vector<10240x1xf32>
    %get3A_4 = arith.constant 1 : index
    %get3A_5 = arith.constant 0 : index
    %get3A_6 = arith.constant 0 : index
    %get3A_7 = vector.load %arg2[%get3A_4, %get3A_5, %get3A_6] : memref<2x10240x16xf32, #tpu.memory_space<vmem>>, vector<1x10240x1xf32>
    %get3A_8 = vector.shape_cast %get3A_7 : vector<1x10240x1xf32> to vector<10240x1xf32>
    %add3A = arith.addf %get3A_3, %get3A_8 : vector<10240x1xf32>
    %add3A_9 = arith.constant 1.000000e+00 : f32
    %add3A_10 = vector.broadcast %add3A_9 : f32 to vector<10240x1xf32>
    %add3A_11 = arith.addf %add3A, %add3A_10 : vector<10240x1xf32>
    %rsqrt3A = math.rsqrt %add3A_11 : vector<10240x1xf32>
    %get3A_12 = arith.constant 0 : index
    %get3A_13 = arith.constant 0 : index
    %get3A_14 = arith.constant 0 : index
    %get3A_15 = vector.load %arg0[%get3A_12, %get3A_13, %get3A_14] : memref<2x10240x16xf32, #tpu.memory_space<vmem>>, vector<1x10240x16xf32>
    %get3A_16 = vector.shape_cast %get3A_15 : vector<1x10240x16xf32> to vector<10240x16xf32>
    %get3A_17 = arith.constant 1 : index
    %get3A_18 = arith.constant 0 : index
    %get3A_19 = arith.constant 0 : index
    %get3A_20 = vector.load %arg0[%get3A_17, %get3A_18, %get3A_19] : memref<2x10240x16xf32, #tpu.memory_space<vmem>>, vector<1x10240x16xf32>
    %get3A_21 = vector.shape_cast %get3A_20 : vector<1x10240x16xf32> to vector<10240x16xf32>
    %add3A_22 = arith.addf %get3A_16, %get3A_21 : vector<10240x16xf32>
    %get3A_23 = arith.constant 0 : index
    %get3A_24 = arith.constant 0 : index
    %get3A_25 = vector.load %arg1[%get3A_23, %get3A_24] : memref<10240x16xf32, #tpu.memory_space<vmem>>, vector<10240x16xf32>
    %add3A_26 = arith.addf %add3A_22, %get3A_25 : vector<10240x16xf32>
    %mul3A = vector.broadcast %rsqrt3A : vector<10240x1xf32> to vector<10240x16xf32>
    %mul3A_27 = arith.mulf %add3A_26, %mul3A : vector<10240x16xf32>
    %get3A_28 = arith.constant 0 : index
    %get3A_29 = arith.constant 0 : index
    %get3A_30 = vector.load %arg3[%get3A_28, %get3A_29] : memref<1x16xf32, #tpu.memory_space<vmem>>, vector<1x16xf32>
    %add3A_31 = vector.broadcast %get3A_30 : vector<1x16xf32> to vector<10240x16xf32>
    %add3A_32 = arith.addf %mul3A_27, %add3A_31 : vector<10240x16xf32>
    %max3A = arith.constant 0.000000e+00 : f32
    %max3A_33 = vector.broadcast %max3A : f32 to vector<10240x16xf32>
    %max3A_34 = arith.maximumf %add3A_32, %max3A_33 : vector<10240x16xf32>
    %iota3A = tpu.iota {dimensions = array<i32: 0>} : vector<128x10240xi32>
    %get3A_35 = arith.constant 0 : index
    %get3A_36 = arith.constant 0 : index
    %get3A_37 = vector.load %arg4[%get3A_35, %get3A_36] : memref<1x10240xi32, #tpu.memory_space<vmem>>, vector<1x10240xi32>
    %eq3A = vector.broadcast %get3A_37 : vector<1x10240xi32> to vector<128x10240xi32>
    %eq3A_38 = arith.cmpi eq, %eq3A, %iota3A : vector<128x10240xi32>
    %convert_element_type3A = arith.extui %eq3A_38 : vector<128x10240xi1> to vector<128x10240xi32>
    %convert_element_type3A_39 = arith.sitofp %convert_element_type3A : vector<128x10240xi32> to vector<128x10240xf32>
    %dot_general3A = arith.constant dense<0.000000e+00> : vector<128x16xf32>
    %dot_general3A_40 = tpu.matmul %convert_element_type3A_39, %max3A_34, %dot_general3A {dimension_numbers = #tpu.dot_dimension_numbers<[1], [0], [0], [1], [0, 0, 1, 1], [], []>, precision = #tpu.contract_precision<fp32>, transpose_lhs_hint = false} : vector<128x10240xf32>, vector<10240x16xf32>, vector<128x16xf32> -> vector<128x16xf32>
    %reduce_sum3A = arith.constant dense<0.000000e+00> : vector<128xf32>
    %reduce_sum3A_41 = vector.multi_reduction <add>, %convert_element_type3A_39, %reduce_sum3A [1] : vector<128x10240xf32> to vector<128xf32>
    %broadcast_in_dim3A = vector.shape_cast %reduce_sum3A_41 : vector<128xf32> to vector<128x1xf32>
    %max3A_42 = arith.constant 1.000000e+00 : f32
    %max3A_43 = vector.broadcast %max3A_42 : f32 to vector<128x1xf32>
    %max3A_44 = arith.maximumf %broadcast_in_dim3A, %max3A_43 : vector<128x1xf32>
    %div3A = vector.broadcast %max3A_44 : vector<128x1xf32> to vector<128x16xf32>
    %div3A_45 = arith.divf %dot_general3A_40, %div3A : vector<128x16xf32>
    %swap3A = arith.constant 0 : index
    %swap3A_46 = arith.constant 0 : index
    %swap3A_47 = vector.load %arg5[%swap3A, %swap3A_46] : memref<128x16xf32, #tpu.memory_space<vmem>>, vector<128x16xf32>
    tpu.vector_store %arg5[%swap3A, %swap3A_46], %div3A_45 {strides = array<i32>} : memref<128x16xf32, #tpu.memory_space<vmem>>, vector<128x16xf32>,
    return
  }
}

</mosaic_0001>

<sc_bundles>
// kernel: kernel.11.cloned.1.call-start
scs
__scs_entry_jumppad:
0x0: {  	(pc) =	sbr.rel $0x88, $3  }
0x1: {  	(tag) =	ssettag $0x0;
	lr =	simm.s32 $0x1  }
0x2: {  	[smem:$0x3F91] =	sst lr;
	_ =	strace $0xD0000000  }
0x3: {  	_ = 	snop  }
0x4: {  	_ = 	snop  }
0x5: {  	_ = 	snop  }
0x6: {  	_ = 	snop  }
0x7: {  	_ = 	snop  }
__scs_overlays_trampoline_lowered:
0x8: {  	[smem:$0x3FA0] =	sst s0  }
0x9: {  	[smem:$0x3FA1] =	sst s1  }
0xa: {  	[smem:$0x3FA2] =	sst s2  }
0xb: {  	[smem:$0x3FA3] =	sst s3  }
0xc: {  	[smem:$0x3FA4] =	sst s4  }
0xd: {  	[smem:$0x3FA5] =	sst s5  }
0xe: {  	[smem:$0x3FA6] =	sst s6  }
0xf: {  	[smem:$0x3FA7] =	sst s7  }
0x10: {  	[smem:$0x3FA8] =	sst s8  }
0x11: {  	[smem:$0x3FA9] =	sst s9;
	s0 =	simm.s32 @!p0 $0x0  }
0x12: {  	s1 =	sld [smem:$0x3F8F];
	s0 =	simm.s32 @p0 $0x1  }
0x13: {  	[smem:$0x3FAA] =	sst s0;
	s0 =	simm.s32 @!p1 $0x0  }
0x14: {  	s2 =	sld [smem:$0x3F8E];
	s0 =	simm.s32 @p1 $0x1  }
0x15: {  	[smem:$0x3FAB] =	sst s0;
	s0 =	simm.s32 @!p2 $0x0  }
0x16: {  	s3 =	sld [smem:$0x3FDB];
	s0 =	simm.s32 @p2 $0x1  }
0x17: {  	s4 =	simm.s32 $0x1BF5;
	[smem:$0x3FAD] =	sst s0  }
0x18: {  	s0 =	sld [smem:$0x3F90];
	_ =	swait.ge [sflag:s4], $0x0  }
0x19: {  	s7 =	sld [smem:$0x3F91]  }
0x1a: {  	s8 =	sadd.s32 $0xFFFFE003, lr  }
0x1b: {  	s9 =	sadd.s32 $0xFFFFFEF7, lr;
	s5 =	simm.s32 $0xFFFFFFFF;
	p2 =	slt.u32 s8, $0xFFFFF086  }
0x1c: {  	p1 =	slt.u32 s9, $0xF7A;
	s5 =	simm.s32 @!p2 $0x0  }
0x1d: {  	s5 =	simm.s32 @p1 $0x1;
	p0 =	seq.s32 s7, s2  }
0x1e: {  	s7 =	smul.u32 @!p0 $0xF7A, s2;
	p2 =	seq.s32 @!p0 s5, $0x0  }
0x1f: {  	s9 =	smul.u32 $0xF7A, s1;
	s8 =	simm.s32 @!p0 $0x1BF5;
	p2 =	por !p2, p0  }
0x20: {  	[sflag:s8] =	ssyncset.s32 @!p0 $0xFFFFF086;
	s6 =	sadd.s32 @!p0 s3, s7;
	s7 =	simm.s32 @!p0 $0x108  }
0x21: {  	s3 =	sadd.s32 s3, s9;
	s6 =	sadd.s32 @!p0 $0x88, s6;
	s7 =	simm.s32 @p2 $0x1082  }
0x22: {  	[simem:s7], [sflag:s8] =	dma.local @!p0 [hbm:s6], $0xF7A  }
0x23: {  	s9 =	sor.u32 $0xD0000000, s2;
	s6 =	simm.s32 $0x108;
	_ =	swait.ge @!p0 [sflag:s8], $0x0  }
0x24: {  	s3 =	sadd.s32 $0x88, s3;
	s6 =	simm.s32 @!p1 $0x1082;
	[sflag:s4] =	ssyncset.s32 $0xFFFFF086  }
0x25: {  	[simem:s6], [sflag:s4] =	dma.local [hbm:s3], $0xF7A  }
0x26: {  	[smem:$0x3F91] =	sst s1;
	(tag) =	ssettag s2;
	_ =	strace s9  }
0x27: {  	s1 =	sld [smem:$0x3FA1]  }
0x28: {  	s2 =	sld [smem:$0x3FA2]  }
0x29: {  	s4 =	sld [smem:$0x3FA4]  }
0x2a: {  	p0 =	seq.s32 s5, $0x0;
	s5 =	sld [smem:$0x3FA5]  }
0x2b: {  	s6 =	sld [smem:$0x3FA6]  }
0x2c: {  	s7 =	sld [smem:$0x3FA7]  }
0x2d: {  	s3 =	simm.s32 $0x108;
	s8 =	sld [smem:$0x3FA8]  }
0x2e: {  	s3 =	simm.s32 @!p0 $0x1082;
	s9 =	sld [smem:$0x3FA9]  }
0x2f: {  	lr =	sadd.s32 s0, s3;
	s0 =	sld [smem:$0x3FA0]  }
0x30: {  	s3 =	sld [smem:$0x3FA3]  }
0x31: {  	[smem:$0x3FAC] =	sst s10  }
0x32: {  	s10 =	sld [smem:$0x3FAA];
	_ =	sdelay $0x3  }
0x33: {  	p0 =	seq.s32 s10, $0x1;
	s10 =	sld [smem:$0x3FAC];
	_ =	sdelay $0x3  }
0x34: {  	[smem:$0x3FAC] =	sst s10  }
0x35: {  	s10 =	sld [smem:$0x3FAB];
	_ =	sdelay $0x3  }
0x36: {  	p1 =	seq.s32 s10, $0x1;
	s10 =	sld [smem:$0x3FAC];
	_ =	sdelay $0x3  }
0x37: {  	[smem:$0x3FAC] =	sst s10  }
0x38: {  	s10 =	sld [smem:$0x3FAD]  }
0x39: {  	_ = 	snop;
	(pc) =	sbr.ind lr, $3  }
0x3a: {  	_ = 	snop  }
0x3b: {  	_ = 	snop  }
0x3c: {  	p2 =	seq.s32 s10, $0x1;
	s10 =	sld [smem:$0x3FAC]  }
0x3d: {  	_ =	shalt  }
0x3e: {  	_ =	shalt  }
0x3f: {  	_ =	shalt  }
0x40: {  	_ =	shalt  }
0x41: {  	_ =	shalt  }
0x42: {  	_ =	shalt  }
0x43: {  	_ =	shalt  }
0x44: {  	_ =	shalt  }
0x45: {  	_ =	shalt  }
0x46: {  	_ =	shalt  }
0x47: {  	_ =	shalt  }
0x48: {  	_ =	shalt  }
0x49: {  	_ =	shalt  }
0x4a: {  	_ =	shalt  }
0x4b: {  	_ =	shalt  }
0x4c: {  	_ =	shalt  }
0x4d: {  	_ =	shalt  }
0x4e: {  	_ =	shalt  }
0x4f: {  	_ =	shalt  }
0x50: {  	_ =	shalt  }
0x51: {  	_ =	shalt  }
0x52: {  	_ =	shalt  }
0x53: {  	_ =	shalt  }
0x54: {  	_ =	shalt  }
0x55: {  	_ =	shalt  }
0x56: {  	_ =	shalt  }
0x57: {  	_ =	shalt  }
0x58: {  	_ =	shalt  }
0x59: {  	_ =	shalt  }
0x5a: {  	_ =	shalt  }
0x5b: {  	_ =	shalt  }
0x5c: {  	_ =	shalt  }
0x5d: {  	_ =	shalt  }
0x5e: {  	_ =	shalt  }
0x5f: {  	_ =	shalt  }
0x60: {  	_ =	shalt  }
0x61: {  	_ =	shalt  }
0x62: {  	_ =	shalt  }
0x63: {  	_ =	shalt  }
0x64: {  	_ =	shalt  }
0x65: {  	_ =	shalt  }
0x66: {  	_ =	shalt  }
0x67: {  	_ =	shalt  }
0x68: {  	_ =	shalt  }
0x69: {  	_ =	shalt  }
0x6a: {  	_ =	shalt  }
0x6b: {  	_ =	shalt  }
0x6c: {  	_ =	shalt  }
0x6d: {  	_ =	shalt  }
0x6e: {  	_ =	shalt  }
0x6f: {  	_ =	shalt  }
0x70: {  	_ =	shalt  }
0x71: {  	_ =	shalt  }
0x72: {  	_ =	shalt  }
0x73: {  	_ =	shalt  }
0x74: {  	_ =	shalt  }
0x75: {  	_ =	shalt  }
0x76: {  	_ =	shalt  }
0x77: {  	_ =	shalt  }
0x78: {  	_ =	shalt  }
0x79: {  	_ =	shalt  }
0x7a: {  	_ =	shalt  }
0x7b: {  	_ =	shalt  }
0x7c: {  	_ =	shalt  }
0x7d: {  	_ =	shalt  }
0x7e: {  	_ =	shalt  }
0x7f: {  	_ =	shalt  }
0x80: {  	_ =	shalt  }
0x81: {  	_ =	shalt  }
0x82: {  	_ =	shalt  }
0x83: {  	_ =	shalt  }
0x84: {  	_ =	shalt  }
0x85: {  	_ =	shalt  }
0x86: {  	_ =	shalt  }
0x87: {  	_ =	shalt  }
.Lfunc_end0:
.L_simem_size_0:
called_computation.1_lowered:
.L_overlay_start_0:
0x88: {  	s2 =	sld [smem:$0x3FD9]  }
0x89: {  	s3 =	sld [smem:$0x3FFE];
	_ =	sdelay $0x1  }
0x8a: {  	s1 =	srdreg.scid  }
0x8b: {  	s0 =	sand.u32 $0x1, s1  }
0x8c: {  	s16 =	sshll.u32 s0, $0xA;
	s2 =	sadd.s32 s3, s2  }
0x8d: {  	s2 =	sadd.s32 s2, s16  }
0x8e: {  	[smem:$0x3FB8] =	sst s2  }
0x8f: {  	_ = 	snop  }
0x90: {  	(tm) =	ssettm $0x1  }
0x91: {  	s17 =	sld [smem:$0x3FFB];
	_ =	sdelay $0x3  }
0x92: {  	_ =	strace s17  }
0x93: {  	s2 =	sld [smem:$0x3FFC];
	_ =	sdelay $0x3  }
0x94: {  	_ =	strace s2  }
0x95: {  	s2 =	sld [smem:$0x3FFD];
	_ =	sdelay $0x3  }
0x96: {  	_ =	strace s2  }
0x97: {  	_ =	strace $0x8FFFFFFF  }
0x98: {  	s18 =	sld [smem:$0x3FDB];
	_ =	sdelay $0x1  }
0x99: {  	s19 =	simm.s32 $_scs_section_size  }
0x9a: {  	s4 =	simm.s32 $_size__tile_overlayer_lowered;
	s5 =	simm.s32 $_tile_overlayer_lowered  }
0x9b: {  	s22 =	simm.s32 $0x1BFF;
	s21 =	sshll.u32 s5, $0x1;
	s2 =	sadd.s32 s19, s18  }
0x9c: {  	s6 =	simm.s32 $0x0;
	s20 =	sshll.u32 s4, $0x1;
	s4 =	sadd.s32 s21, s2  }
0x9d: {  	[timem:s6], [sflag:s22] =	dma.local [hbm:s4], s20  }
0x9e: {  	_ =	swait.ge [sflag:s22], s20  }
0x9f: {  	s3 =	ssub.s32 $0x0, s20;
	[sflag:s22] =	ssyncset.done $0x0  }
0xa0: {  	[sflag:s22] =	ssyncadd.s32 s3;
	_ =	sdelay $0x1  }
0xa1: {  	s23 =	simm.s32 $0x1B8B  }
0xa2: {  	_ =	swait.ge [sflag:s23], $0x1  }
0xa3: {  	[sflag:s23] =	ssyncset.done $0x0  }
0xa4: {  	s25 =	simm.s32 $0x1B8E;
	s24 =	sld [smem:$0x3FFE];
	[sflag:s23] =	ssyncadd.s32 $0xFFFFFFFF  }
0xa5: {  	s26 =	simm.s32 $execute0_lowered;
	[smem:$0x3FD2] =	sst s25  }
0xa6: {  	s4 =	sshll.u32 s26, $0x1;
	_ =	strace $0x80000049;
	[dreg:$0x1] =	wrdreg $0xFFFFFFFF  }
0xa7: {  	s28 =	simm.s32 $_size_execute0_lowered;
	s2 =	sadd.s32 s2, s4;
	[dreg:$0x0] =	wrdreg $0x0  }
0xa8: {  	s4 =	sshll.u32 s28, $0x1;
	[dreg:$0x2] =	wrdreg s2  }
0xa9: {  	[dreg:$0x3] =	wrdreg s4  }
0xaa: {  	[dreg:$0x4] =	wrdreg $0xC0  }
0xab: {  	_ =	task [dreg:s6], $0x5FFFF  }
0xac: {  	[dreg:$0x1] =	wrdreg $0xFFFFFFFF  }
0xad: {  	[dreg:$0x0] =	wrdreg $0x60  }
0xae: {  	[dreg:$0x2] =	wrdreg s24  }
0xaf: {  	[dreg:$0x3] =	wrdreg $0xE0000  }
0xb0: {  	[dreg:$0x4] =	wrdreg $0x9  }
0xb1: {  	_ =	task.clear_ibuf [dreg:s6], $0x5FFFF;
	_ =	strace $0x90000049  }
0xb2: {  	s29 =	simm.s32 $0x9;
	_ =	strace $0x8000004B  }
0xb3: {  	_ =	swait.ge [sflag:s29], $0x1  }
0xb4: {  	[sflag:s29] =	ssyncadd.s32 $0xFFFFFFFF  }
0xb5: {  	_ =	strace $0x9000004B  }
0xb6: {  	_ =	sfence  }
0xb7: {  	s30 =	sld [smem:$0x0];
	_ =	sdelay $0x2  }
0xb8: {  	s31 =	sshll.u32 s1, $0xD;
	s1 =	sshrl.u32 s1, $0x2  }
0xb9: {  	s3 =	sand.u32 $0x4000, s31;
	s1 =	sadd.s32 s1, s30  }
0xba: {  	s0 =	sor.u32 s3, s0;
	s1 =	sshll.u32 s1, $0x11  }
0xbb: {  	s0 =	sor.u32 s1, s0  }
0xbc: {  	s0 =	sadd.s32 $0x8F2B, s0  }
0xbd: {  	[sflag:s0] =	ssyncadd.remote.s32 $0x1  }
0xbe: {  	_ =	sfence.sel $0xFFFF  }
0xbf: {  	[dreg:$0x0] =	wrdreg $0xFFFFFFFF;
	(pc) =	sbr.abs _section_cstart, $3  }
0xc0: {  	[dreg:$0x1] =	wrdreg $0xFFFFFFFF  }
0xc1: {  	_ =	task.clear_ibuf [dreg:s6], $0x2FFFF;
	_ =	strace $0x9FFFFFFF  }
0xc2: {  	(tm) =	ssettm $0x7FFFFFFF  }
0xc3: {  	_ =	shalt  }
tec
execute0_lowered:
.L_overlay_start_1:
0x0: {  	(tag) =	ssettag $0x1  }
0x1: {  	s0 =	rddreg [dreg:$0x0]  }
0x2: {  	s1 =	rddreg [dreg:$0x1];
	s2 =	srdreg.scid  }
0x3: {  	s18 =	simm.s32 $0x0;
	s6 =	stileid.u32;
	s28 =	simm.s32 $0xA000  }
0x4: {  	s29 =	simm.s32 $0xB000;
	s30 =	simm.s32 $0xC000;
	s31 =	simm.s32 $0x1  }
0x5: {  	s12 =	simm.s32 $0x7;
	s13 =	simm.s32 $0x8;
	s2 =	sand.u32 $0x1, s2  }
0x6: {  	[smem:$0x7FF] =	sst s18;
	s4 =	sadd.s32 $0x94400, s0;
	s3 =	sshll.u32 s2, $0x4  }
0x7: {  	s5 =	ssub.s32 $0x2, s2;
	s3 =	sor.u32 s6, s3;
	s6 =	smul.u32 $0x5000, s6  }
0x8: {  	_ =	strace $0x8000004A;
	s2 =	smul.u32 $0x50000, s2;
	s7 =	sshrl.u32 s5, $0x1  }
0x9: {  	s3 =	smul.u32 $0x500, s3;
	s5 =	ssub.s32 s5, s7;
	s14 =	sadd.s32 s6, s1  }
0xa: {  	s15 =	sadd.s32 $0x1000, s6;
	s16 =	sadd.s32 $0x2000, s6;
	s17 =	sadd.s32 $0x3000, s6  }
0xb: {  	s10 =	sadd.s32 $0x4000, s6;
	s6 =	sadd.s32 s6, s2;
	s26 =	smax.u32 s5, $0x1  }
0xc: {  	s5 =	simm.s32 $0xD;
	s3 =	sadd.s32 s3, s0;
	s0 =	sadd.s32 $0x9E400, s0  }
0xd: {  	[dreg:$0x4] =	wrdreg s14;
	s8 =	sadd.s32 s15, s1;
	s9 =	sadd.s32 s16, s1  }
0xe: {  	s11 =	sadd.s32 s17, s1;
	s19 =	sadd.s32 s10, s1;
	s6 =	sshrl.u32 s6, $0x3  }
0xf: {  	s7 =	sadd.s32 s2, s15;
	s23 =	sadd.s32 s2, s16;
	[dreg:$0x10] =	wrdreg s26  }
0x10: {  	s24 =	sadd.s32 s2, s17;
	s2 =	sadd.s32 s2, s10;
	[dreg:$0x5] =	wrdreg s8  }
0x11: {  	s26 =	simm.s32 $0x9000;
	s10 =	simm.s32 $0x5;
	[dreg:$0x6] =	wrdreg s9  }
0x12: {  	s14 =	simm.s32 $0x9;
	s15 =	simm.s32 $0xA;
	[dreg:$0x7] =	wrdreg s11  }
0x13: {  	s16 =	simm.s32 $0xB;
	s17 =	simm.s32 $0xC;
	[dreg:$0x8] =	wrdreg s19  }
0x14: {  	s20 =	sadd.s32 $0x8400, s3;
	s3 =	sadd.s32 $0x12400, s3;
	s21 =	sadd.s32 s0, s6  }
0x15: {  	s22 =	sshrl.u32 s7, $0x3;
	s6 =	sshrl.u32 s24, $0x3;
	s2 =	sshrl.u32 s2, $0x3  }
0x16: {  	s24 =	simm.s32 $0x7000;
	s11 =	simm.s32 $0x6;
	[dreg:$0x9] =	wrdreg s20  }
0x17: {  	s7 =	simm.s32 $0xF;
	s8 =	simm.s32 $0x10;
	[dreg:$0xa] =	wrdreg s3  }
0x18: {  	[dreg:$0xb] =	wrdreg s21;
	s3 =	sadd.s32 s0, s22;
	s25 =	sadd.s32 s0, s6  }
0x19: {  	s21 =	simm.s32 $0x80;
	s22 =	simm.s32 $0x5000;
	s20 =	simm.s32 $0x4  }
0x1a: {  	s6 =	simm.s32 $0xE;
	[dreg:$0xc] =	wrdreg s3;
	s3 =	sshrl.u32 s23, $0x3  }
0x1b: {  	[dreg:$0xe] =	wrdreg s25;
	s23 =	simm.s32 $0x6000;
	s3 =	sadd.s32 s0, s3  }
0x1c: {  	s25 =	simm.s32 $0x8000;
	s0 =	sadd.s32 s0, s2;
	[dreg:$0xd] =	wrdreg s3  }
0x1d: {  	v0 =	vimm.f32 $0.0e+00;
	s2 =	simm.s32 $0x3;
	[dreg:$0xf] =	wrdreg s0;
	s0 =	simm.s32 $0x2  }
.LBB2_1:
0x1e: {  	[dreg:$0x3] =	wrdreg s18;
	s3 =	simm.s32 $0x80;
	s9 =	simm.s32 $0x0  }
.LBB2_2:
0x1f: {  	p0 =	sne.s32 s3, $0x3F80;
	[tilespmem:s9+$0xD000] =	vst v0;
	s18 =	smov.u32 s3;
	s3 =	sadd.s32 $0x80, s3  }
.Ltmp0:
0x20: {  	[tilespmem:s9+$0xD010] =	vst v0;
	(pc) =	sbr.rel @p0 .LBB2_2-.Ltmp0, $2  }
0x21: {  	_ =	sdelay $0x2  }
0x22: {  	s9 =	sshra.s32 s18, $0x2  }
0x23: {  	[tilespmem:s9+$0xD000] =	vst v0  }
0x24: {  	[tilespmem:s9+$0xD010] =	vst v0;
	s3 =	rddreg [dreg:$0x4];
	s9 =	simm.s32 $0xD000;
	s18 =	simm.s32 $0x11  }
0x25: {  	[spmem:s3] =	stream.linear.scatter [tilespmem:s9], [sflag:$0x11], $0x1000, $0x38;
	[tilespmem:$0x13000] =	vst v63  }
0x26: {  	_ =	swait.ge [sflag:s18], $0x1000  }
0x27: {  	[sflag:s18] =	ssyncset.done $0x0  }
0x28: {  	s19 =	rddreg [dreg:$0x5];
	[sflag:s18] =	ssyncadd.s32 $0xFFFFF000  }
0x29: {  	[spmem:s19] =	stream.linear.scatter [tilespmem:s9], [sflag:$0x11], $0x1000, $0x38;
	[tilespmem:$0x13000] =	vst v63  }
0x2a: {  	_ =	swait.ge [sflag:s18], $0x1000  }
0x2b: {  	[sflag:s18] =	ssyncset.done $0x0  }
0x2c: {  	s19 =	rddreg [dreg:$0x6];
	[sflag:s18] =	ssyncadd.s32 $0xFFFFF000  }
0x2d: {  	[spmem:s19] =	stream.linear.scatter [tilespmem:s9], [sflag:$0x11], $0x1000, $0x38;
	[tilespmem:$0x13000] =	vst v63  }
0x2e: {  	_ =	swait.ge [sflag:s18], $0x1000  }
0x2f: {  	[sflag:s18] =	ssyncset.done $0x0  }
0x30: {  	s19 =	rddreg [dreg:$0x7];
	[sflag:s18] =	ssyncadd.s32 $0xFFFFF000  }
0x31: {  	[spmem:s19] =	stream.linear.scatter [tilespmem:s9], [sflag:$0x11], $0x1000, $0x38;
	[tilespmem:$0x13000] =	vst v63  }
0x32: {  	_ =	swait.ge [sflag:s18], $0x1000  }
0x33: {  	[sflag:s18] =	ssyncset.done $0x0  }
0x34: {  	s19 =	rddreg [dreg:$0x8];
	[sflag:s18] =	ssyncadd.s32 $0xFFFFF000  }
0x35: {  	[spmem:s19] =	stream.linear.scatter [tilespmem:s9], [sflag:$0x11], $0x1000, $0x38;
	[tilespmem:$0x13000] =	vst v63  }
0x36: {  	_ =	swait.ge [sflag:s18], $0x1000  }
0x37: {  	[sflag:s18] =	ssyncset.done $0x0  }
0x38: {  	s3 =	simm.s32 $0x0;
	s19 =	rddreg [dreg:$0x9];
	[sflag:s18] =	ssyncadd.s32 $0xFFFFF000  }
0x39: {  	[tilespmem:s3], [sflag:$0x11] =	stream.linear.gather [hbm4b:s19+s3], $0x2800, $0x38;
	[tilespmem:$0x13000] =	vst v63  }
0x3a: {  	_ =	swait.ge [sflag:s18], $0x2800  }
0x3b: {  	[sflag:s18] =	ssyncset.done $0x0  }
0x3c: {  	s19 =	simm.s32 $0x2800;
	s9 =	rddreg [dreg:$0xa];
	[sflag:s18] =	ssyncadd.s32 $0xFFFFD800  }
0x3d: {  	[tilespmem:s19], [sflag:$0x11] =	stream.linear.gather [hbm4b:s9+s3], $0x2800, $0x38;
	[tilespmem:$0x13000] =	vst v63  }
0x3e: {  	_ =	swait.ge [sflag:s18], $0x2800  }
0x3f: {  	[sflag:s18] =	ssyncset.done $0x0  }
0x40: {  	[sflag:s18] =	ssyncadd.s32 $0xFFFFD800  }
0x41: {  	s19 =	simm.s32 $0x0;
	[bflag:$0x0] =	sbarrier.arrive $0xFFFF  }
0x42: {  	[tilespmem:s22], [sflag:$0x1] =	stream.indirect.gather [hbm4b:s4+s21], $0x20, s19, s21, $0xb8;
	[tilespmem:$0x13000] =	vst v63  }
0x43: {  	s9 =	simm.s32 $0x80  }
0x44: {  	[tilespmem:s23], [sflag:$0x2] =	stream.indirect.gather [hbm4b:s4+s21], $0x20, s9, s21, $0xb8;
	[tilespmem:$0x13000] =	vst v63  }
0x45: {  	s18 =	simm.s32 $0x100  }
0x46: {  	[tilespmem:s24], [sflag:$0x3] =	stream.indirect.gather [hbm4b:s4+s21], $0x20, s18, s21, $0xb8;
	[tilespmem:$0x13000] =	vst v63  }
0x47: {  	s19 =	simm.s32 $0x180  }
0x48: {  	[tilespmem:s25], [sflag:$0x4] =	stream.indirect.gather [hbm4b:s4+s21], $0x20, s19, s21, $0xb8;
	[tilespmem:$0x13000] =	vst v63  }
0x49: {  	s9 =	simm.s32 $0x200  }
0x4a: {  	[tilespmem:s26], [sflag:$0x5] =	stream.indirect.gather [hbm4b:s4+s21], $0x20, s9, s21, $0xb8;
	[tilespmem:$0x13000] =	vst v63  }
0x4b: {  	s18 =	simm.s32 $0x280  }
0x4c: {  	[tilespmem:s28], [sflag:$0x6] =	stream.indirect.gather [hbm4b:s4+s21], $0x20, s18, s21, $0xb8;
	[tilespmem:$0x13000] =	vst v63  }
0x4d: {  	s19 =	simm.s32 $0x300  }
0x4e: {  	[tilespmem:s29], [sflag:$0x7] =	stream.indirect.gather [hbm4b:s4+s21], $0x20, s19, s21, $0xb8;
	[tilespmem:$0x13000] =	vst v63  }
0x4f: {  	s9 =	simm.s32 $0x380  }
0x50: {  	[tilespmem:s30], [sflag:$0x8] =	stream.indirect.gather [hbm4b:s4+s21], $0x20, s9, s21, $0xb8;
	[tilespmem:$0x13000] =	vst v63  }
0x51: {  	_ =	swait.ge [sflag:s31], $0x1000  }
0x52: {  	[sflag:s31] =	ssyncset.done $0x0  }
0x53: {  	s18 =	simm.s32 $0x2800;
	[sflag:s31] =	ssyncadd.s32 $0xFFFFF000  }
0x54: {  	[spmem:s1] =	stream.indirect.scatter.add.f32 [tilespmem:s22], [sflag:$0x9], $0x20, s18, s21, $0xb8;
	[tilespmem:$0x13000] =	vst v63  }
0x55: {  	_ =	swait.ge [sflag:s0], $0x1000  }
0x56: {  	[sflag:s0] =	ssyncset.done $0x0  }
0x57: {  	s19 =	simm.s32 $0x2880;
	[sflag:s0] =	ssyncadd.s32 $0xFFFFF000  }
0x58: {  	[spmem:s1] =	stream.indirect.scatter.add.f32 [tilespmem:s23], [sflag:$0xA], $0x20, s19, s21, $0xb8;
	[tilespmem:$0x13000] =	vst v63  }
0x59: {  	_ =	swait.ge [sflag:s2], $0x1000  }
0x5a: {  	[sflag:s2] =	ssyncset.done $0x0  }
0x5b: {  	s9 =	simm.s32 $0x2900;
	[sflag:s2] =	ssyncadd.s32 $0xFFFFF000  }
0x5c: {  	[spmem:s1] =	stream.indirect.scatter.add.f32 [tilespmem:s24], [sflag:$0xB], $0x20, s9, s21, $0xb8;
	[tilespmem:$0x13000] =	vst v63  }
0x5d: {  	_ =	swait.ge [sflag:s20], $0x1000  }
0x5e: {  	[sflag:s20] =	ssyncset.done $0x0  }
0x5f: {  	s18 =	simm.s32 $0x2980;
	[sflag:s20] =	ssyncadd.s32 $0xFFFFF000  }
0x60: {  	[spmem:s1] =	stream.indirect.scatter.add.f32 [tilespmem:s25], [sflag:$0xC], $0x20, s18, s21, $0xb8;
	[tilespmem:$0x13000] =	vst v63  }
0x61: {  	_ =	swait.ge [sflag:s10], $0x1000  }
0x62: {  	[sflag:s10] =	ssyncset.done $0x0  }
0x63: {  	s19 =	simm.s32 $0x2A00;
	[sflag:s10] =	ssyncadd.s32 $0xFFFFF000  }
0x64: {  	[spmem:s1] =	stream.indirect.scatter.add.f32 [tilespmem:s26], [sflag:$0xD], $0x20, s19, s21, $0xb8;
	[tilespmem:$0x13000] =	vst v63  }
0x65: {  	_ =	swait.ge [sflag:s11], $0x1000  }
0x66: {  	[sflag:s11] =	ssyncset.done $0x0  }
0x67: {  	s9 =	simm.s32 $0x2A80;
	[sflag:s11] =	ssyncadd.s32 $0xFFFFF000  }
0x68: {  	[spmem:s1] =	stream.indirect.scatter.add.f32 [tilespmem:s28], [sflag:$0xE], $0x20, s9, s21, $0xb8;
	[tilespmem:$0x13000] =	vst v63  }
0x69: {  	_ =	swait.ge [sflag:s12], $0x1000  }
0x6a: {  	[sflag:s12] =	ssyncset.done $0x0  }
0x6b: {  	s18 =	simm.s32 $0x2B00;
	[sflag:s12] =	ssyncadd.s32 $0xFFFFF000  }
0x6c: {  	[spmem:s1] =	stream.indirect.scatter.add.f32 [tilespmem:s29], [sflag:$0xF], $0x20, s18, s21, $0xb8;
	[tilespmem:$0x13000] =	vst v63  }
0x6d: {  	_ =	swait.ge [sflag:s13], $0x1000  }
0x6e: {  	[sflag:s13] =	ssyncset.done $0x0  }
0x6f: {  	s19 =	simm.s32 $0x2B80;
	[sflag:s13] =	ssyncadd.s32 $0xFFFFF000  }
0x70: {  	[spmem:s1] =	stream.indirect.scatter.add.f32 [tilespmem:s30], [sflag:$0x10], $0x20, s19, s21, $0xb8;
	[tilespmem:$0x13000] =	vst v63  }
0x71: {  	_ =	swait.ge [sflag:s14], $0x1000  }
0x72: {  	[sflag:s14] =	ssyncset.done $0x0  }
0x73: {  	[sflag:s14] =	ssyncadd.s32 $0xFFFFF000  }
0x74: {  	_ =	swait.ge [sflag:s15], $0x1000  }
0x75: {  	[sflag:s15] =	ssyncset.done $0x0  }
0x76: {  	[sflag:s15] =	ssyncadd.s32 $0xFFFFF000  }
0x77: {  	_ =	swait.ge [sflag:s16], $0x1000  }
0x78: {  	[sflag:s16] =	ssyncset.done $0x0  }
0x79: {  	[sflag:s16] =	ssyncadd.s32 $0xFFFFF000  }
0x7a: {  	_ =	swait.ge [sflag:s17], $0x1000  }
0x7b: {  	[sflag:s17] =	ssyncset.done $0x0  }
0x7c: {  	[sflag:s17] =	ssyncadd.s32 $0xFFFFF000  }
0x7d: {  	_ =	swait.ge [sflag:s5], $0x1000  }
0x7e: {  	[sflag:s5] =	ssyncset.done $0x0  }
0x7f: {  	[sflag:s5] =	ssyncadd.s32 $0xFFFFF000  }
0x80: {  	_ =	swait.ge [sflag:s6], $0x1000  }
0x81: {  	[sflag:s6] =	ssyncset.done $0x0  }
0x82: {  	[sflag:s6] =	ssyncadd.s32 $0xFFFFF000  }
0x83: {  	_ =	swait.ge [sflag:s7], $0x1000  }
0x84: {  	[sflag:s7] =	ssyncset.done $0x0  }
0x85: {  	[sflag:s7] =	ssyncadd.s32 $0xFFFFF000  }
0x86: {  	_ =	swait.ge [sflag:s8], $0x1000  }
0x87: {  	s9 =	simm.s32 $0x1000;
	s18 =	simm.s32 $0x2000;
	[sflag:s8] =	ssyncset.done $0x0  }
.LBB2_4:
0x88: {  	s3 =	sshra.s32 s9, $0x2  }
0x89: {  	[sflag:s8] =	ssyncadd.s32 $0xFFFFF000;
	s9 =	smov.u32 s18;
	s19 =	sadd.s32 $0x1000, s18  }
0x8a: {  	[tilespmem:s22], [sflag:$0x1] =	stream.indirect.gather [hbm4b:s4+s21], $0x20, s3, s21, $0xb8;
	[tilespmem:$0x13000] =	vst v63  }
0x8b: {  	p0 =	sne.s32 s18, $0x9000;
	s18 =	sadd.s32 $0x80, s3  }
0x8c: {  	[tilespmem:s23], [sflag:$0x2] =	stream.indirect.gather [hbm4b:s4+s21], $0x20, s18, s21, $0xb8;
	[tilespmem:$0x13000] =	vst v63  }
0x8d: {  	s18 =	sadd.s32 $0x100, s3  }
0x8e: {  	[tilespmem:s24], [sflag:$0x3] =	stream.indirect.gather [hbm4b:s4+s21], $0x20, s18, s21, $0xb8;
	[tilespmem:$0x13000] =	vst v63  }
0x8f: {  	s18 =	sadd.s32 $0x180, s3  }
0x90: {  	[tilespmem:s25], [sflag:$0x4] =	stream.indirect.gather [hbm4b:s4+s21], $0x20, s18, s21, $0xb8;
	[tilespmem:$0x13000] =	vst v63  }
0x91: {  	s18 =	sadd.s32 $0x200, s3  }
0x92: {  	[tilespmem:s26], [sflag:$0x5] =	stream.indirect.gather [hbm4b:s4+s21], $0x20, s18, s21, $0xb8;
	[tilespmem:$0x13000] =	vst v63  }
0x93: {  	s18 =	sadd.s32 $0x280, s3  }
0x94: {  	[tilespmem:s28], [sflag:$0x6] =	stream.indirect.gather [hbm4b:s4+s21], $0x20, s18, s21, $0xb8;
	[tilespmem:$0x13000] =	vst v63  }
0x95: {  	s18 =	sadd.s32 $0x300, s3  }
0x96: {  	[tilespmem:s29], [sflag:$0x7] =	stream.indirect.gather [hbm4b:s4+s21], $0x20, s18, s21, $0xb8;
	[tilespmem:$0x13000] =	vst v63  }
0x97: {  	s18 =	sadd.s32 $0x380, s3  }
0x98: {  	[tilespmem:s30], [sflag:$0x8] =	stream.indirect.gather [hbm4b:s4+s21], $0x20, s18, s21, $0xb8;
	[tilespmem:$0x13000] =	vst v63  }
0x99: {  	_ =	swait.ge [sflag:s31], $0x1000  }
0x9a: {  	[sflag:s31] =	ssyncset.done $0x0  }
0x9b: {  	s18 =	sadd.s32 $0x2800, s3;
	[sflag:s31] =	ssyncadd.s32 $0xFFFFF000  }
0x9c: {  	[spmem:s1] =	stream.indirect.scatter.add.f32 [tilespmem:s22], [sflag:$0x9], $0x20, s18, s21, $0xb8;
	[tilespmem:$0x13000] =	vst v63  }
0x9d: {  	_ =	swait.ge [sflag:s0], $0x1000  }
0x9e: {  	[sflag:s0] =	ssyncset.done $0x0  }
0x9f: {  	s18 =	sadd.s32 $0x2880, s3;
	[sflag:s0] =	ssyncadd.s32 $0xFFFFF000  }
0xa0: {  	[spmem:s1] =	stream.indirect.scatter.add.f32 [tilespmem:s23], [sflag:$0xA], $0x20, s18, s21, $0xb8;
	[tilespmem:$0x13000] =	vst v63  }
0xa1: {  	_ =	swait.ge [sflag:s2], $0x1000  }
0xa2: {  	[sflag:s2] =	ssyncset.done $0x0  }
0xa3: {  	s18 =	sadd.s32 $0x2900, s3;
	[sflag:s2] =	ssyncadd.s32 $0xFFFFF000  }
0xa4: {  	[spmem:s1] =	stream.indirect.scatter.add.f32 [tilespmem:s24], [sflag:$0xB], $0x20, s18, s21, $0xb8;
	[tilespmem:$0x13000] =	vst v63  }
0xa5: {  	_ =	swait.ge [sflag:s20], $0x1000  }
0xa6: {  	[sflag:s20] =	ssyncset.done $0x0  }
0xa7: {  	s18 =	sadd.s32 $0x2980, s3;
	[sflag:s20] =	ssyncadd.s32 $0xFFFFF000  }
0xa8: {  	[spmem:s1] =	stream.indirect.scatter.add.f32 [tilespmem:s25], [sflag:$0xC], $0x20, s18, s21, $0xb8;
	[tilespmem:$0x13000] =	vst v63  }
0xa9: {  	_ =	swait.ge [sflag:s10], $0x1000  }
0xaa: {  	[sflag:s10] =	ssyncset.done $0x0  }
0xab: {  	s18 =	sadd.s32 $0x2A00, s3;
	[sflag:s10] =	ssyncadd.s32 $0xFFFFF000  }
0xac: {  	[spmem:s1] =	stream.indirect.scatter.add.f32 [tilespmem:s26], [sflag:$0xD], $0x20, s18, s21, $0xb8;
	[tilespmem:$0x13000] =	vst v63  }
0xad: {  	_ =	swait.ge [sflag:s11], $0x1000  }
0xae: {  	[sflag:s11] =	ssyncset.done $0x0  }
0xaf: {  	s18 =	sadd.s32 $0x2A80, s3;
	[sflag:s11] =	ssyncadd.s32 $0xFFFFF000  }
0xb0: {  	[spmem:s1] =	stream.indirect.scatter.add.f32 [tilespmem:s28], [sflag:$0xE], $0x20, s18, s21, $0xb8;
	[tilespmem:$0x13000] =	vst v63  }
0xb1: {  	_ =	swait.ge [sflag:s12], $0x1000  }
0xb2: {  	[sflag:s12] =	ssyncset.done $0x0  }
0xb3: {  	s18 =	sadd.s32 $0x2B00, s3;
	[sflag:s12] =	ssyncadd.s32 $0xFFFFF000  }
0xb4: {  	[spmem:s1] =	stream.indirect.scatter.add.f32 [tilespmem:s29], [sflag:$0xF], $0x20, s18, s21, $0xb8;
	[tilespmem:$0x13000] =	vst v63  }
0xb5: {  	_ =	swait.ge [sflag:s13], $0x1000  }
0xb6: {  	[sflag:s13] =	ssyncset.done $0x0  }
0xb7: {  	s3 =	sadd.s32 $0x2B80, s3;
	[sflag:s13] =	ssyncadd.s32 $0xFFFFF000  }
0xb8: {  	[spmem:s1] =	stream.indirect.scatter.add.f32 [tilespmem:s30], [sflag:$0x10], $0x20, s3, s21, $0xb8;
	[tilespmem:$0x13000] =	vst v63  }
0xb9: {  	_ =	swait.ge [sflag:s14], $0x1000  }
0xba: {  	[sflag:s14] =	ssyncset.done $0x0  }
0xbb: {  	[sflag:s14] =	ssyncadd.s32 $0xFFFFF000  }
0xbc: {  	_ =	swait.ge [sflag:s15], $0x1000  }
0xbd: {  	[sflag:s15] =	ssyncset.done $0x0  }
0xbe: {  	[sflag:s15] =	ssyncadd.s32 $0xFFFFF000  }
0xbf: {  	_ =	swait.ge [sflag:s16], $0x1000  }
0xc0: {  	[sflag:s16] =	ssyncset.done $0x0  }
0xc1: {  	[sflag:s16] =	ssyncadd.s32 $0xFFFFF000  }
0xc2: {  	_ =	swait.ge [sflag:s17], $0x1000  }
0xc3: {  	[sflag:s17] =	ssyncset.done $0x0  }
0xc4: {  	[sflag:s17] =	ssyncadd.s32 $0xFFFFF000  }
0xc5: {  	_ =	swait.ge [sflag:s5], $0x1000  }
0xc6: {  	[sflag:s5] =	ssyncset.done $0x0  }
0xc7: {  	[sflag:s5] =	ssyncadd.s32 $0xFFFFF000  }
0xc8: {  	_ =	swait.ge [sflag:s6], $0x1000  }
0xc9: {  	[sflag:s6] =	ssyncset.done $0x0  }
0xca: {  	[sflag:s6] =	ssyncadd.s32 $0xFFFFF000  }
.Ltmp1:
0xcb: {  	_ =	swait.ge [sflag:s7], $0x1000;
	(pc) =	sbr.rel @p0 .LBB2_4-.Ltmp1, $4  }
0xcc: {  	[sflag:s7] =	ssyncset.done $0x0  }
0xcd: {  	[sflag:s7] =	ssyncadd.s32 $0xFFFFF000  }
0xce: {  	_ =	swait.ge [sflag:s8], $0x1000  }
0xcf: {  	s18 =	smov.u32 s19;
	[sflag:s8] =	ssyncset.done $0x0  }
0xd0: {  	s3 =	sshra.s32 s9, $0x2;
	[sflag:s8] =	ssyncadd.s32 $0xFFFFF000  }
0xd1: {  	[tilespmem:s22], [sflag:$0x1] =	stream.indirect.gather [hbm4b:s4+s21], $0x20, s3, s21, $0xb8;
	[tilespmem:$0x13000] =	vst v63  }
0xd2: {  	s9 =	sadd.s32 $0x80, s3  }
0xd3: {  	[tilespmem:s23], [sflag:$0x2] =	stream.indirect.gather [hbm4b:s4+s21], $0x20, s9, s21, $0xb8;
	[tilespmem:$0x13000] =	vst v63  }
0xd4: {  	s19 =	sadd.s32 $0x100, s3  }
0xd5: {  	[tilespmem:s24], [sflag:$0x3] =	stream.indirect.gather [hbm4b:s4+s21], $0x20, s19, s21, $0xb8;
	[tilespmem:$0x13000] =	vst v63  }
0xd6: {  	s18 =	sadd.s32 $0x180, s3  }
0xd7: {  	[tilespmem:s25], [sflag:$0x4] =	stream.indirect.gather [hbm4b:s4+s21], $0x20, s18, s21, $0xb8;
	[tilespmem:$0x13000] =	vst v63  }
0xd8: {  	s19 =	sadd.s32 $0x200, s3  }
0xd9: {  	[tilespmem:s26], [sflag:$0x5] =	stream.indirect.gather [hbm4b:s4+s21], $0x20, s19, s21, $0xb8;
	[tilespmem:$0x13000] =	vst v63  }
0xda: {  	s18 =	sadd.s32 $0x280, s3  }
0xdb: {  	[tilespmem:s28], [sflag:$0x6] =	stream.indirect.gather [hbm4b:s4+s21], $0x20, s18, s21, $0xb8;
	[tilespmem:$0x13000] =	vst v63  }
0xdc: {  	s19 =	sadd.s32 $0x300, s3  }
0xdd: {  	[tilespmem:s29], [sflag:$0x7] =	stream.indirect.gather [hbm4b:s4+s21], $0x20, s19, s21, $0xb8;
	[tilespmem:$0x13000] =	vst v63  }
0xde: {  	s18 =	sadd.s32 $0x380, s3  }
0xdf: {  	[tilespmem:s30], [sflag:$0x8] =	stream.indirect.gather [hbm4b:s4+s21], $0x20, s18, s21, $0xb8;
	[tilespmem:$0x13000] =	vst v63  }
0xe0: {  	_ =	swait.ge [sflag:s31], $0x1000  }
0xe1: {  	[sflag:s31] =	ssyncset.done $0x0  }
0xe2: {  	s19 =	sadd.s32 $0x2800, s3;
	[sflag:s31] =	ssyncadd.s32 $0xFFFFF000  }
0xe3: {  	[spmem:s1] =	stream.indirect.scatter.add.f32 [tilespmem:s22], [sflag:$0x9], $0x20, s19, s21, $0xb8;
	[tilespmem:$0x13000] =	vst v63  }
0xe4: {  	_ =	swait.ge [sflag:s0], $0x1000  }
0xe5: {  	[sflag:s0] =	ssyncset.done $0x0  }
0xe6: {  	s18 =	sadd.s32 $0x2880, s3;
	[sflag:s0] =	ssyncadd.s32 $0xFFFFF000  }
0xe7: {  	[spmem:s1] =	stream.indirect.scatter.add.f32 [tilespmem:s23], [sflag:$0xA], $0x20, s18, s21, $0xb8;
	[tilespmem:$0x13000] =	vst v63  }
0xe8: {  	_ =	swait.ge [sflag:s2], $0x1000  }
0xe9: {  	[sflag:s2] =	ssyncset.done $0x0  }
0xea: {  	s19 =	sadd.s32 $0x2900, s3;
	[sflag:s2] =	ssyncadd.s32 $0xFFFFF000  }
0xeb: {  	[spmem:s1] =	stream.indirect.scatter.add.f32 [tilespmem:s24], [sflag:$0xB], $0x20, s19, s21, $0xb8;
	[tilespmem:$0x13000] =	vst v63  }
0xec: {  	_ =	swait.ge [sflag:s20], $0x1000  }
0xed: {  	[sflag:s20] =	ssyncset.done $0x0  }
0xee: {  	s18 =	sadd.s32 $0x2980, s3;
	[sflag:s20] =	ssyncadd.s32 $0xFFFFF000  }
0xef: {  	[spmem:s1] =	stream.indirect.scatter.add.f32 [tilespmem:s25], [sflag:$0xC], $0x20, s18, s21, $0xb8;
	[tilespmem:$0x13000] =	vst v63  }
0xf0: {  	_ =	swait.ge [sflag:s10], $0x1000  }
0xf1: {  	[sflag:s10] =	ssyncset.done $0x0  }
0xf2: {  	s19 =	sadd.s32 $0x2A00, s3;
	[sflag:s10] =	ssyncadd.s32 $0xFFFFF000  }
0xf3: {  	[spmem:s1] =	stream.indirect.scatter.add.f32 [tilespmem:s26], [sflag:$0xD], $0x20, s19, s21, $0xb8;
	[tilespmem:$0x13000] =	vst v63  }
0xf4: {  	_ =	swait.ge [sflag:s11], $0x1000  }
0xf5: {  	[sflag:s11] =	ssyncset.done $0x0  }
0xf6: {  	s18 =	sadd.s32 $0x2A80, s3;
	[sflag:s11] =	ssyncadd.s32 $0xFFFFF000  }
0xf7: {  	[spmem:s1] =	stream.indirect.scatter.add.f32 [tilespmem:s28], [sflag:$0xE], $0x20, s18, s21, $0xb8;
	[tilespmem:$0x13000] =	vst v63  }
0xf8: {  	_ =	swait.ge [sflag:s12], $0x1000  }
0xf9: {  	[sflag:s12] =	ssyncset.done $0x0  }
0xfa: {  	s19 =	sadd.s32 $0x2B00, s3;
	[sflag:s12] =	ssyncadd.s32 $0xFFFFF000  }
0xfb: {  	[spmem:s1] =	stream.indirect.scatter.add.f32 [tilespmem:s29], [sflag:$0xF], $0x20, s19, s21, $0xb8;
	[tilespmem:$0x13000] =	vst v63  }
0xfc: {  	_ =	swait.ge [sflag:s13], $0x1000  }
0xfd: {  	[sflag:s13] =	ssyncset.done $0x0  }
0xfe: {  	s3 =	sadd.s32 $0x2B80, s3;
	[sflag:s13] =	ssyncadd.s32 $0xFFFFF000  }
0xff: {  	[spmem:s1] =	stream.indirect.scatter.add.f32 [tilespmem:s30], [sflag:$0x10], $0x20, s3, s21, $0xb8;
	[tilespmem:$0x13000] =	vst v63  }
0x100: {  	_ =	swait.ge [sflag:s14], $0x1000  }
0x101: {  	[sflag:s14] =	ssyncset.done $0x0  }
0x102: {  	[sflag:s14] =	ssyncadd.s32 $0xFFFFF000  }
0x103: {  	_ =	swait.ge [sflag:s15], $0x1000  }
0x104: {  	[sflag:s15] =	ssyncset.done $0x0  }
0x105: {  	[sflag:s15] =	ssyncadd.s32 $0xFFFFF000  }
0x106: {  	_ =	swait.ge [sflag:s16], $0x1000  }
0x107: {  	[sflag:s16] =	ssyncset.done $0x0  }
0x108: {  	[sflag:s16] =	ssyncadd.s32 $0xFFFFF000  }
0x109: {  	_ =	swait.ge [sflag:s17], $0x1000  }
0x10a: {  	[sflag:s17] =	ssyncset.done $0x0  }
0x10b: {  	[sflag:s17] =	ssyncadd.s32 $0xFFFFF000  }
0x10c: {  	_ =	swait.ge [sflag:s5], $0x1000  }
0x10d: {  	[sflag:s5] =	ssyncset.done $0x0  }
0x10e: {  	[sflag:s5] =	ssyncadd.s32 $0xFFFFF000  }
0x10f: {  	_ =	swait.ge [sflag:s6], $0x1000  }
0x110: {  	[sflag:s6] =	ssyncset.done $0x0  }
0x111: {  	[sflag:s6] =	ssyncadd.s32 $0xFFFFF000  }
0x112: {  	_ =	swait.ge [sflag:s7], $0x1000  }
0x113: {  	[sflag:s7] =	ssyncset.done $0x0  }
0x114: {  	[sflag:s7] =	ssyncadd.s32 $0xFFFFF000  }
0x115: {  	_ =	swait.ge [sflag:s8], $0x1000  }
0x116: {  	[sflag:s8] =	ssyncset.done $0x0  }
0x117: {  	s18 =	stileid.u32;
	[sflag:s8] =	ssyncadd.s32 $0xFFFFF000  }
0x118: {  	s3 =	sshll.u32 s18, $0x6;
	[bflag:$0x0] =	sbarrier.arrive $0xFFFF  }
0x119: {  	s3 =	sor.u32 $0x1C11, s3;
	s19 =	rddreg [dreg:$0x4]  }
0x11a: {  	s18 =	rddreg [dreg:$0xb];
	s9 =	sshrl.u32 s19, $0x3;
	s19 =	simm.s32 $0x11  }
0x11b: {  	[hbm:s18], [sflag:s3] =	dma.local [spmem:s9], $0x200  }
0x11c: {  	_ =	swait.ge [sflag:s19], $0x200  }
0x11d: {  	[sflag:s19] =	ssyncset.done $0x0;
	s18 =	rddreg [dreg:$0x5]  }
0x11e: {  	[sflag:s19] =	ssyncadd.s32 $0xFFFFFE00;
	s9 =	sshrl.u32 s18, $0x3;
	s18 =	rddreg [dreg:$0xc]  }
0x11f: {  	[hbm:s18], [sflag:s3] =	dma.local [spmem:s9], $0x200  }
0x120: {  	_ =	swait.ge [sflag:s19], $0x200  }
0x121: {  	[sflag:s19] =	ssyncset.done $0x0;
	s18 =	rddreg [dreg:$0x6]  }
0x122: {  	[sflag:s19] =	ssyncadd.s32 $0xFFFFFE00;
	s9 =	sshrl.u32 s18, $0x3;
	s18 =	rddreg [dreg:$0xd]  }
0x123: {  	[hbm:s18], [sflag:s3] =	dma.local [spmem:s9], $0x200  }
0x124: {  	_ =	swait.ge [sflag:s19], $0x200  }
0x125: {  	[sflag:s19] =	ssyncset.done $0x0;
	s18 =	rddreg [dreg:$0x7]  }
0x126: {  	[sflag:s19] =	ssyncadd.s32 $0xFFFFFE00;
	s9 =	sshrl.u32 s18, $0x3;
	s18 =	rddreg [dreg:$0xe]  }
0x127: {  	[hbm:s18], [sflag:s3] =	dma.local [spmem:s9], $0x200  }
0x128: {  	_ =	swait.ge [sflag:s19], $0x200  }
0x129: {  	[sflag:s19] =	ssyncset.done $0x0;
	s18 =	rddreg [dreg:$0x8]  }
0x12a: {  	[sflag:s19] =	ssyncadd.s32 $0xFFFFFE00;
	s9 =	sshrl.u32 s18, $0x3;
	s18 =	rddreg [dreg:$0xf]  }
0x12b: {  	[hbm:s18], [sflag:s3] =	dma.local [spmem:s9], $0x200  }
0x12c: {  	_ =	swait.ge [sflag:s19], $0x200  }
0x12d: {  	s3 =	rddreg [dreg:$0x3]  }
0x12e: {  	s9 =	rddreg [dreg:$0x10];
	s18 =	sadd.s32 $0x1, s3  }
0x12f: {  	p0 =	sne.s32 s18, s9  }
.Ltmp2:
0x130: {  	_ = 	snop;
	(pc) =	sbr.rel @p0 .LBB2_1-.Ltmp2, $3  }
0x131: {  	_ =	sdelay $0x1  }
0x132: {  	[sflag:s19] =	ssyncset.done $0x0  }
0x133: {  	[sflag:s19] =	ssyncadd.s32 $0xFFFFFE00  }
0x134: {  	_ =	sfence.sel $0x180000  }
0x135: {  	[bflag:$0x0] =	sbarrier.arrive $0xFFFF  }
0x136: {  	_ =	strace $0x9000004A  }
0x137: {  	s0 =	stileid.u32;
	[bflag:$0x2] =	sbarrier.arrive $0xFFFF  }
0x138: {  	p0 =	sne.s32 s0, $0x0;
	s0 =	rddreg [dreg:$0x2]  }
0x139: {  	s0 =	sadd.s32 @!p0 $0x100000, s0  }
0x13a: {  	[sflag:s0] =	ssyncadd.tile.s32 @!p0 $0x1;
	_ =	shalt  }
.Lfunc_end2:
_tile_overlayer_lowered:
.L_overlay_start_2:
0x13b: {  	(tag) =	ssettag $0x2  }
0x13c: {  	s0 =	rddreg [dreg:$0x0];
	s2 =	stileid.u32  }
0x13d: {  	s1 =	rddreg [dreg:$0x1];
	p0 =	sne.s32 s2, $0x0  }
0x13e: {  	s3 =	rddreg [dreg:$0x2];
	[bflag:$0x3] =	sbarrier.arrive $0xFFFF;
	s2 =	simm.s32 @!p0 $0x1C11  }
0x13f: {  	[timem:s3], [sflag:s2] =	dma.local @!p0 [hbm:s0], s1  }
0x140: {  	s0 =	simm.s32 @!p0 $0x11  }
0x141: {  	_ =	swait.ge @!p0 [sflag:s0], s1  }
0x142: {  	s1 =	ssub.s32 @!p0 $0x0, s1;
	[sflag:s0] =	ssyncset.done @!p0 $0x0  }
0x143: {  	[sflag:s0] =	ssyncadd.s32 @!p0 s1  }
0x144: {  	[bflag:$0x3] =	sbarrier.arrive $0xFFFF  }
0x145: {  	_ =	shalt  }

// kernel: kernel.14.cloned.1.call-start
scs
__scs_entry_jumppad:
0x0: {  	(pc) =	sbr.rel $0x88, $3  }
0x1: {  	(tag) =	ssettag $0x0;
	lr =	simm.s32 $0x1  }
0x2: {  	[smem:$0x3F91] =	sst lr;
	_ =	strace $0xD0000000  }
0x3: {  	_ = 	snop  }
0x4: {  	_ = 	snop  }
0x5: {  	_ = 	snop  }
0x6: {  	_ = 	snop  }
0x7: {  	_ = 	snop  }
__scs_overlays_trampoline_lowered:
0x8: {  	[smem:$0x3FA0] =	sst s0  }
0x9: {  	[smem:$0x3FA1] =	sst s1  }
0xa: {  	[smem:$0x3FA2] =	sst s2  }
0xb: {  	[smem:$0x3FA3] =	sst s3  }
0xc: {  	[smem:$0x3FA4] =	sst s4  }
0xd: {  	[smem:$0x3FA5] =	sst s5  }
0xe: {  	[smem:$0x3FA6] =	sst s6  }
0xf: {  	[smem:$0x3FA7] =	sst s7  }
0x10: {  	[smem:$0x3FA8] =	sst s8  }
0x11: {  	[smem:$0x3FA9] =	sst s9;
	s0 =	simm.s32 @!p0 $0x0  }
0x12: {  	s1 =	sld [smem:$0x3F8F];
	s0 =	simm.s32 @p0 $0x1  }
0x13: {  	[smem:$0x3FAA] =	sst s0;
	s0 =	simm.s32 @!p1 $0x0  }
0x14: {  	s2 =	sld [smem:$0x3F8E];
	s0 =	simm.s32 @p1 $0x1  }
0x15: {  	[smem:$0x3FAB] =	sst s0;
	s0 =	simm.s32 @!p2 $0x0  }
0x16: {  	s3 =	sld [smem:$0x3FDB];
	s0 =	simm.s32 @p2 $0x1  }
0x17: {  	s4 =	simm.s32 $0x1BF5;
	[smem:$0x3FAD] =	sst s0  }
0x18: {  	s0 =	sld [smem:$0x3F90];
	_ =	swait.ge [sflag:s4], $0x0  }
0x19: {  	s7 =	sld [smem:$0x3F91]  }
0x1a: {  	s8 =	sadd.s32 $0xFFFFE003, lr  }
0x1b: {  	s9 =	sadd.s32 $0xFFFFFEF7, lr;
	s5 =	simm.s32 $0xFFFFFFFF;
	p2 =	slt.u32 s8, $0xFFFFF086  }
0x1c: {  	p1 =	slt.u32 s9, $0xF7A;
	s5 =	simm.s32 @!p2 $0x0  }
0x1d: {  	s5 =	simm.s32 @p1 $0x1;
	p0 =	seq.s32 s7, s2  }
0x1e: {  	s7 =	smul.u32 @!p0 $0xF7A, s2;
	p2 =	seq.s32 @!p0 s5, $0x0  }
0x1f: {  	s9 =	smul.u32 $0xF7A, s1;
	s8 =	simm.s32 @!p0 $0x1BF5;
	p2 =	por !p2, p0  }
0x20: {  	[sflag:s8] =	ssyncset.s32 @!p0 $0xFFFFF086;
	s6 =	sadd.s32 @!p0 s3, s7;
	s7 =	simm.s32 @!p0 $0x108  }
0x21: {  	s3 =	sadd.s32 s3, s9;
	s6 =	sadd.s32 @!p0 $0x88, s6;
	s7 =	simm.s32 @p2 $0x1082  }
0x22: {  	[simem:s7], [sflag:s8] =	dma.local @!p0 [hbm:s6], $0xF7A  }
0x23: {  	s9 =	sor.u32 $0xD0000000, s2;
	s6 =	simm.s32 $0x108;
	_ =	swait.ge @!p0 [sflag:s8], $0x0  }
0x24: {  	s3 =	sadd.s32 $0x88, s3;
	s6 =	simm.s32 @!p1 $0x1082;
	[sflag:s4] =	ssyncset.s32 $0xFFFFF086  }
0x25: {  	[simem:s6], [sflag:s4] =	dma.local [hbm:s3], $0xF7A  }
0x26: {  	[smem:$0x3F91] =	sst s1;
	(tag) =	ssettag s2;
	_ =	strace s9  }
0x27: {  	s1 =	sld [smem:$0x3FA1]  }
0x28: {  	s2 =	sld [smem:$0x3FA2]  }
0x29: {  	s4 =	sld [smem:$0x3FA4]  }
0x2a: {  	p0 =	seq.s32 s5, $0x0;
	s5 =	sld [smem:$0x3FA5]  }
0x2b: {  	s6 =	sld [smem:$0x3FA6]  }
0x2c: {  	s7 =	sld [smem:$0x3FA7]  }
0x2d: {  	s3 =	simm.s32 $0x108;
	s8 =	sld [smem:$0x3FA8]  }
0x2e: {  	s3 =	simm.s32 @!p0 $0x1082;
	s9 =	sld [smem:$0x3FA9]  }
0x2f: {  	lr =	sadd.s32 s0, s3;
	s0 =	sld [smem:$0x3FA0]  }
0x30: {  	s3 =	sld [smem:$0x3FA3]  }
0x31: {  	[smem:$0x3FAC] =	sst s10  }
0x32: {  	s10 =	sld [smem:$0x3FAA];
	_ =	sdelay $0x3  }
0x33: {  	p0 =	seq.s32 s10, $0x1;
	s10 =	sld [smem:$0x3FAC];
	_ =	sdelay $0x3  }
0x34: {  	[smem:$0x3FAC] =	sst s10  }
0x35: {  	s10 =	sld [smem:$0x3FAB];
	_ =	sdelay $0x3  }
0x36: {  	p1 =	seq.s32 s10, $0x1;
	s10 =	sld [smem:$0x3FAC];
	_ =	sdelay $0x3  }
0x37: {  	[smem:$0x3FAC] =	sst s10  }
0x38: {  	s10 =	sld [smem:$0x3FAD]  }
0x39: {  	_ = 	snop;
	(pc) =	sbr.ind lr, $3  }
0x3a: {  	_ = 	snop  }
0x3b: {  	_ = 	snop  }
0x3c: {  	p2 =	seq.s32 s10, $0x1;
	s10 =	sld [smem:$0x3FAC]  }
0x3d: {  	_ =	shalt  }
0x3e: {  	_ =	shalt  }
0x3f: {  	_ =	shalt  }
0x40: {  	_ =	shalt  }
0x41: {  	_ =	shalt  }
0x42: {  	_ =	shalt  }
0x43: {  	_ =	shalt  }
0x44: {  	_ =	shalt  }
0x45: {  	_ =	shalt  }
0x46: {  	_ =	shalt  }
0x47: {  	_ =	shalt  }
0x48: {  	_ =	shalt  }
0x49: {  	_ =	shalt  }
0x4a: {  	_ =	shalt  }
0x4b: {  	_ =	shalt  }
0x4c: {  	_ =	shalt  }
0x4d: {  	_ =	shalt  }
0x4e: {  	_ =	shalt  }
0x4f: {  	_ =	shalt  }
0x50: {  	_ =	shalt  }
0x51: {  	_ =	shalt  }
0x52: {  	_ =	shalt  }
0x53: {  	_ =	shalt  }
0x54: {  	_ =	shalt  }
0x55: {  	_ =	shalt  }
0x56: {  	_ =	shalt  }
0x57: {  	_ =	shalt  }
0x58: {  	_ =	shalt  }
0x59: {  	_ =	shalt  }
0x5a: {  	_ =	shalt  }
0x5b: {  	_ =	shalt  }
0x5c: {  	_ =	shalt  }
0x5d: {  	_ =	shalt  }
0x5e: {  	_ =	shalt  }
0x5f: {  	_ =	shalt  }
0x60: {  	_ =	shalt  }
0x61: {  	_ =	shalt  }
0x62: {  	_ =	shalt  }
0x63: {  	_ =	shalt  }
0x64: {  	_ =	shalt  }
0x65: {  	_ =	shalt  }
0x66: {  	_ =	shalt  }
0x67: {  	_ =	shalt  }
0x68: {  	_ =	shalt  }
0x69: {  	_ =	shalt  }
0x6a: {  	_ =	shalt  }
0x6b: {  	_ =	shalt  }
0x6c: {  	_ =	shalt  }
0x6d: {  	_ =	shalt  }
0x6e: {  	_ =	shalt  }
0x6f: {  	_ =	shalt  }
0x70: {  	_ =	shalt  }
0x71: {  	_ =	shalt  }
0x72: {  	_ =	shalt  }
0x73: {  	_ =	shalt  }
0x74: {  	_ =	shalt  }
0x75: {  	_ =	shalt  }
0x76: {  	_ =	shalt  }
0x77: {  	_ =	shalt  }
0x78: {  	_ =	shalt  }
0x79: {  	_ =	shalt  }
0x7a: {  	_ =	shalt  }
0x7b: {  	_ =	shalt  }
0x7c: {  	_ =	shalt  }
0x7d: {  	_ =	shalt  }
0x7e: {  	_ =	shalt  }
0x7f: {  	_ =	shalt  }
0x80: {  	_ =	shalt  }
0x81: {  	_ =	shalt  }
0x82: {  	_ =	shalt  }
0x83: {  	_ =	shalt  }
0x84: {  	_ =	shalt  }
0x85: {  	_ =	shalt  }
0x86: {  	_ =	shalt  }
0x87: {  	_ =	shalt  }
.Lfunc_end0:
.L_simem_size_0:
called_computation.2_lowered:
.L_overlay_start_0:
0x88: {  	s2 =	sld [smem:$0x3FD9]  }
0x89: {  	s3 =	sld [smem:$0x3FFE];
	_ =	sdelay $0x1  }
0x8a: {  	s1 =	srdreg.scid  }
0x8b: {  	s0 =	sand.u32 $0x1, s1  }
0x8c: {  	s16 =	sshll.u32 s0, $0xA;
	s2 =	sadd.s32 s3, s2  }
0x8d: {  	s2 =	sadd.s32 s2, s16  }
0x8e: {  	[smem:$0x3FB8] =	sst s2  }
0x8f: {  	_ = 	snop  }
0x90: {  	(tm) =	ssettm $0x1  }
0x91: {  	s17 =	sld [smem:$0x3FFB];
	_ =	sdelay $0x3  }
0x92: {  	_ =	strace s17  }
0x93: {  	s2 =	sld [smem:$0x3FFC];
	_ =	sdelay $0x3  }
0x94: {  	_ =	strace s2  }
0x95: {  	s2 =	sld [smem:$0x3FFD];
	_ =	sdelay $0x3  }
0x96: {  	_ =	strace s2  }
0x97: {  	_ =	strace $0x8FFFFFFF  }
0x98: {  	s18 =	sld [smem:$0x3FDB];
	_ =	sdelay $0x1  }
0x99: {  	s19 =	simm.s32 $_scs_section_size  }
0x9a: {  	s4 =	simm.s32 $_size__tile_overlayer_lowered;
	s5 =	simm.s32 $_tile_overlayer_lowered  }
0x9b: {  	s22 =	simm.s32 $0x1BFF;
	s21 =	sshll.u32 s5, $0x1;
	s2 =	sadd.s32 s19, s18  }
0x9c: {  	s6 =	simm.s32 $0x0;
	s20 =	sshll.u32 s4, $0x1;
	s4 =	sadd.s32 s21, s2  }
0x9d: {  	[timem:s6], [sflag:s22] =	dma.local [hbm:s4], s20  }
0x9e: {  	_ =	swait.ge [sflag:s22], s20  }
0x9f: {  	s3 =	ssub.s32 $0x0, s20;
	[sflag:s22] =	ssyncset.done $0x0  }
0xa0: {  	[sflag:s22] =	ssyncadd.s32 s3;
	_ =	sdelay $0x1  }
0xa1: {  	s23 =	simm.s32 $0x1B8B  }
0xa2: {  	_ =	swait.ge [sflag:s23], $0x1  }
0xa3: {  	[sflag:s23] =	ssyncset.done $0x0  }
0xa4: {  	s25 =	simm.s32 $0x1B8E;
	s24 =	sld [smem:$0x3FFE];
	[sflag:s23] =	ssyncadd.s32 $0xFFFFFFFF  }
0xa5: {  	s26 =	simm.s32 $execute0_lowered;
	[smem:$0x3FD2] =	sst s25  }
0xa6: {  	s4 =	sshll.u32 s26, $0x1;
	_ =	strace $0x8000004C;
	[dreg:$0x1] =	wrdreg $0xFFFFFFFF  }
0xa7: {  	s28 =	simm.s32 $_size_execute0_lowered;
	s2 =	sadd.s32 s2, s4;
	[dreg:$0x0] =	wrdreg $0x0  }
0xa8: {  	s4 =	sshll.u32 s28, $0x1;
	[dreg:$0x2] =	wrdreg s2  }
0xa9: {  	[dreg:$0x3] =	wrdreg s4  }
0xaa: {  	[dreg:$0x4] =	wrdreg $0xC0  }
0xab: {  	_ =	task [dreg:s6], $0x5FFFF  }
0xac: {  	[dreg:$0x1] =	wrdreg $0xFFFFFFFF  }
0xad: {  	[dreg:$0x0] =	wrdreg $0x60  }
0xae: {  	[dreg:$0x2] =	wrdreg s24  }
0xaf: {  	[dreg:$0x3] =	wrdreg $0x98000  }
0xb0: {  	[dreg:$0x4] =	wrdreg $0x9  }
0xb1: {  	_ =	task.clear_ibuf [dreg:s6], $0x5FFFF;
	_ =	strace $0x9000004C  }
0xb2: {  	s29 =	simm.s32 $0x9;
	_ =	strace $0x8000004E  }
0xb3: {  	_ =	swait.ge [sflag:s29], $0x1  }
0xb4: {  	[sflag:s29] =	ssyncadd.s32 $0xFFFFFFFF  }
0xb5: {  	_ =	strace $0x9000004E  }
0xb6: {  	_ =	sfence  }
0xb7: {  	s30 =	sld [smem:$0x0];
	_ =	sdelay $0x2  }
0xb8: {  	s31 =	sshll.u32 s1, $0xD;
	s1 =	sshrl.u32 s1, $0x2  }
0xb9: {  	s3 =	sand.u32 $0x4000, s31;
	s1 =	sadd.s32 s1, s30  }
0xba: {  	s0 =	sor.u32 s3, s0;
	s1 =	sshll.u32 s1, $0x11  }
0xbb: {  	s0 =	sor.u32 s1, s0  }
0xbc: {  	s0 =	sadd.s32 $0x8F2B, s0  }
0xbd: {  	[sflag:s0] =	ssyncadd.remote.s32 $0x1  }
0xbe: {  	_ =	sfence.sel $0xFFFF  }
0xbf: {  	[dreg:$0x0] =	wrdreg $0xFFFFFFFF;
	(pc) =	sbr.abs _section_cstart, $3  }
0xc0: {  	[dreg:$0x1] =	wrdreg $0xFFFFFFFF  }
0xc1: {  	_ =	task.clear_ibuf [dreg:s6], $0x2FFFF;
	_ =	strace $0x9FFFFFFF  }
0xc2: {  	(tm) =	ssettm $0x7FFFFFFF  }
0xc3: {  	_ =	shalt  }
tec
execute0_lowered:
.L_overlay_start_1:
0x0: {  	(tag) =	ssettag $0x1  }
0x1: {  	s0 =	rddreg [dreg:$0x0]  }
0x2: {  	s1 =	rddreg [dreg:$0x1];
	s2 =	srdreg.scid  }
0x3: {  	s18 =	simm.s32 $0x0;
	s6 =	stileid.u32;
	s28 =	simm.s32 $0x7800  }
0x4: {  	s29 =	simm.s32 $0x8000;
	s30 =	simm.s32 $0x8800;
	s31 =	simm.s32 $0x1  }
0x5: {  	s12 =	simm.s32 $0x7;
	s13 =	simm.s32 $0x8;
	s2 =	sand.u32 $0x1, s2  }
0x6: {  	[smem:$0x7FF] =	sst s18;
	s4 =	sadd.s32 $0x6C400, s0;
	s3 =	sshll.u32 s2, $0x4  }
0x7: {  	s5 =	ssub.s32 $0x2, s2;
	s3 =	sor.u32 s6, s3;
	s6 =	smul.u32 $0x2800, s6  }
0x8: {  	_ =	strace $0x8000004D;
	s2 =	smul.u32 $0x28000, s2;
	s7 =	sshrl.u32 s5, $0x1  }
0x9: {  	s3 =	smul.u32 $0x500, s3;
	s5 =	ssub.s32 s5, s7;
	s14 =	sadd.s32 s6, s1  }
0xa: {  	s15 =	sadd.s32 $0x800, s6;
	s16 =	sadd.s32 $0x1000, s6;
	s17 =	sadd.s32 $0x1800, s6  }
0xb: {  	s10 =	sadd.s32 $0x2000, s6;
	s6 =	sadd.s32 s6, s2;
	s26 =	smax.u32 s5, $0x1  }
0xc: {  	s5 =	simm.s32 $0xD;
	s3 =	sadd.s32 s3, s0;
	s0 =	sadd.s32 $0x71400, s0  }
0xd: {  	[dreg:$0x4] =	wrdreg s14;
	s8 =	sadd.s32 s15, s1;
	s9 =	sadd.s32 s16, s1  }
0xe: {  	s11 =	sadd.s32 s17, s1;
	s19 =	sadd.s32 s10, s1;
	s6 =	sshrl.u32 s6, $0x3  }
0xf: {  	s7 =	sadd.s32 s2, s15;
	s23 =	sadd.s32 s2, s16;
	[dreg:$0x10] =	wrdreg s26  }
0x10: {  	s24 =	sadd.s32 s2, s17;
	s2 =	sadd.s32 s2, s10;
	[dreg:$0x5] =	wrdreg s8  }
0x11: {  	s26 =	simm.s32 $0x7000;
	s10 =	simm.s32 $0x5;
	[dreg:$0x6] =	wrdreg s9  }
0x12: {  	s14 =	simm.s32 $0x9;
	s15 =	simm.s32 $0xA;
	[dreg:$0x7] =	wrdreg s11  }
0x13: {  	s16 =	simm.s32 $0xB;
	s17 =	simm.s32 $0xC;
	[dreg:$0x8] =	wrdreg s19  }
0x14: {  	s20 =	sadd.s32 $0x8400, s3;
	s3 =	sadd.s32 $0x12400, s3;
	s21 =	sadd.s32 s0, s6  }
0x15: {  	s22 =	sshrl.u32 s7, $0x3;
	s6 =	sshrl.u32 s24, $0x3;
	s2 =	sshrl.u32 s2, $0x3  }
0x16: {  	s24 =	simm.s32 $0x6000;
	s11 =	simm.s32 $0x6;
	[dreg:$0x9] =	wrdreg s20  }
0x17: {  	s7 =	simm.s32 $0xF;
	s8 =	simm.s32 $0x10;
	[dreg:$0xa] =	wrdreg s3  }
0x18: {  	[dreg:$0xb] =	wrdreg s21;
	s3 =	sadd.s32 s0, s22;
	s25 =	sadd.s32 s0, s6  }
0x19: {  	s21 =	simm.s32 $0x80;
	s22 =	simm.s32 $0x5000;
	s20 =	simm.s32 $0x4  }
0x1a: {  	s6 =	simm.s32 $0xE;
	[dreg:$0xc] =	wrdreg s3;
	s3 =	sshrl.u32 s23, $0x3  }
0x1b: {  	[dreg:$0xe] =	wrdreg s25;
	s23 =	simm.s32 $0x5800;
	s3 =	sadd.s32 s0, s3  }
0x1c: {  	s25 =	simm.s32 $0x6800;
	s0 =	sadd.s32 s0, s2;
	[dreg:$0xd] =	wrdreg s3  }
0x1d: {  	v0 =	vimm.f32 $0.0e+00;
	s2 =	simm.s32 $0x3;
	[dreg:$0xf] =	wrdreg s0;
	s0 =	simm.s32 $0x2  }
.LBB2_1:
0x1e: {  	[dreg:$0x3] =	wrdreg s18;
	s3 =	simm.s32 $0x40;
	s9 =	simm.s32 $0x0  }
.LBB2_2:
0x1f: {  	p0 =	sne.s32 s3, $0x1FC0;
	[tilespmem:s9+$0x9000] =	vst v0;
	s9 =	smov.u32 s3;
	s3 =	sadd.s32 $0x40, s3  }
.Ltmp0:
0x20: {  	(pc) =	sbr.rel @p0 .LBB2_2-.Ltmp0, $2  }
0x21: {  	_ =	sdelay $0x2  }
0x22: {  	s9 =	sshra.s32 s9, $0x2  }
0x23: {  	[tilespmem:s9+$0x9000] =	vst v0;
	s3 =	rddreg [dreg:$0x4];
	s9 =	simm.s32 $0x9000;
	s18 =	simm.s32 $0x11  }
0x24: {  	[spmem:s3] =	stream.linear.scatter [tilespmem:s9], [sflag:$0x11], $0x800, $0x38;
	[tilespmem:$0xC000] =	vst v63  }
0x25: {  	_ =	swait.ge [sflag:s18], $0x800  }
0x26: {  	[sflag:s18] =	ssyncset.done $0x0  }
0x27: {  	s19 =	rddreg [dreg:$0x5];
	[sflag:s18] =	ssyncadd.s32 $0xFFFFF800  }
0x28: {  	[spmem:s19] =	stream.linear.scatter [tilespmem:s9], [sflag:$0x11], $0x800, $0x38;
	[tilespmem:$0xC000] =	vst v63  }
0x29: {  	_ =	swait.ge [sflag:s18], $0x800  }
0x2a: {  	[sflag:s18] =	ssyncset.done $0x0  }
0x2b: {  	s19 =	rddreg [dreg:$0x6];
	[sflag:s18] =	ssyncadd.s32 $0xFFFFF800  }
0x2c: {  	[spmem:s19] =	stream.linear.scatter [tilespmem:s9], [sflag:$0x11], $0x800, $0x38;
	[tilespmem:$0xC000] =	vst v63  }
0x2d: {  	_ =	swait.ge [sflag:s18], $0x800  }
0x2e: {  	[sflag:s18] =	ssyncset.done $0x0  }
0x2f: {  	s19 =	rddreg [dreg:$0x7];
	[sflag:s18] =	ssyncadd.s32 $0xFFFFF800  }
0x30: {  	[spmem:s19] =	stream.linear.scatter [tilespmem:s9], [sflag:$0x11], $0x800, $0x38;
	[tilespmem:$0xC000] =	vst v63  }
0x31: {  	_ =	swait.ge [sflag:s18], $0x800  }
0x32: {  	[sflag:s18] =	ssyncset.done $0x0  }
0x33: {  	s19 =	rddreg [dreg:$0x8];
	[sflag:s18] =	ssyncadd.s32 $0xFFFFF800  }
0x34: {  	[spmem:s19] =	stream.linear.scatter [tilespmem:s9], [sflag:$0x11], $0x800, $0x38;
	[tilespmem:$0xC000] =	vst v63  }
0x35: {  	_ =	swait.ge [sflag:s18], $0x800  }
0x36: {  	[sflag:s18] =	ssyncset.done $0x0  }
0x37: {  	s3 =	simm.s32 $0x0;
	s19 =	rddreg [dreg:$0x9];
	[sflag:s18] =	ssyncadd.s32 $0xFFFFF800  }
0x38: {  	[tilespmem:s3], [sflag:$0x11] =	stream.linear.gather [hbm4b:s19+s3], $0x2800, $0x38;
	[tilespmem:$0xC000] =	vst v63  }
0x39: {  	_ =	swait.ge [sflag:s18], $0x2800  }
0x3a: {  	[sflag:s18] =	ssyncset.done $0x0  }
0x3b: {  	s19 =	simm.s32 $0x2800;
	s9 =	rddreg [dreg:$0xa];
	[sflag:s18] =	ssyncadd.s32 $0xFFFFD800  }
0x3c: {  	[tilespmem:s19], [sflag:$0x11] =	stream.linear.gather [hbm4b:s9+s3], $0x2800, $0x38;
	[tilespmem:$0xC000] =	vst v63  }
0x3d: {  	_ =	swait.ge [sflag:s18], $0x2800  }
0x3e: {  	[sflag:s18] =	ssyncset.done $0x0  }
0x3f: {  	[sflag:s18] =	ssyncadd.s32 $0xFFFFD800  }
0x40: {  	s19 =	simm.s32 $0x0;
	[bflag:$0x0] =	sbarrier.arrive $0xFFFF  }
0x41: {  	[tilespmem:s22], [sflag:$0x1] =	stream.indirect.gather [hbm4b:s4+s21], $0x10, s19, s21, $0xb8;
	[tilespmem:$0xC000] =	vst v63  }
0x42: {  	s9 =	simm.s32 $0x80  }
0x43: {  	[tilespmem:s23], [sflag:$0x2] =	stream.indirect.gather [hbm4b:s4+s21], $0x10, s9, s21, $0xb8;
	[tilespmem:$0xC000] =	vst v63  }
0x44: {  	s18 =	simm.s32 $0x100  }
0x45: {  	[tilespmem:s24], [sflag:$0x3] =	stream.indirect.gather [hbm4b:s4+s21], $0x10, s18, s21, $0xb8;
	[tilespmem:$0xC000] =	vst v63  }
0x46: {  	s19 =	simm.s32 $0x180  }
0x47: {  	[tilespmem:s25], [sflag:$0x4] =	stream.indirect.gather [hbm4b:s4+s21], $0x10, s19, s21, $0xb8;
	[tilespmem:$0xC000] =	vst v63  }
0x48: {  	s9 =	simm.s32 $0x200  }
0x49: {  	[tilespmem:s26], [sflag:$0x5] =	stream.indirect.gather [hbm4b:s4+s21], $0x10, s9, s21, $0xb8;
	[tilespmem:$0xC000] =	vst v63  }
0x4a: {  	s18 =	simm.s32 $0x280  }
0x4b: {  	[tilespmem:s28], [sflag:$0x6] =	stream.indirect.gather [hbm4b:s4+s21], $0x10, s18, s21, $0xb8;
	[tilespmem:$0xC000] =	vst v63  }
0x4c: {  	s19 =	simm.s32 $0x300  }
0x4d: {  	[tilespmem:s29], [sflag:$0x7] =	stream.indirect.gather [hbm4b:s4+s21], $0x10, s19, s21, $0xb8;
	[tilespmem:$0xC000] =	vst v63  }
0x4e: {  	s9 =	simm.s32 $0x380  }
0x4f: {  	[tilespmem:s30], [sflag:$0x8] =	stream.indirect.gather [hbm4b:s4+s21], $0x10, s9, s21, $0xb8;
	[tilespmem:$0xC000] =	vst v63  }
0x50: {  	_ =	swait.ge [sflag:s31], $0x800  }
0x51: {  	[sflag:s31] =	ssyncset.done $0x0  }
0x52: {  	s18 =	simm.s32 $0x2800;
	[sflag:s31] =	ssyncadd.s32 $0xFFFFF800  }
0x53: {  	[spmem:s1] =	stream.indirect.scatter.add.f32 [tilespmem:s22], [sflag:$0x9], $0x10, s18, s21, $0xb8;
	[tilespmem:$0xC000] =	vst v63  }
0x54: {  	_ =	swait.ge [sflag:s0], $0x800  }
0x55: {  	[sflag:s0] =	ssyncset.done $0x0  }
0x56: {  	s19 =	simm.s32 $0x2880;
	[sflag:s0] =	ssyncadd.s32 $0xFFFFF800  }
0x57: {  	[spmem:s1] =	stream.indirect.scatter.add.f32 [tilespmem:s23], [sflag:$0xA], $0x10, s19, s21, $0xb8;
	[tilespmem:$0xC000] =	vst v63  }
0x58: {  	_ =	swait.ge [sflag:s2], $0x800  }
0x59: {  	[sflag:s2] =	ssyncset.done $0x0  }
0x5a: {  	s9 =	simm.s32 $0x2900;
	[sflag:s2] =	ssyncadd.s32 $0xFFFFF800  }
0x5b: {  	[spmem:s1] =	stream.indirect.scatter.add.f32 [tilespmem:s24], [sflag:$0xB], $0x10, s9, s21, $0xb8;
	[tilespmem:$0xC000] =	vst v63  }
0x5c: {  	_ =	swait.ge [sflag:s20], $0x800  }
0x5d: {  	[sflag:s20] =	ssyncset.done $0x0  }
0x5e: {  	s18 =	simm.s32 $0x2980;
	[sflag:s20] =	ssyncadd.s32 $0xFFFFF800  }
0x5f: {  	[spmem:s1] =	stream.indirect.scatter.add.f32 [tilespmem:s25], [sflag:$0xC], $0x10, s18, s21, $0xb8;
	[tilespmem:$0xC000] =	vst v63  }
0x60: {  	_ =	swait.ge [sflag:s10], $0x800  }
0x61: {  	[sflag:s10] =	ssyncset.done $0x0  }
0x62: {  	s19 =	simm.s32 $0x2A00;
	[sflag:s10] =	ssyncadd.s32 $0xFFFFF800  }
0x63: {  	[spmem:s1] =	stream.indirect.scatter.add.f32 [tilespmem:s26], [sflag:$0xD], $0x10, s19, s21, $0xb8;
	[tilespmem:$0xC000] =	vst v63  }
0x64: {  	_ =	swait.ge [sflag:s11], $0x800  }
0x65: {  	[sflag:s11] =	ssyncset.done $0x0  }
0x66: {  	s9 =	simm.s32 $0x2A80;
	[sflag:s11] =	ssyncadd.s32 $0xFFFFF800  }
0x67: {  	[spmem:s1] =	stream.indirect.scatter.add.f32 [tilespmem:s28], [sflag:$0xE], $0x10, s9, s21, $0xb8;
	[tilespmem:$0xC000] =	vst v63  }
0x68: {  	_ =	swait.ge [sflag:s12], $0x800  }
0x69: {  	[sflag:s12] =	ssyncset.done $0x0  }
0x6a: {  	s18 =	simm.s32 $0x2B00;
	[sflag:s12] =	ssyncadd.s32 $0xFFFFF800  }
0x6b: {  	[spmem:s1] =	stream.indirect.scatter.add.f32 [tilespmem:s29], [sflag:$0xF], $0x10, s18, s21, $0xb8;
	[tilespmem:$0xC000] =	vst v63  }
0x6c: {  	_ =	swait.ge [sflag:s13], $0x800  }
0x6d: {  	[sflag:s13] =	ssyncset.done $0x0  }
0x6e: {  	s19 =	simm.s32 $0x2B80;
	[sflag:s13] =	ssyncadd.s32 $0xFFFFF800  }
0x6f: {  	[spmem:s1] =	stream.indirect.scatter.add.f32 [tilespmem:s30], [sflag:$0x10], $0x10, s19, s21, $0xb8;
	[tilespmem:$0xC000] =	vst v63  }
0x70: {  	_ =	swait.ge [sflag:s14], $0x800  }
0x71: {  	[sflag:s14] =	ssyncset.done $0x0  }
0x72: {  	[sflag:s14] =	ssyncadd.s32 $0xFFFFF800  }
0x73: {  	_ =	swait.ge [sflag:s15], $0x800  }
0x74: {  	[sflag:s15] =	ssyncset.done $0x0  }
0x75: {  	[sflag:s15] =	ssyncadd.s32 $0xFFFFF800  }
0x76: {  	_ =	swait.ge [sflag:s16], $0x800  }
0x77: {  	[sflag:s16] =	ssyncset.done $0x0  }
0x78: {  	[sflag:s16] =	ssyncadd.s32 $0xFFFFF800  }
0x79: {  	_ =	swait.ge [sflag:s17], $0x800  }
0x7a: {  	[sflag:s17] =	ssyncset.done $0x0  }
0x7b: {  	[sflag:s17] =	ssyncadd.s32 $0xFFFFF800  }
0x7c: {  	_ =	swait.ge [sflag:s5], $0x800  }
0x7d: {  	[sflag:s5] =	ssyncset.done $0x0  }
0x7e: {  	[sflag:s5] =	ssyncadd.s32 $0xFFFFF800  }
0x7f: {  	_ =	swait.ge [sflag:s6], $0x800  }
0x80: {  	[sflag:s6] =	ssyncset.done $0x0  }
0x81: {  	[sflag:s6] =	ssyncadd.s32 $0xFFFFF800  }
0x82: {  	_ =	swait.ge [sflag:s7], $0x800  }
0x83: {  	[sflag:s7] =	ssyncset.done $0x0  }
0x84: {  	[sflag:s7] =	ssyncadd.s32 $0xFFFFF800  }
0x85: {  	_ =	swait.ge [sflag:s8], $0x800  }
0x86: {  	s9 =	simm.s32 $0x1000;
	s18 =	simm.s32 $0x2000;
	[sflag:s8] =	ssyncset.done $0x0  }
.LBB2_4:
0x87: {  	s3 =	sshra.s32 s9, $0x2  }
0x88: {  	[sflag:s8] =	ssyncadd.s32 $0xFFFFF800;
	s9 =	smov.u32 s18;
	s19 =	sadd.s32 $0x1000, s18  }
0x89: {  	[tilespmem:s22], [sflag:$0x1] =	stream.indirect.gather [hbm4b:s4+s21], $0x10, s3, s21, $0xb8;
	[tilespmem:$0xC000] =	vst v63  }
0x8a: {  	p0 =	sne.s32 s18, $0x9000;
	s18 =	sadd.s32 $0x80, s3  }
0x8b: {  	[tilespmem:s23], [sflag:$0x2] =	stream.indirect.gather [hbm4b:s4+s21], $0x10, s18, s21, $0xb8;
	[tilespmem:$0xC000] =	vst v63  }
0x8c: {  	s18 =	sadd.s32 $0x100, s3  }
0x8d: {  	[tilespmem:s24], [sflag:$0x3] =	stream.indirect.gather [hbm4b:s4+s21], $0x10, s18, s21, $0xb8;
	[tilespmem:$0xC000] =	vst v63  }
0x8e: {  	s18 =	sadd.s32 $0x180, s3  }
0x8f: {  	[tilespmem:s25], [sflag:$0x4] =	stream.indirect.gather [hbm4b:s4+s21], $0x10, s18, s21, $0xb8;
	[tilespmem:$0xC000] =	vst v63  }
0x90: {  	s18 =	sadd.s32 $0x200, s3  }
0x91: {  	[tilespmem:s26], [sflag:$0x5] =	stream.indirect.gather [hbm4b:s4+s21], $0x10, s18, s21, $0xb8;
	[tilespmem:$0xC000] =	vst v63  }
0x92: {  	s18 =	sadd.s32 $0x280, s3  }
0x93: {  	[tilespmem:s28], [sflag:$0x6] =	stream.indirect.gather [hbm4b:s4+s21], $0x10, s18, s21, $0xb8;
	[tilespmem:$0xC000] =	vst v63  }
0x94: {  	s18 =	sadd.s32 $0x300, s3  }
0x95: {  	[tilespmem:s29], [sflag:$0x7] =	stream.indirect.gather [hbm4b:s4+s21], $0x10, s18, s21, $0xb8;
	[tilespmem:$0xC000] =	vst v63  }
0x96: {  	s18 =	sadd.s32 $0x380, s3  }
0x97: {  	[tilespmem:s30], [sflag:$0x8] =	stream.indirect.gather [hbm4b:s4+s21], $0x10, s18, s21, $0xb8;
	[tilespmem:$0xC000] =	vst v63  }
0x98: {  	_ =	swait.ge [sflag:s31], $0x800  }
0x99: {  	[sflag:s31] =	ssyncset.done $0x0  }
0x9a: {  	s18 =	sadd.s32 $0x2800, s3;
	[sflag:s31] =	ssyncadd.s32 $0xFFFFF800  }
0x9b: {  	[spmem:s1] =	stream.indirect.scatter.add.f32 [tilespmem:s22], [sflag:$0x9], $0x10, s18, s21, $0xb8;
	[tilespmem:$0xC000] =	vst v63  }
0x9c: {  	_ =	swait.ge [sflag:s0], $0x800  }
0x9d: {  	[sflag:s0] =	ssyncset.done $0x0  }
0x9e: {  	s18 =	sadd.s32 $0x2880, s3;
	[sflag:s0] =	ssyncadd.s32 $0xFFFFF800  }
0x9f: {  	[spmem:s1] =	stream.indirect.scatter.add.f32 [tilespmem:s23], [sflag:$0xA], $0x10, s18, s21, $0xb8;
	[tilespmem:$0xC000] =	vst v63  }
0xa0: {  	_ =	swait.ge [sflag:s2], $0x800  }
0xa1: {  	[sflag:s2] =	ssyncset.done $0x0  }
0xa2: {  	s18 =	sadd.s32 $0x2900, s3;
	[sflag:s2] =	ssyncadd.s32 $0xFFFFF800  }
0xa3: {  	[spmem:s1] =	stream.indirect.scatter.add.f32 [tilespmem:s24], [sflag:$0xB], $0x10, s18, s21, $0xb8;
	[tilespmem:$0xC000] =	vst v63  }
0xa4: {  	_ =	swait.ge [sflag:s20], $0x800  }
0xa5: {  	[sflag:s20] =	ssyncset.done $0x0  }
0xa6: {  	s18 =	sadd.s32 $0x2980, s3;
	[sflag:s20] =	ssyncadd.s32 $0xFFFFF800  }
0xa7: {  	[spmem:s1] =	stream.indirect.scatter.add.f32 [tilespmem:s25], [sflag:$0xC], $0x10, s18, s21, $0xb8;
	[tilespmem:$0xC000] =	vst v63  }
0xa8: {  	_ =	swait.ge [sflag:s10], $0x800  }
0xa9: {  	[sflag:s10] =	ssyncset.done $0x0  }
0xaa: {  	s18 =	sadd.s32 $0x2A00, s3;
	[sflag:s10] =	ssyncadd.s32 $0xFFFFF800  }
0xab: {  	[spmem:s1] =	stream.indirect.scatter.add.f32 [tilespmem:s26], [sflag:$0xD], $0x10, s18, s21, $0xb8;
	[tilespmem:$0xC000] =	vst v63  }
0xac: {  	_ =	swait.ge [sflag:s11], $0x800  }
0xad: {  	[sflag:s11] =	ssyncset.done $0x0  }
0xae: {  	s18 =	sadd.s32 $0x2A80, s3;
	[sflag:s11] =	ssyncadd.s32 $0xFFFFF800  }
0xaf: {  	[spmem:s1] =	stream.indirect.scatter.add.f32 [tilespmem:s28], [sflag:$0xE], $0x10, s18, s21, $0xb8;
	[tilespmem:$0xC000] =	vst v63  }
0xb0: {  	_ =	swait.ge [sflag:s12], $0x800  }
0xb1: {  	[sflag:s12] =	ssyncset.done $0x0  }
0xb2: {  	s18 =	sadd.s32 $0x2B00, s3;
	[sflag:s12] =	ssyncadd.s32 $0xFFFFF800  }
0xb3: {  	[spmem:s1] =	stream.indirect.scatter.add.f32 [tilespmem:s29], [sflag:$0xF], $0x10, s18, s21, $0xb8;
	[tilespmem:$0xC000] =	vst v63  }
0xb4: {  	_ =	swait.ge [sflag:s13], $0x800  }
0xb5: {  	[sflag:s13] =	ssyncset.done $0x0  }
0xb6: {  	s3 =	sadd.s32 $0x2B80, s3;
	[sflag:s13] =	ssyncadd.s32 $0xFFFFF800  }
0xb7: {  	[spmem:s1] =	stream.indirect.scatter.add.f32 [tilespmem:s30], [sflag:$0x10], $0x10, s3, s21, $0xb8;
	[tilespmem:$0xC000] =	vst v63  }
0xb8: {  	_ =	swait.ge [sflag:s14], $0x800  }
0xb9: {  	[sflag:s14] =	ssyncset.done $0x0  }
0xba: {  	[sflag:s14] =	ssyncadd.s32 $0xFFFFF800  }
0xbb: {  	_ =	swait.ge [sflag:s15], $0x800  }
0xbc: {  	[sflag:s15] =	ssyncset.done $0x0  }
0xbd: {  	[sflag:s15] =	ssyncadd.s32 $0xFFFFF800  }
0xbe: {  	_ =	swait.ge [sflag:s16], $0x800  }
0xbf: {  	[sflag:s16] =	ssyncset.done $0x0  }
0xc0: {  	[sflag:s16] =	ssyncadd.s32 $0xFFFFF800  }
0xc1: {  	_ =	swait.ge [sflag:s17], $0x800  }
0xc2: {  	[sflag:s17] =	ssyncset.done $0x0  }
0xc3: {  	[sflag:s17] =	ssyncadd.s32 $0xFFFFF800  }
0xc4: {  	_ =	swait.ge [sflag:s5], $0x800  }
0xc5: {  	[sflag:s5] =	ssyncset.done $0x0  }
0xc6: {  	[sflag:s5] =	ssyncadd.s32 $0xFFFFF800  }
0xc7: {  	_ =	swait.ge [sflag:s6], $0x800  }
0xc8: {  	[sflag:s6] =	ssyncset.done $0x0  }
0xc9: {  	[sflag:s6] =	ssyncadd.s32 $0xFFFFF800  }
.Ltmp1:
0xca: {  	_ =	swait.ge [sflag:s7], $0x800;
	(pc) =	sbr.rel @p0 .LBB2_4-.Ltmp1, $4  }
0xcb: {  	[sflag:s7] =	ssyncset.done $0x0  }
0xcc: {  	[sflag:s7] =	ssyncadd.s32 $0xFFFFF800  }
0xcd: {  	_ =	swait.ge [sflag:s8], $0x800  }
0xce: {  	s18 =	smov.u32 s19;
	[sflag:s8] =	ssyncset.done $0x0  }
0xcf: {  	s3 =	sshra.s32 s9, $0x2;
	[sflag:s8] =	ssyncadd.s32 $0xFFFFF800  }
0xd0: {  	[tilespmem:s22], [sflag:$0x1] =	stream.indirect.gather [hbm4b:s4+s21], $0x10, s3, s21, $0xb8;
	[tilespmem:$0xC000] =	vst v63  }
0xd1: {  	s9 =	sadd.s32 $0x80, s3  }
0xd2: {  	[tilespmem:s23], [sflag:$0x2] =	stream.indirect.gather [hbm4b:s4+s21], $0x10, s9, s21, $0xb8;
	[tilespmem:$0xC000] =	vst v63  }
0xd3: {  	s19 =	sadd.s32 $0x100, s3  }
0xd4: {  	[tilespmem:s24], [sflag:$0x3] =	stream.indirect.gather [hbm4b:s4+s21], $0x10, s19, s21, $0xb8;
	[tilespmem:$0xC000] =	vst v63  }
0xd5: {  	s18 =	sadd.s32 $0x180, s3  }
0xd6: {  	[tilespmem:s25], [sflag:$0x4] =	stream.indirect.gather [hbm4b:s4+s21], $0x10, s18, s21, $0xb8;
	[tilespmem:$0xC000] =	vst v63  }
0xd7: {  	s19 =	sadd.s32 $0x200, s3  }
0xd8: {  	[tilespmem:s26], [sflag:$0x5] =	stream.indirect.gather [hbm4b:s4+s21], $0x10, s19, s21, $0xb8;
	[tilespmem:$0xC000] =	vst v63  }
0xd9: {  	s18 =	sadd.s32 $0x280, s3  }
0xda: {  	[tilespmem:s28], [sflag:$0x6] =	stream.indirect.gather [hbm4b:s4+s21], $0x10, s18, s21, $0xb8;
	[tilespmem:$0xC000] =	vst v63  }
0xdb: {  	s19 =	sadd.s32 $0x300, s3  }
0xdc: {  	[tilespmem:s29], [sflag:$0x7] =	stream.indirect.gather [hbm4b:s4+s21], $0x10, s19, s21, $0xb8;
	[tilespmem:$0xC000] =	vst v63  }
0xdd: {  	s18 =	sadd.s32 $0x380, s3  }
0xde: {  	[tilespmem:s30], [sflag:$0x8] =	stream.indirect.gather [hbm4b:s4+s21], $0x10, s18, s21, $0xb8;
	[tilespmem:$0xC000] =	vst v63  }
0xdf: {  	_ =	swait.ge [sflag:s31], $0x800  }
0xe0: {  	[sflag:s31] =	ssyncset.done $0x0  }
0xe1: {  	s19 =	sadd.s32 $0x2800, s3;
	[sflag:s31] =	ssyncadd.s32 $0xFFFFF800  }
0xe2: {  	[spmem:s1] =	stream.indirect.scatter.add.f32 [tilespmem:s22], [sflag:$0x9], $0x10, s19, s21, $0xb8;
	[tilespmem:$0xC000] =	vst v63  }
0xe3: {  	_ =	swait.ge [sflag:s0], $0x800  }
0xe4: {  	[sflag:s0] =	ssyncset.done $0x0  }
0xe5: {  	s18 =	sadd.s32 $0x2880, s3;
	[sflag:s0] =	ssyncadd.s32 $0xFFFFF800  }
0xe6: {  	[spmem:s1] =	stream.indirect.scatter.add.f32 [tilespmem:s23], [sflag:$0xA], $0x10, s18, s21, $0xb8;
	[tilespmem:$0xC000] =	vst v63  }
0xe7: {  	_ =	swait.ge [sflag:s2], $0x800  }
0xe8: {  	[sflag:s2] =	ssyncset.done $0x0  }
0xe9: {  	s19 =	sadd.s32 $0x2900, s3;
	[sflag:s2] =	ssyncadd.s32 $0xFFFFF800  }
0xea: {  	[spmem:s1] =	stream.indirect.scatter.add.f32 [tilespmem:s24], [sflag:$0xB], $0x10, s19, s21, $0xb8;
	[tilespmem:$0xC000] =	vst v63  }
0xeb: {  	_ =	swait.ge [sflag:s20], $0x800  }
0xec: {  	[sflag:s20] =	ssyncset.done $0x0  }
0xed: {  	s18 =	sadd.s32 $0x2980, s3;
	[sflag:s20] =	ssyncadd.s32 $0xFFFFF800  }
0xee: {  	[spmem:s1] =	stream.indirect.scatter.add.f32 [tilespmem:s25], [sflag:$0xC], $0x10, s18, s21, $0xb8;
	[tilespmem:$0xC000] =	vst v63  }
0xef: {  	_ =	swait.ge [sflag:s10], $0x800  }
0xf0: {  	[sflag:s10] =	ssyncset.done $0x0  }
0xf1: {  	s19 =	sadd.s32 $0x2A00, s3;
	[sflag:s10] =	ssyncadd.s32 $0xFFFFF800  }
0xf2: {  	[spmem:s1] =	stream.indirect.scatter.add.f32 [tilespmem:s26], [sflag:$0xD], $0x10, s19, s21, $0xb8;
	[tilespmem:$0xC000] =	vst v63  }
0xf3: {  	_ =	swait.ge [sflag:s11], $0x800  }
0xf4: {  	[sflag:s11] =	ssyncset.done $0x0  }
0xf5: {  	s18 =	sadd.s32 $0x2A80, s3;
	[sflag:s11] =	ssyncadd.s32 $0xFFFFF800  }
0xf6: {  	[spmem:s1] =	stream.indirect.scatter.add.f32 [tilespmem:s28], [sflag:$0xE], $0x10, s18, s21, $0xb8;
	[tilespmem:$0xC000] =	vst v63  }
0xf7: {  	_ =	swait.ge [sflag:s12], $0x800  }
0xf8: {  	[sflag:s12] =	ssyncset.done $0x0  }
0xf9: {  	s19 =	sadd.s32 $0x2B00, s3;
	[sflag:s12] =	ssyncadd.s32 $0xFFFFF800  }
0xfa: {  	[spmem:s1] =	stream.indirect.scatter.add.f32 [tilespmem:s29], [sflag:$0xF], $0x10, s19, s21, $0xb8;
	[tilespmem:$0xC000] =	vst v63  }
0xfb: {  	_ =	swait.ge [sflag:s13], $0x800  }
0xfc: {  	[sflag:s13] =	ssyncset.done $0x0  }
0xfd: {  	s3 =	sadd.s32 $0x2B80, s3;
	[sflag:s13] =	ssyncadd.s32 $0xFFFFF800  }
0xfe: {  	[spmem:s1] =	stream.indirect.scatter.add.f32 [tilespmem:s30], [sflag:$0x10], $0x10, s3, s21, $0xb8;
	[tilespmem:$0xC000] =	vst v63  }
0xff: {  	_ =	swait.ge [sflag:s14], $0x800  }
0x100: {  	[sflag:s14] =	ssyncset.done $0x0  }
0x101: {  	[sflag:s14] =	ssyncadd.s32 $0xFFFFF800  }
0x102: {  	_ =	swait.ge [sflag:s15], $0x800  }
0x103: {  	[sflag:s15] =	ssyncset.done $0x0  }
0x104: {  	[sflag:s15] =	ssyncadd.s32 $0xFFFFF800  }
0x105: {  	_ =	swait.ge [sflag:s16], $0x800  }
0x106: {  	[sflag:s16] =	ssyncset.done $0x0  }
0x107: {  	[sflag:s16] =	ssyncadd.s32 $0xFFFFF800  }
0x108: {  	_ =	swait.ge [sflag:s17], $0x800  }
0x109: {  	[sflag:s17] =	ssyncset.done $0x0  }
0x10a: {  	[sflag:s17] =	ssyncadd.s32 $0xFFFFF800  }
0x10b: {  	_ =	swait.ge [sflag:s5], $0x800  }
0x10c: {  	[sflag:s5] =	ssyncset.done $0x0  }
0x10d: {  	[sflag:s5] =	ssyncadd.s32 $0xFFFFF800  }
0x10e: {  	_ =	swait.ge [sflag:s6], $0x800  }
0x10f: {  	[sflag:s6] =	ssyncset.done $0x0  }
0x110: {  	[sflag:s6] =	ssyncadd.s32 $0xFFFFF800  }
0x111: {  	_ =	swait.ge [sflag:s7], $0x800  }
0x112: {  	[sflag:s7] =	ssyncset.done $0x0  }
0x113: {  	[sflag:s7] =	ssyncadd.s32 $0xFFFFF800  }
0x114: {  	_ =	swait.ge [sflag:s8], $0x800  }
0x115: {  	[sflag:s8] =	ssyncset.done $0x0  }
0x116: {  	s18 =	stileid.u32;
	[sflag:s8] =	ssyncadd.s32 $0xFFFFF800  }
0x117: {  	s3 =	sshll.u32 s18, $0x6;
	[bflag:$0x0] =	sbarrier.arrive $0xFFFF  }
0x118: {  	s3 =	sor.u32 $0x1C11, s3;
	s19 =	rddreg [dreg:$0x4]  }
0x119: {  	s18 =	rddreg [dreg:$0xb];
	s9 =	sshrl.u32 s19, $0x3;
	s19 =	simm.s32 $0x11  }
0x11a: {  	[hbm:s18], [sflag:s3] =	dma.local [spmem:s9], $0x100  }
0x11b: {  	_ =	swait.ge [sflag:s19], $0x100  }
0x11c: {  	[sflag:s19] =	ssyncset.done $0x0;
	s18 =	rddreg [dreg:$0x5]  }
0x11d: {  	[sflag:s19] =	ssyncadd.s32 $0xFFFFFF00;
	s9 =	sshrl.u32 s18, $0x3;
	s18 =	rddreg [dreg:$0xc]  }
0x11e: {  	[hbm:s18], [sflag:s3] =	dma.local [spmem:s9], $0x100  }
0x11f: {  	_ =	swait.ge [sflag:s19], $0x100  }
0x120: {  	[sflag:s19] =	ssyncset.done $0x0;
	s18 =	rddreg [dreg:$0x6]  }
0x121: {  	[sflag:s19] =	ssyncadd.s32 $0xFFFFFF00;
	s9 =	sshrl.u32 s18, $0x3;
	s18 =	rddreg [dreg:$0xd]  }
0x122: {  	[hbm:s18], [sflag:s3] =	dma.local [spmem:s9], $0x100  }
0x123: {  	_ =	swait.ge [sflag:s19], $0x100  }
0x124: {  	[sflag:s19] =	ssyncset.done $0x0;
	s18 =	rddreg [dreg:$0x7]  }
0x125: {  	[sflag:s19] =	ssyncadd.s32 $0xFFFFFF00;
	s9 =	sshrl.u32 s18, $0x3;
	s18 =	rddreg [dreg:$0xe]  }
0x126: {  	[hbm:s18], [sflag:s3] =	dma.local [spmem:s9], $0x100  }
0x127: {  	_ =	swait.ge [sflag:s19], $0x100  }
0x128: {  	[sflag:s19] =	ssyncset.done $0x0;
	s18 =	rddreg [dreg:$0x8]  }
0x129: {  	[sflag:s19] =	ssyncadd.s32 $0xFFFFFF00;
	s9 =	sshrl.u32 s18, $0x3;
	s18 =	rddreg [dreg:$0xf]  }
0x12a: {  	[hbm:s18], [sflag:s3] =	dma.local [spmem:s9], $0x100  }
0x12b: {  	_ =	swait.ge [sflag:s19], $0x100  }
0x12c: {  	s3 =	rddreg [dreg:$0x3]  }
0x12d: {  	s9 =	rddreg [dreg:$0x10];
	s18 =	sadd.s32 $0x1, s3  }
0x12e: {  	p0 =	sne.s32 s18, s9  }
.Ltmp2:
0x12f: {  	_ = 	snop;
	(pc) =	sbr.rel @p0 .LBB2_1-.Ltmp2, $3  }
0x130: {  	_ =	sdelay $0x1  }
0x131: {  	[sflag:s19] =	ssyncset.done $0x0  }
0x132: {  	[sflag:s19] =	ssyncadd.s32 $0xFFFFFF00  }
0x133: {  	_ =	sfence.sel $0x180000  }
0x134: {  	[bflag:$0x0] =	sbarrier.arrive $0xFFFF  }
0x135: {  	_ =	strace $0x9000004D  }
0x136: {  	s0 =	stileid.u32;
	[bflag:$0x2] =	sbarrier.arrive $0xFFFF  }
0x137: {  	p0 =	sne.s32 s0, $0x0;
	s0 =	rddreg [dreg:$0x2]  }
0x138: {  	s0 =	sadd.s32 @!p0 $0x100000, s0  }
0x139: {  	[sflag:s0] =	ssyncadd.tile.s32 @!p0 $0x1;
	_ =	shalt  }
.Lfunc_end2:
_tile_overlayer_lowered:
.L_overlay_start_2:
0x13a: {  	(tag) =	ssettag $0x2  }
0x13b: {  	s0 =	rddreg [dreg:$0x0];
	s2 =	stileid.u32  }
0x13c: {  	s1 =	rddreg [dreg:$0x1];
	p0 =	sne.s32 s2, $0x0  }
0x13d: {  	s3 =	rddreg [dreg:$0x2];
	[bflag:$0x3] =	sbarrier.arrive $0xFFFF;
	s2 =	simm.s32 @!p0 $0x1C11  }
0x13e: {  	[timem:s3], [sflag:s2] =	dma.local @!p0 [hbm:s0], s1  }
0x13f: {  	s0 =	simm.s32 @!p0 $0x11  }
0x140: {  	_ =	swait.ge @!p0 [sflag:s0], s1  }
0x141: {  	s1 =	ssub.s32 @!p0 $0x0, s1;
	[sflag:s0] =	ssyncset.done @!p0 $0x0  }
0x142: {  	[sflag:s0] =	ssyncadd.s32 @!p0 s1  }
0x143: {  	[bflag:$0x3] =	sbarrier.arrive $0xFFFF  }
0x144: {  	_ =	shalt  }

// kernel: kernel.8.cloned.1.call-start
scs
__scs_entry_jumppad:
0x0: {  	(pc) =	sbr.rel $0x88, $3  }
0x1: {  	(tag) =	ssettag $0x0;
	lr =	simm.s32 $0x1  }
0x2: {  	[smem:$0x3F91] =	sst lr;
	_ =	strace $0xD0000000  }
0x3: {  	_ = 	snop  }
0x4: {  	_ = 	snop  }
0x5: {  	_ = 	snop  }
0x6: {  	_ = 	snop  }
0x7: {  	_ = 	snop  }
__scs_overlays_trampoline_lowered:
0x8: {  	[smem:$0x3FA0] =	sst s0  }
0x9: {  	[smem:$0x3FA1] =	sst s1  }
0xa: {  	[smem:$0x3FA2] =	sst s2  }
0xb: {  	[smem:$0x3FA3] =	sst s3  }
0xc: {  	[smem:$0x3FA4] =	sst s4  }
0xd: {  	[smem:$0x3FA5] =	sst s5  }
0xe: {  	[smem:$0x3FA6] =	sst s6  }
0xf: {  	[smem:$0x3FA7] =	sst s7  }
0x10: {  	[smem:$0x3FA8] =	sst s8  }
0x11: {  	[smem:$0x3FA9] =	sst s9;
	s0 =	simm.s32 @!p0 $0x0  }
0x12: {  	s1 =	sld [smem:$0x3F8F];
	s0 =	simm.s32 @p0 $0x1  }
0x13: {  	[smem:$0x3FAA] =	sst s0;
	s0 =	simm.s32 @!p1 $0x0  }
0x14: {  	s2 =	sld [smem:$0x3F8E];
	s0 =	simm.s32 @p1 $0x1  }
0x15: {  	[smem:$0x3FAB] =	sst s0;
	s0 =	simm.s32 @!p2 $0x0  }
0x16: {  	s3 =	sld [smem:$0x3FDB];
	s0 =	simm.s32 @p2 $0x1  }
0x17: {  	s4 =	simm.s32 $0x1BF5;
	[smem:$0x3FAD] =	sst s0  }
0x18: {  	s0 =	sld [smem:$0x3F90];
	_ =	swait.ge [sflag:s4], $0x0  }
0x19: {  	s7 =	sld [smem:$0x3F91]  }
0x1a: {  	s8 =	sadd.s32 $0xFFFFE003, lr  }
0x1b: {  	s9 =	sadd.s32 $0xFFFFFEF7, lr;
	s5 =	simm.s32 $0xFFFFFFFF;
	p2 =	slt.u32 s8, $0xFFFFF086  }
0x1c: {  	p1 =	slt.u32 s9, $0xF7A;
	s5 =	simm.s32 @!p2 $0x0  }
0x1d: {  	s5 =	simm.s32 @p1 $0x1;
	p0 =	seq.s32 s7, s2  }
0x1e: {  	s7 =	smul.u32 @!p0 $0xF7A, s2;
	p2 =	seq.s32 @!p0 s5, $0x0  }
0x1f: {  	s9 =	smul.u32 $0xF7A, s1;
	s8 =	simm.s32 @!p0 $0x1BF5;
	p2 =	por !p2, p0  }
0x20: {  	[sflag:s8] =	ssyncset.s32 @!p0 $0xFFFFF086;
	s6 =	sadd.s32 @!p0 s3, s7;
	s7 =	simm.s32 @!p0 $0x108  }
0x21: {  	s3 =	sadd.s32 s3, s9;
	s6 =	sadd.s32 @!p0 $0x88, s6;
	s7 =	simm.s32 @p2 $0x1082  }
0x22: {  	[simem:s7], [sflag:s8] =	dma.local @!p0 [hbm:s6], $0xF7A  }
0x23: {  	s9 =	sor.u32 $0xD0000000, s2;
	s6 =	simm.s32 $0x108;
	_ =	swait.ge @!p0 [sflag:s8], $0x0  }
0x24: {  	s3 =	sadd.s32 $0x88, s3;
	s6 =	simm.s32 @!p1 $0x1082;
	[sflag:s4] =	ssyncset.s32 $0xFFFFF086  }
0x25: {  	[simem:s6], [sflag:s4] =	dma.local [hbm:s3], $0xF7A  }
0x26: {  	[smem:$0x3F91] =	sst s1;
	(tag) =	ssettag s2;
	_ =	strace s9  }
0x27: {  	s1 =	sld [smem:$0x3FA1]  }
0x28: {  	s2 =	sld [smem:$0x3FA2]  }
0x29: {  	s4 =	sld [smem:$0x3FA4]  }
0x2a: {  	p0 =	seq.s32 s5, $0x0;
	s5 =	sld [smem:$0x3FA5]  }
0x2b: {  	s6 =	sld [smem:$0x3FA6]  }
0x2c: {  	s7 =	sld [smem:$0x3FA7]  }
0x2d: {  	s3 =	simm.s32 $0x108;
	s8 =	sld [smem:$0x3FA8]  }
0x2e: {  	s3 =	simm.s32 @!p0 $0x1082;
	s9 =	sld [smem:$0x3FA9]  }
0x2f: {  	lr =	sadd.s32 s0, s3;
	s0 =	sld [smem:$0x3FA0]  }
0x30: {  	s3 =	sld [smem:$0x3FA3]  }
0x31: {  	[smem:$0x3FAC] =	sst s10  }
0x32: {  	s10 =	sld [smem:$0x3FAA];
	_ =	sdelay $0x3  }
0x33: {  	p0 =	seq.s32 s10, $0x1;
	s10 =	sld [smem:$0x3FAC];
	_ =	sdelay $0x3  }
0x34: {  	[smem:$0x3FAC] =	sst s10  }
0x35: {  	s10 =	sld [smem:$0x3FAB];
	_ =	sdelay $0x3  }
0x36: {  	p1 =	seq.s32 s10, $0x1;
	s10 =	sld [smem:$0x3FAC];
	_ =	sdelay $0x3  }
0x37: {  	[smem:$0x3FAC] =	sst s10  }
0x38: {  	s10 =	sld [smem:$0x3FAD]  }
0x39: {  	_ = 	snop;
	(pc) =	sbr.ind lr, $3  }
0x3a: {  	_ = 	snop  }
0x3b: {  	_ = 	snop  }
0x3c: {  	p2 =	seq.s32 s10, $0x1;
	s10 =	sld [smem:$0x3FAC]  }
0x3d: {  	_ =	shalt  }
0x3e: {  	_ =	shalt  }
0x3f: {  	_ =	shalt  }
0x40: {  	_ =	shalt  }
0x41: {  	_ =	shalt  }
0x42: {  	_ =	shalt  }
0x43: {  	_ =	shalt  }
0x44: {  	_ =	shalt  }
0x45: {  	_ =	shalt  }
0x46: {  	_ =	shalt  }
0x47: {  	_ =	shalt  }
0x48: {  	_ =	shalt  }
0x49: {  	_ =	shalt  }
0x4a: {  	_ =	shalt  }
0x4b: {  	_ =	shalt  }
0x4c: {  	_ =	shalt  }
0x4d: {  	_ =	shalt  }
0x4e: {  	_ =	shalt  }
0x4f: {  	_ =	shalt  }
0x50: {  	_ =	shalt  }
0x51: {  	_ =	shalt  }
0x52: {  	_ =	shalt  }
0x53: {  	_ =	shalt  }
0x54: {  	_ =	shalt  }
0x55: {  	_ =	shalt  }
0x56: {  	_ =	shalt  }
0x57: {  	_ =	shalt  }
0x58: {  	_ =	shalt  }
0x59: {  	_ =	shalt  }
0x5a: {  	_ =	shalt  }
0x5b: {  	_ =	shalt  }
0x5c: {  	_ =	shalt  }
0x5d: {  	_ =	shalt  }
0x5e: {  	_ =	shalt  }
0x5f: {  	_ =	shalt  }
0x60: {  	_ =	shalt  }
0x61: {  	_ =	shalt  }
0x62: {  	_ =	shalt  }
0x63: {  	_ =	shalt  }
0x64: {  	_ =	shalt  }
0x65: {  	_ =	shalt  }
0x66: {  	_ =	shalt  }
0x67: {  	_ =	shalt  }
0x68: {  	_ =	shalt  }
0x69: {  	_ =	shalt  }
0x6a: {  	_ =	shalt  }
0x6b: {  	_ =	shalt  }
0x6c: {  	_ =	shalt  }
0x6d: {  	_ =	shalt  }
0x6e: {  	_ =	shalt  }
0x6f: {  	_ =	shalt  }
0x70: {  	_ =	shalt  }
0x71: {  	_ =	shalt  }
0x72: {  	_ =	shalt  }
0x73: {  	_ =	shalt  }
0x74: {  	_ =	shalt  }
0x75: {  	_ =	shalt  }
0x76: {  	_ =	shalt  }
0x77: {  	_ =	shalt  }
0x78: {  	_ =	shalt  }
0x79: {  	_ =	shalt  }
0x7a: {  	_ =	shalt  }
0x7b: {  	_ =	shalt  }
0x7c: {  	_ =	shalt  }
0x7d: {  	_ =	shalt  }
0x7e: {  	_ =	shalt  }
0x7f: {  	_ =	shalt  }
0x80: {  	_ =	shalt  }
0x81: {  	_ =	shalt  }
0x82: {  	_ =	shalt  }
0x83: {  	_ =	shalt  }
0x84: {  	_ =	shalt  }
0x85: {  	_ =	shalt  }
0x86: {  	_ =	shalt  }
0x87: {  	_ =	shalt  }
.Lfunc_end0:
.L_simem_size_0:
called_computation_lowered:
.L_overlay_start_0:
0x88: {  	s2 =	sld [smem:$0x3FD9]  }
0x89: {  	s3 =	sld [smem:$0x3FFE];
	_ =	sdelay $0x1  }
0x8a: {  	s1 =	srdreg.scid  }
0x8b: {  	s0 =	sand.u32 $0x1, s1  }
0x8c: {  	s16 =	sshll.u32 s0, $0xA;
	s2 =	sadd.s32 s3, s2  }
0x8d: {  	s2 =	sadd.s32 s2, s16  }
0x8e: {  	[smem:$0x3FB8] =	sst s2  }
0x8f: {  	_ = 	snop  }
0x90: {  	(tm) =	ssettm $0x1  }
0x91: {  	s17 =	sld [smem:$0x3FFB];
	_ =	sdelay $0x3  }
0x92: {  	_ =	strace s17  }
0x93: {  	s2 =	sld [smem:$0x3FFC];
	_ =	sdelay $0x3  }
0x94: {  	_ =	strace s2  }
0x95: {  	s2 =	sld [smem:$0x3FFD];
	_ =	sdelay $0x3  }
0x96: {  	_ =	strace s2  }
0x97: {  	_ =	strace $0x8FFFFFFF  }
0x98: {  	s18 =	sld [smem:$0x3FDB];
	_ =	sdelay $0x1  }
0x99: {  	s19 =	simm.s32 $_scs_section_size  }
0x9a: {  	s4 =	simm.s32 $_size__tile_overlayer_lowered;
	s5 =	simm.s32 $_tile_overlayer_lowered  }
0x9b: {  	s22 =	simm.s32 $0x1BFF;
	s21 =	sshll.u32 s5, $0x1;
	s2 =	sadd.s32 s19, s18  }
0x9c: {  	s6 =	simm.s32 $0x0;
	s20 =	sshll.u32 s4, $0x1;
	s4 =	sadd.s32 s21, s2  }
0x9d: {  	[timem:s6], [sflag:s22] =	dma.local [hbm:s4], s20  }
0x9e: {  	_ =	swait.ge [sflag:s22], s20  }
0x9f: {  	s3 =	ssub.s32 $0x0, s20;
	[sflag:s22] =	ssyncset.done $0x0  }
0xa0: {  	[sflag:s22] =	ssyncadd.s32 s3;
	_ =	sdelay $0x1  }
0xa1: {  	s23 =	simm.s32 $0x1B8B  }
0xa2: {  	_ =	swait.ge [sflag:s23], $0x1  }
0xa3: {  	[sflag:s23] =	ssyncset.done $0x0  }
0xa4: {  	s25 =	simm.s32 $0x1B8E;
	s24 =	sld [smem:$0x3FFE];
	[sflag:s23] =	ssyncadd.s32 $0xFFFFFFFF  }
0xa5: {  	s26 =	simm.s32 $execute0_lowered;
	[smem:$0x3FD2] =	sst s25  }
0xa6: {  	s4 =	sshll.u32 s26, $0x1;
	_ =	strace $0x80000046;
	[dreg:$0x1] =	wrdreg $0xFFFFFFFF  }
0xa7: {  	s28 =	simm.s32 $_size_execute0_lowered;
	s2 =	sadd.s32 s2, s4;
	[dreg:$0x0] =	wrdreg $0x0  }
0xa8: {  	s4 =	sshll.u32 s28, $0x1;
	[dreg:$0x2] =	wrdreg s2  }
0xa9: {  	[dreg:$0x3] =	wrdreg s4  }
0xaa: {  	[dreg:$0x4] =	wrdreg $0xC0  }
0xab: {  	_ =	task [dreg:s6], $0x5FFFF  }
0xac: {  	[dreg:$0x1] =	wrdreg $0xFFFFFFFF  }
0xad: {  	[dreg:$0x0] =	wrdreg $0x60  }
0xae: {  	[dreg:$0x2] =	wrdreg s24  }
0xaf: {  	[dreg:$0x3] =	wrdreg $0x38000  }
0xb0: {  	[dreg:$0x4] =	wrdreg $0x9  }
0xb1: {  	_ =	task.clear_ibuf [dreg:s6], $0x5FFFF;
	_ =	strace $0x90000046  }
0xb2: {  	s29 =	simm.s32 $0x9;
	_ =	strace $0x80000048  }
0xb3: {  	_ =	swait.ge [sflag:s29], $0x1  }
0xb4: {  	[sflag:s29] =	ssyncadd.s32 $0xFFFFFFFF  }
0xb5: {  	_ =	strace $0x90000048  }
0xb6: {  	_ =	sfence  }
0xb7: {  	s30 =	sld [smem:$0x0];
	_ =	sdelay $0x2  }
0xb8: {  	s31 =	sshll.u32 s1, $0xD;
	s1 =	sshrl.u32 s1, $0x2  }
0xb9: {  	s3 =	sand.u32 $0x4000, s31;
	s1 =	sadd.s32 s1, s30  }
0xba: {  	s0 =	sor.u32 s3, s0;
	s1 =	sshll.u32 s1, $0x11  }
0xbb: {  	s0 =	sor.u32 s1, s0  }
0xbc: {  	s0 =	sadd.s32 $0x8F2B, s0  }
0xbd: {  	[sflag:s0] =	ssyncadd.remote.s32 $0x1  }
0xbe: {  	_ =	sfence.sel $0xFFFF  }
0xbf: {  	[dreg:$0x0] =	wrdreg $0xFFFFFFFF;
	(pc) =	sbr.abs _section_cstart, $3  }
0xc0: {  	[dreg:$0x1] =	wrdreg $0xFFFFFFFF  }
0xc1: {  	_ =	task.clear_ibuf [dreg:s6], $0x2FFFF;
	_ =	strace $0x9FFFFFFF  }
0xc2: {  	(tm) =	ssettm $0x7FFFFFFF  }
0xc3: {  	_ =	shalt  }
tec
execute0_lowered:
.L_overlay_start_1:
0x0: {  	(tag) =	ssettag $0x1  }
0x1: {  	s0 =	srdreg.scid;
	s4 =	rddreg [dreg:$0x0]  }
0x2: {  	s2 =	rddreg [dreg:$0x1];
	s1 =	stileid.u32;
	s3 =	simm.s32 $0x0  }
0x3: {  	s19 =	simm.s32 $0x2800;
	s20 =	simm.s32 $0x1;
	s21 =	simm.s32 $0x2  }
0x4: {  	s22 =	simm.s32 $0x3;
	s5 =	sand.u32 $0x1, s0;
	s0 =	rddreg [dreg:$0x2]  }
0x5: {  	s23 =	simm.s32 $0x4;
	[smem:$0x7FF] =	sst s3;
	s8 =	smul.u32 $0x2800, s1  }
0x6: {  	s14 =	sadd.s32 $0x1C400, s4;
	s6 =	sshll.u32 s5, $0x4;
	_ =	strace $0x80000047  }
0x7: {  	s7 =	ssub.s32 $0x2, s5;
	s16 =	smul.u32 $0x28000, s5;
	s6 =	sor.u32 s1, s6  }
0x8: {  	s31 =	sshrl.u32 s7, $0x1;
	s10 =	sadd.s32 $0x800, s8;
	s12 =	sadd.s32 $0x1000, s8  }
0x9: {  	s13 =	sadd.s32 $0x1800, s8;
	s17 =	sadd.s32 $0x2000, s8;
	s6 =	smul.u32 $0x500, s6  }
0xa: {  	s15 =	ssub.s32 s7, s31;
	s5 =	sadd.s32 s10, s2;
	s7 =	sadd.s32 s13, s2  }
0xb: {  	s11 =	sadd.s32 s8, s16;
	s10 =	sadd.s32 s16, s10;
	s13 =	sadd.s32 s16, s13  }
0xc: {  	s11 =	sshrl.u32 s11, $0x3;
	s18 =	sshrl.u32 s10, $0x3;
	s13 =	sshrl.u32 s13, $0x3  }
0xd: {  	s15 =	smax.u32 s15, $0x1;
	s9 =	sadd.s32 s6, s4;
	s4 =	sadd.s32 s8, s2  }
0xe: {  	s6 =	sadd.s32 s12, s2;
	s8 =	sadd.s32 s17, s2;
	s10 =	sadd.s32 s14, s11  }
0xf: {  	s11 =	sadd.s32 s14, s18;
	s12 =	sadd.s32 s16, s12;
	s16 =	sadd.s32 s16, s17  }
0x10: {  	s13 =	sadd.s32 s14, s13;
	s17 =	simm.s32 $0x5;
	s18 =	simm.s32 $0x80  }
0x11: {  	s9 =	sadd.s32 $0x12400, s9;
	s12 =	sshrl.u32 s12, $0x3;
	s16 =	sshrl.u32 s16, $0x3  }
0x12: {  	v0 =	vimm.f32 $0.0e+00;
	v1 =	vimm.f32 $1.000000000e+00;
	s12 =	sadd.s32 s14, s12;
	s14 =	sadd.s32 s14, s16;
	s16 =	simm.s32 $0x3000  }
.LBB2_1:
0x13: {  	s24 =	simm.s32 $0x0  }
.LBB2_2:
0x14: {  	p0 =	sne.s32 s24, $0x1FC0  }
.Ltmp0:
0x15: {  	_ = 	snop;
	(pc) =	sbr.rel @p0 .LBB2_2-.Ltmp0, $3  }
0x16: {  	_ =	sdelay $0x1  }
0x17: {  	s25 =	sshra.s32 s24, $0x2  }
0x18: {  	s24 =	sadd.s32 $0x40, s24;
	[tilespmem:s25+$0x3000] =	vst v0  }
0x19: {  	s24 =	simm.s32 $0x40;
	s25 =	simm.s32 $0x0  }
.LBB2_4:
0x1a: {  	p0 =	sne.s32 s24, $0x1FC0;
	[tilespmem:s25+$0x2800] =	vst v1;
	s25 =	smov.u32 s24;
	s24 =	sadd.s32 $0x40, s24  }
.Ltmp1:
0x1b: {  	(pc) =	sbr.rel @p0 .LBB2_4-.Ltmp1, $2  }
0x1c: {  	_ =	sdelay $0x2  }
0x1d: {  	s25 =	sshra.s32 s25, $0x2  }
0x1e: {  	[tilespmem:s25+$0x2800] =	vst v1  }
0x1f: {  	[spmem:s4] =	stream.linear.scatter [tilespmem:s16], [sflag:$0x5], $0x800, $0x38;
	[tilespmem:$0x6000] =	vst v63  }
0x20: {  	_ =	swait.ge [sflag:s17], $0x800  }
0x21: {  	[sflag:s17] =	ssyncset.done $0x0  }
0x22: {  	[sflag:s17] =	ssyncadd.s32 $0xFFFFF800  }
0x23: {  	[spmem:s5] =	stream.linear.scatter [tilespmem:s16], [sflag:$0x5], $0x800, $0x38;
	[tilespmem:$0x6000] =	vst v63  }
0x24: {  	_ =	swait.ge [sflag:s17], $0x800  }
0x25: {  	[sflag:s17] =	ssyncset.done $0x0  }
0x26: {  	[sflag:s17] =	ssyncadd.s32 $0xFFFFF800  }
0x27: {  	[spmem:s6] =	stream.linear.scatter [tilespmem:s16], [sflag:$0x5], $0x800, $0x38;
	[tilespmem:$0x6000] =	vst v63  }
0x28: {  	_ =	swait.ge [sflag:s17], $0x800  }
0x29: {  	[sflag:s17] =	ssyncset.done $0x0  }
0x2a: {  	[sflag:s17] =	ssyncadd.s32 $0xFFFFF800  }
0x2b: {  	[spmem:s7] =	stream.linear.scatter [tilespmem:s16], [sflag:$0x5], $0x800, $0x38;
	[tilespmem:$0x6000] =	vst v63  }
0x2c: {  	_ =	swait.ge [sflag:s17], $0x800  }
0x2d: {  	[sflag:s17] =	ssyncset.done $0x0  }
0x2e: {  	[sflag:s17] =	ssyncadd.s32 $0xFFFFF800  }
0x2f: {  	[spmem:s8] =	stream.linear.scatter [tilespmem:s16], [sflag:$0x5], $0x800, $0x38;
	[tilespmem:$0x6000] =	vst v63  }
0x30: {  	_ =	swait.ge [sflag:s17], $0x800  }
0x31: {  	[sflag:s17] =	ssyncset.done $0x0  }
0x32: {  	s24 =	simm.s32 $0x0;
	[sflag:s17] =	ssyncadd.s32 $0xFFFFF800  }
0x33: {  	[tilespmem:s24], [sflag:$0x5] =	stream.linear.gather [hbm4b:s9+s24], $0x2800, $0x38;
	[tilespmem:$0x6000] =	vst v63  }
0x34: {  	_ =	swait.ge [sflag:s17], $0x2800  }
0x35: {  	[sflag:s17] =	ssyncset.done $0x0  }
0x36: {  	[sflag:s17] =	ssyncadd.s32 $0xFFFFD800  }
0x37: {  	s28 =	simm.s32 $0x0;
	[bflag:$0x0] =	sbarrier.arrive $0xFFFF  }
0x38: {  	[spmem:s2] =	stream.indirect.scatter.add.f32 [tilespmem:s19], [sflag:$0x1], $0x10, s28, s18, $0xb8;
	[tilespmem:$0x6000] =	vst v63  }
0x39: {  	s29 =	simm.s32 $0x80  }
0x3a: {  	[spmem:s2] =	stream.indirect.scatter.add.f32 [tilespmem:s19], [sflag:$0x2], $0x10, s29, s18, $0xb8;
	[tilespmem:$0x6000] =	vst v63  }
0x3b: {  	s30 =	simm.s32 $0x100  }
0x3c: {  	[spmem:s2] =	stream.indirect.scatter.add.f32 [tilespmem:s19], [sflag:$0x3], $0x10, s30, s18, $0xb8;
	[tilespmem:$0x6000] =	vst v63  }
0x3d: {  	s31 =	simm.s32 $0x180  }
0x3e: {  	[spmem:s2] =	stream.indirect.scatter.add.f32 [tilespmem:s19], [sflag:$0x4], $0x10, s31, s18, $0xb8;
	[tilespmem:$0x6000] =	vst v63  }
0x3f: {  	_ =	swait.ge [sflag:s20], $0x800  }
0x40: {  	[sflag:s20] =	ssyncset.done $0x0  }
0x41: {  	[sflag:s20] =	ssyncadd.s32 $0xFFFFF800  }
0x42: {  	_ =	swait.ge [sflag:s21], $0x800  }
0x43: {  	[sflag:s21] =	ssyncset.done $0x0  }
0x44: {  	[sflag:s21] =	ssyncadd.s32 $0xFFFFF800  }
0x45: {  	_ =	swait.ge [sflag:s22], $0x800  }
0x46: {  	[sflag:s22] =	ssyncset.done $0x0  }
0x47: {  	[sflag:s22] =	ssyncadd.s32 $0xFFFFF800  }
0x48: {  	_ =	swait.ge [sflag:s23], $0x800  }
0x49: {  	s25 =	simm.s32 $0x1000;
	s24 =	simm.s32 $0x800;
	[sflag:s23] =	ssyncset.done $0x0  }
.LBB2_6:
0x4a: {  	s26 =	sshra.s32 s24, $0x2  }
0x4b: {  	[sflag:s23] =	ssyncadd.s32 $0xFFFFF800;
	s24 =	smov.u32 s25;
	s28 =	sadd.s32 $0x800, s25  }
0x4c: {  	[spmem:s2] =	stream.indirect.scatter.add.f32 [tilespmem:s19], [sflag:$0x1], $0x10, s26, s18, $0xb8;
	[tilespmem:$0x6000] =	vst v63  }
0x4d: {  	p0 =	sne.s32 s25, $0x9800;
	s25 =	sadd.s32 $0x80, s26  }
0x4e: {  	[spmem:s2] =	stream.indirect.scatter.add.f32 [tilespmem:s19], [sflag:$0x2], $0x10, s25, s18, $0xb8;
	[tilespmem:$0x6000] =	vst v63  }
0x4f: {  	s25 =	sadd.s32 $0x100, s26  }
0x50: {  	[spmem:s2] =	stream.indirect.scatter.add.f32 [tilespmem:s19], [sflag:$0x3], $0x10, s25, s18, $0xb8;
	[tilespmem:$0x6000] =	vst v63  }
0x51: {  	s25 =	sadd.s32 $0x180, s26  }
0x52: {  	[spmem:s2] =	stream.indirect.scatter.add.f32 [tilespmem:s19], [sflag:$0x4], $0x10, s25, s18, $0xb8;
	[tilespmem:$0x6000] =	vst v63  }
0x53: {  	_ =	swait.ge [sflag:s20], $0x800  }
0x54: {  	[sflag:s20] =	ssyncset.done $0x0  }
0x55: {  	[sflag:s20] =	ssyncadd.s32 $0xFFFFF800  }
0x56: {  	_ =	swait.ge [sflag:s21], $0x800  }
0x57: {  	[sflag:s21] =	ssyncset.done $0x0  }
0x58: {  	[sflag:s21] =	ssyncadd.s32 $0xFFFFF800  }
.Ltmp2:
0x59: {  	_ =	swait.ge [sflag:s22], $0x800;
	(pc) =	sbr.rel @p0 .LBB2_6-.Ltmp2, $4  }
0x5a: {  	[sflag:s22] =	ssyncset.done $0x0  }
0x5b: {  	[sflag:s22] =	ssyncadd.s32 $0xFFFFF800  }
0x5c: {  	_ =	swait.ge [sflag:s23], $0x800  }
0x5d: {  	s25 =	smov.u32 s28;
	[sflag:s23] =	ssyncset.done $0x0  }
0x5e: {  	s24 =	sshra.s32 s24, $0x2;
	[sflag:s23] =	ssyncadd.s32 $0xFFFFF800  }
0x5f: {  	[spmem:s2] =	stream.indirect.scatter.add.f32 [tilespmem:s19], [sflag:$0x1], $0x10, s24, s18, $0xb8;
	[tilespmem:$0x6000] =	vst v63  }
0x60: {  	s25 =	sadd.s32 $0x80, s24  }
0x61: {  	[spmem:s2] =	stream.indirect.scatter.add.f32 [tilespmem:s19], [sflag:$0x2], $0x10, s25, s18, $0xb8;
	[tilespmem:$0x6000] =	vst v63  }
0x62: {  	s31 =	sadd.s32 $0x100, s24  }
0x63: {  	[spmem:s2] =	stream.indirect.scatter.add.f32 [tilespmem:s19], [sflag:$0x3], $0x10, s31, s18, $0xb8;
	[tilespmem:$0x6000] =	vst v63  }
0x64: {  	s24 =	sadd.s32 $0x180, s24  }
0x65: {  	[spmem:s2] =	stream.indirect.scatter.add.f32 [tilespmem:s19], [sflag:$0x4], $0x10, s24, s18, $0xb8;
	[tilespmem:$0x6000] =	vst v63  }
0x66: {  	_ =	swait.ge [sflag:s20], $0x800  }
0x67: {  	[sflag:s20] =	ssyncset.done $0x0  }
0x68: {  	[sflag:s20] =	ssyncadd.s32 $0xFFFFF800  }
0x69: {  	_ =	swait.ge [sflag:s21], $0x800  }
0x6a: {  	[sflag:s21] =	ssyncset.done $0x0  }
0x6b: {  	[sflag:s21] =	ssyncadd.s32 $0xFFFFF800  }
0x6c: {  	_ =	swait.ge [sflag:s22], $0x800  }
0x6d: {  	[sflag:s22] =	ssyncset.done $0x0  }
0x6e: {  	[sflag:s22] =	ssyncadd.s32 $0xFFFFF800  }
0x6f: {  	_ =	swait.ge [sflag:s23], $0x800  }
0x70: {  	[sflag:s23] =	ssyncset.done $0x0  }
0x71: {  	s25 =	sshll.u32 s1, $0x6;
	[sflag:s23] =	ssyncadd.s32 $0xFFFFF800  }
0x72: {  	s26 =	sshrl.u32 s4, $0x3;
	s24 =	sor.u32 $0x1C05, s25;
	[bflag:$0x0] =	sbarrier.arrive $0xFFFF  }
0x73: {  	[hbm:s10], [sflag:s24] =	dma.local [spmem:s26], $0x100  }
0x74: {  	_ =	swait.ge [sflag:s17], $0x100  }
0x75: {  	[sflag:s17] =	ssyncset.done $0x0  }
0x76: {  	s28 =	sshrl.u32 s5, $0x3;
	[sflag:s17] =	ssyncadd.s32 $0xFFFFFF00  }
0x77: {  	[hbm:s11], [sflag:s24] =	dma.local [spmem:s28], $0x100  }
0x78: {  	_ =	swait.ge [sflag:s17], $0x100  }
0x79: {  	[sflag:s17] =	ssyncset.done $0x0  }
0x7a: {  	s29 =	sshrl.u32 s6, $0x3;
	[sflag:s17] =	ssyncadd.s32 $0xFFFFFF00  }
0x7b: {  	[hbm:s12], [sflag:s24] =	dma.local [spmem:s29], $0x100  }
0x7c: {  	_ =	swait.ge [sflag:s17], $0x100  }
0x7d: {  	[sflag:s17] =	ssyncset.done $0x0  }
0x7e: {  	s30 =	sshrl.u32 s7, $0x3;
	[sflag:s17] =	ssyncadd.s32 $0xFFFFFF00  }
0x7f: {  	[hbm:s13], [sflag:s24] =	dma.local [spmem:s30], $0x100  }
0x80: {  	s3 =	sadd.s32 $0x1, s3;
	_ =	swait.ge [sflag:s17], $0x100  }
0x81: {  	p0 =	sne.s32 s3, s15;
	[sflag:s17] =	ssyncset.done $0x0  }
.Ltmp3:
0x82: {  	s31 =	sshrl.u32 s8, $0x3;
	[sflag:s17] =	ssyncadd.s32 $0xFFFFFF00;
	(pc) =	sbr.rel @p0 .LBB2_1-.Ltmp3, $4  }
0x83: {  	[hbm:s14], [sflag:s24] =	dma.local [spmem:s31], $0x100  }
0x84: {  	_ =	swait.ge [sflag:s17], $0x100  }
0x85: {  	[sflag:s17] =	ssyncset.done $0x0  }
0x86: {  	[sflag:s17] =	ssyncadd.s32 $0xFFFFFF00  }
0x87: {  	_ =	sfence.sel $0x180000  }
0x88: {  	[bflag:$0x0] =	sbarrier.arrive $0xFFFF  }
0x89: {  	p0 =	sne.s32 s1, $0x0;
	_ =	strace $0x90000047  }
0x8a: {  	s0 =	sadd.s32 @!p0 $0x100000, s0;
	[bflag:$0x2] =	sbarrier.arrive $0xFFFF  }
0x8b: {  	[sflag:s0] =	ssyncadd.tile.s32 @!p0 $0x1;
	_ =	shalt  }
.Lfunc_end2:
_tile_overlayer_lowered:
.L_overlay_start_2:
0x8c: {  	(tag) =	ssettag $0x2  }
0x8d: {  	s0 =	rddreg [dreg:$0x0];
	s2 =	stileid.u32  }
0x8e: {  	s1 =	rddreg [dreg:$0x1];
	p0 =	sne.s32 s2, $0x0  }
0x8f: {  	s3 =	rddreg [dreg:$0x2];
	[bflag:$0x3] =	sbarrier.arrive $0xFFFF;
	s2 =	simm.s32 @!p0 $0x1C05  }
0x90: {  	[timem:s3], [sflag:s2] =	dma.local @!p0 [hbm:s0], s1  }
0x91: {  	s0 =	simm.s32 @!p0 $0x5  }
0x92: {  	_ =	swait.ge @!p0 [sflag:s0], s1  }
0x93: {  	s1 =	ssub.s32 @!p0 $0x0, s1;
	[sflag:s0] =	ssyncset.done @!p0 $0x0  }
0x94: {  	[sflag:s0] =	ssyncadd.s32 @!p0 s1  }
0x95: {  	[bflag:$0x3] =	sbarrier.arrive $0xFFFF  }
0x96: {  	_ =	shalt  }

</sc_bundles>
